<compile_context>
chip_gen: v7x
topology: tpu7x:2x2x1
jax: 0.10.2.dev20260603
libtpu: 0.0.44.dev20260713+nightly
codegen_flags: <defaults>
</compile_context>

<pallas_src>
import functools

import jax
import jax.numpy as jnp
from jax import lax
from jax.experimental import pallas as pl
from jax.experimental.pallas import tpu as pltpu
from jax.experimental.pallas import tpu_sc as plsc

_K = 16
_EPS = 1e-8
_N = 2048
_R = 256
_SWEEPS = 5


def _jacobi3_min_eigvec(a00, a11, a22, a01, a02, a12):
    A = [[a00, a01, a02], [a01, a11, a12], [a02, a12, a22]]
    one = jnp.ones_like(a00)
    zero = jnp.zeros_like(a00)
    V = [[one, zero, zero], [zero, one, zero], [zero, zero, one]]
    for _ in range(_SWEEPS):
        for (p, q) in ((0, 2), (1, 2), (0, 1)):
            app, aqq, apq = A[p][p], A[q][q], A[p][q]
            nz = apq != 0.0
            tau = (aqq - app) / (2.0 * apq)
            sgn = jnp.where(tau >= 0.0, 1.0, -1.0)
            t = jnp.where(nz, sgn / (jnp.abs(tau) + jnp.sqrt(1.0 + tau * tau)), 0.0)
            c = jax.lax.rsqrt(1.0 + t * t)
            s = t * c
            r = 3 - p - q
            arp, arq = A[r][p], A[r][q]
            new_app = c * (c * app - s * apq) - s * (c * apq - s * aqq)
            new_aqq = s * (s * app + c * apq) + c * (s * apq + c * aqq)
            new_apq = c * s * (app - aqq) + (c * c - s * s) * apq
            new_arp = c * arp - s * arq
            new_arq = s * arp + c * arq
            A[p][p] = new_app
            A[q][q] = new_aqq
            A[p][q] = new_apq
            A[q][p] = new_apq
            A[r][p] = new_arp
            A[p][r] = new_arp
            A[r][q] = new_arq
            A[q][r] = new_arq
            for i in range(3):
                vip, viq = V[i][p], V[i][q]
                V[i][p] = c * vip - s * viq
                V[i][q] = s * vip + c * viq
    w0, w1, w2 = A[0][0], A[1][1], A[2][2]
    sel0 = (w0 <= w1) & (w0 <= w2)
    sel1 = jnp.logical_not(sel0) & (w1 <= w2)
    nx = jnp.where(sel0, V[0][0], jnp.where(sel1, V[0][1], V[0][2]))
    ny = jnp.where(sel0, V[1][0], jnp.where(sel1, V[1][1], V[1][2]))
    nz_ = jnp.where(sel0, V[2][0], jnp.where(sel1, V[2][1], V[2][2]))
    return nx, ny, nz_


def _normals_for_cloud(xt, rt):
    x, y, z = xt[0:1, :], xt[1:2, :], xt[2:3, :]
    sq_all = (x * x + y * y) + z * z
    sq_all_col = sq_all.reshape(_N, 1)
    rx, ry, rz = rt[0:1, :], rt[1:2, :], rt[2:3, :]
    sq_rows = (rx * rx + ry * ry) + rz * rz
    inner = jax.lax.dot_general(
        xt, rt, (((0,), (0,)), ((), ())),
        preferred_element_type=jnp.float32)
    dist = (sq_rows - 2.0 * inner) + sq_all_col

    iota = jax.lax.broadcasted_iota(jnp.int32, (_N, _R), 0)
    inf = jnp.float32(jnp.inf)
    for _ in range(_K - 1):
        jmin = jnp.argmin(dist, axis=0).reshape(1, _R)
        dist = jnp.where(iota == jmin, inf, dist)
    jmin = jnp.argmin(dist, axis=0).reshape(1, _R)
    maskf = ((dist == inf) | (iota == jmin)).astype(jnp.float32)
    mom = jax.lax.dot_general(
        xt, maskf, (((1,), (0,)), ((), ())),
        preferred_element_type=jnp.float32)
    inv_k = jnp.float32(1.0 / _K)
    mx = mom[0:1, :] * inv_k
    my = mom[1:2, :] * inv_k
    mz = mom[2:3, :] * inv_k
    xc = x.reshape(_N, 1) - mx
    yc = y.reshape(_N, 1) - my
    zc = z.reshape(_N, 1) - mz
    xm = maskf * xc
    ym = maskf * yc
    zm = maskf * zc
    ones_row = jnp.ones((1, _N), dtype=jnp.float32)

    def _colsum(v):
        return jax.lax.dot_general(
            ones_row, v, (((1,), (0,)), ((), ())),
            preferred_element_type=jnp.float32)

    cxx = _colsum(xm * xc) * inv_k
    cyy = _colsum(ym * yc) * inv_k
    czz = _colsum(zm * zc) * inv_k
    cxy = _colsum(xm * yc) * inv_k
    cxz = _colsum(xm * zc) * inv_k
    cyz = _colsum(ym * zc) * inv_k
    return _jacobi3_min_eigvec(cxx, cyy, czz, cxy, cxz, cyz)


def _fused_kernel(gt_t_ref, gt_r_ref, pr_t_ref, pr_r_ref, out_ref):
    gx, gy, gz = _normals_for_cloud(gt_t_ref[0], gt_r_ref[0])
    px, py, pz = _normals_for_cloud(pr_t_ref[0], pr_r_ref[0])
    num = gx * px + gy * py + gz * pz
    na = jnp.maximum(jnp.sqrt(gx * gx + gy * gy + gz * gz), _EPS)
    nb = jnp.maximum(jnp.sqrt(px * px + py * py + pz * pz), _EPS)
    loss = 1.0 - num / (na * nb)
    s = jnp.sum(loss)
    out_ref[...] = jnp.broadcast_to(s.reshape(1, 1, 1, 1), (1, 1, 1, 128))


def _sc_gather_rows(table, idx):
    M, D = table.shape
    B_ = idx.shape[0]
    info = plsc.get_sparse_core_info()
    nw = info.num_cores * info.num_subcores
    b_per_w = B_ // nw
    mesh = plsc.VectorSubcoreMesh(core_axis_name="c", subcore_axis_name="s")

    @functools.partial(
        pl.kernel, mesh=mesh,
        out_type=jax.ShapeDtypeStruct((B_, D), jnp.float32),
        scratch_types=[
            pltpu.VMEM((b_per_w,), jnp.int32),
            pltpu.VMEM((b_per_w, D), jnp.float32),
            pltpu.SemaphoreType.DMA,
        ],
        compiler_params=pltpu.CompilerParams(use_tc_tiling_on_sc=False),
    )
    def gather_kernel(table_hbm, idx_hbm, out_hbm, idx_v, rows_v, sem):
        wid = lax.axis_index("s") * info.num_cores + lax.axis_index("c")
        base = wid * b_per_w
        pltpu.sync_copy(idx_hbm.at[pl.ds(base, b_per_w)], idx_v)
        pltpu.async_copy(table_hbm.at[idx_v], rows_v, sem).wait()
        pltpu.sync_copy(rows_v, out_hbm.at[pl.ds(base, b_per_w)])

    return gather_kernel(table, idx)


@jax.jit
def kernel(gt, pred, idx12):
    B, N, _ = gt.shape
    nb = N // _R
    table = jnp.pad(pred.reshape(B * N, 3), ((0, 0), (0, 13)))
    offs = (jnp.arange(B, dtype=jnp.int32) * N)[:, None]
    idx_flat = (idx12.astype(jnp.int32) + offs).reshape(-1)
    pred_g = _sc_gather_rows(table, idx_flat)[:, :3].reshape(B, N, 3)
    gt_t = jnp.swapaxes(gt, 1, 2)
    pr_t = jnp.swapaxes(pred_g, 1, 2)

    grid = (B, nb)
    full_spec = pl.BlockSpec((1, 3, N), lambda b, j: (b, 0, 0))
    rows_spec = pl.BlockSpec((1, 3, _R), lambda b, j: (b, 0, j))
    out_spec = pl.BlockSpec((1, 1, 1, 128), lambda b, j: (b, j, 0, 0))
    partial = pl.pallas_call(
        _fused_kernel,
        grid=grid,
        in_specs=[full_spec, rows_spec, full_spec, rows_spec],
        out_specs=out_spec,
        out_shape=jax.ShapeDtypeStruct((B, nb, 1, 128), jnp.float32),
        compiler_params=pltpu.CompilerParams(
            dimension_semantics=("arbitrary", "arbitrary")),
    )(gt_t, gt_t, pr_t, pr_t)
    return jnp.sum(partial[:, :, 0, 0]) / B

# --- scband reference (transcript-rebuilt; emitter-appended) ---
"""Pipeline reference for scband-normal-loss-50173807952230 (READ-ONLY COPY).

The authoritative reference and input builder live on the scoring server;
editing this copy changes nothing except your own understanding.
"""

import jax, jax.numpy as jnp
import numpy as np

NN_SIZE = 16
EPS = 1e-8


def knn_idx(points, k):
    # points: (B, N, 3) -> idx: (B, N, k) of nearest neighbors (incl. self)
    sq = jnp.sum(points ** 2, axis=-1)  # (B, N)
    inner = jnp.einsum('bnd,bmd->bnm', points, points)  # (B, N, N)
    dist = sq[:, :, None] - 2.0 * inner + sq[:, None, :]
    _, idx = jax.lax.top_k(-dist, k)
    return idx


def batch_normals(points, k, idx=None):
    # PCA normals: smallest-eigenvalue eigenvector of local covariance
    if idx is None:
        idx = knn_idx(points, k)
    grouped = jax.vmap(lambda p, i: p[i])(points, idx)  # (B, N, k, 3)
    centered = grouped - jnp.mean(grouped, axis=2, keepdims=True)
    cov = jnp.einsum('bnki,bnkj->bnij', centered, centered) / k  # (B, N, 3, 3)
    eigval, eigvec = jnp.linalg.eigh(cov)  # ascending eigenvalues
    normals = eigvec[..., :, 0]  # eigenvector of smallest eigenvalue
    return normals, idx


def cosine_similarity(a, b, eps=EPS):
    num = jnp.sum(a * b, axis=-1)
    na = jnp.maximum(jnp.linalg.norm(a, axis=-1), eps)
    nb = jnp.maximum(jnp.linalg.norm(b, axis=-1), eps)
    return num / (na * nb)


def setup_inputs(seed: int = 0) -> dict:
    key = jax.random.key(seed)
    k1, k2, k3 = jax.random.split(key, 3)
    B, N = 4, 2048
    gt = jax.random.normal(k1, (B, N, 3), dtype=jnp.float32)
    pred = jax.random.normal(k2, (B, N, 3), dtype=jnp.float32)
    idx12 = jax.random.randint(k3, (B, N), 0, N, dtype=jnp.int64)
    return {"gt": gt, "pred": pred, "idx12": idx12}


def reference(gt, pred, idx12):
    gt_normals, _ = batch_normals(gt, NN_SIZE)
    # gather pred by correspondence idx12, then compute its own PCA normals
    pred_g = jnp.take_along_axis(pred, idx12[:, :, None].astype(jnp.int32), axis=1)
    pred_normals, _ = batch_normals(pred_g, NN_SIZE)
    loss = 1.0 - cosine_similarity(pred_normals, gt_normals)  # (B, N)
    # reduction == 'sum': sum over points, mean over batch
    return jnp.mean(jnp.sum(loss, axis=-1))

if __name__ == "__main__":
    import jax
    _d = setup_inputs()
    print(jax.jit(kernel)(*tuple(_d.values())))

</pallas_src>

<mosaic_0001>
#map = affine_map<(d0, d1) -> (0, 0)>
#map1 = affine_map<(d0, d1) -> (0)>
module attributes {stable_mosaic.version = 14 : i64} {
  func.func @gather_kernel(%arg0: i32, %arg1: i32, %arg2: memref<8192x16xf32, #tpu.memory_space<hbm>>, %arg3: memref<8192xi32, #tpu.memory_space<hbm>>, %arg4: memref<8192x16xf32, #tpu.memory_space<hbm>>, %arg5: memref<256xi32, #tpu.memory_space<vmem>>, %arg6: memref<256x16xf32, #tpu.memory_space<vmem>>, %arg7: memref<!tpu.dma_semaphore, #tpu.memory_space<semaphore_mem>>) attributes {dimension_semantics = [#tpu.dimension_semantics<core_parallel>, #tpu.dimension_semantics<subcore_parallel>], iteration_bounds = array<i64: 2, 16>, scalar_prefetch = 0 : i64, scratch_operands = 3 : i64, tpu.core_type = #tpu.core_type<sc_vector_subcore>, window_params = [{transform_indices = #map}, {transform_indices = #map1}, {transform_indices = #map}]} {
    %mul3A = arith.constant 2 : i32
    %mul3A_0 = arith.muli %arg1, %mul3A : i32
    %add3A = arith.addi %mul3A_0, %arg0 : i32
    %mul3A_1 = arith.constant 256 : i32
    %mul3A_2 = arith.muli %add3A, %mul3A_1 : i32
    "tpu.region"() ({
      %run_scoped3A = tpu.sem_alloc : memref<!tpu.dma_semaphore, #tpu.memory_space<semaphore_mem>>
      %dma_start3A_7 = tpu.memref_slice %arg3[%mul3A_2] : memref<8192xi32, #tpu.memory_space<hbm>> -> memref<256xi32, #tpu.memory_space<hbm>>
      %dma_start3A_8 = tpu.memref_slice %arg3[%mul3A_2] : memref<8192xi32, #tpu.memory_space<hbm>> -> memref<256xi32, #tpu.memory_space<hbm>>
      tpu.enqueue_dma source(%dma_start3A_8 : memref<256xi32, #tpu.memory_space<hbm>>) target(%arg5 : memref<256xi32, #tpu.memory_space<vmem>>) target_semaphore(%run_scoped3A : memref<!tpu.dma_semaphore, #tpu.memory_space<semaphore_mem>>)
      %dma_wait3A_9 = tpu.memref_slice %arg3[%mul3A_2] : memref<8192xi32, #tpu.memory_space<hbm>> -> memref<256xi32, #tpu.memory_space<hbm>>
      %dma_wait3A_10 = tpu.memref_slice %arg3[%mul3A_2] : memref<8192xi32, #tpu.memory_space<hbm>> -> memref<256xi32, #tpu.memory_space<hbm>>
      tpu.wait_dma2 semaphore(%run_scoped3A : memref<!tpu.dma_semaphore, #tpu.memory_space<semaphore_mem>>) src(%dma_wait3A_10 : memref<256xi32, #tpu.memory_space<hbm>>) dst(%arg5 : memref<256xi32, #tpu.memory_space<vmem>>)
      tpu.yield
    }) : () -> ()
    %dma_start3A = arith.constant 0 : i32
    %dma_start3A_3 = arith.constant 0 : i32
    %dma_start3A_4 = tpu.memref_slice %arg2[%dma_start3A, %dma_start3A_3] : memref<8192x16xf32, #tpu.memory_space<hbm>> -> memref<8192x16xf32, #tpu.memory_space<hbm>>
    tpu.enqueue_indirect_dma source(%dma_start3A_4 : memref<8192x16xf32, #tpu.memory_space<hbm>>) target(%arg6 : memref<256x16xf32, #tpu.memory_space<vmem>>) offsets(%arg5 : memref<256xi32, #tpu.memory_space<vmem>>) semaphore(%arg7 : memref<!tpu.dma_semaphore, #tpu.memory_space<semaphore_mem>>)
    %dma_wait3A = arith.constant 0 : i32
    %dma_wait3A_5 = arith.constant 0 : i32
    %dma_wait3A_6 = tpu.memref_slice %arg2[%dma_wait3A, %dma_wait3A_5] : memref<8192x16xf32, #tpu.memory_space<hbm>> -> memref<8192x16xf32, #tpu.memory_space<hbm>>
    tpu.wait_indirect_dma semaphore(%arg7 : memref<!tpu.dma_semaphore, #tpu.memory_space<semaphore_mem>>) src(%dma_wait3A_6 : memref<8192x16xf32, #tpu.memory_space<hbm>>) dst(%arg6 : memref<256x16xf32, #tpu.memory_space<vmem>>)
    "tpu.region"() ({
      %run_scoped3A = tpu.sem_alloc : memref<!tpu.dma_semaphore, #tpu.memory_space<semaphore_mem>>
      %dma_start3A_7 = arith.constant 0 : i32
      %dma_start3A_8 = tpu.memref_slice %arg4[%mul3A_2, %dma_start3A_7] : memref<8192x16xf32, #tpu.memory_space<hbm>> -> memref<256x16xf32, #tpu.memory_space<hbm>>
      %dma_start3A_9 = arith.constant 0 : i32
      %dma_start3A_10 = tpu.memref_slice %arg4[%mul3A_2, %dma_start3A_9] : memref<8192x16xf32, #tpu.memory_space<hbm>> -> memref<256x16xf32, #tpu.memory_space<hbm>>
      tpu.enqueue_dma source(%arg6 : memref<256x16xf32, #tpu.memory_space<vmem>>) target(%dma_start3A_10 : memref<256x16xf32, #tpu.memory_space<hbm>>) target_semaphore(%run_scoped3A : memref<!tpu.dma_semaphore, #tpu.memory_space<semaphore_mem>>)
      %dma_wait3A_11 = arith.constant 0 : i32
      %dma_wait3A_12 = tpu.memref_slice %arg4[%mul3A_2, %dma_wait3A_11] : memref<8192x16xf32, #tpu.memory_space<hbm>> -> memref<256x16xf32, #tpu.memory_space<hbm>>
      %dma_wait3A_13 = arith.constant 0 : i32
      %dma_wait3A_14 = tpu.memref_slice %arg4[%mul3A_2, %dma_wait3A_13] : memref<8192x16xf32, #tpu.memory_space<hbm>> -> memref<256x16xf32, #tpu.memory_space<hbm>>
      tpu.wait_dma2 semaphore(%run_scoped3A : memref<!tpu.dma_semaphore, #tpu.memory_space<semaphore_mem>>) src(%arg6 : memref<256x16xf32, #tpu.memory_space<vmem>>) dst(%dma_wait3A_14 : memref<256x16xf32, #tpu.memory_space<hbm>>)
      tpu.yield
    }) : () -> ()
    return
  }
}

module attributes {stable_mosaic.version = 14 : i64} {
  func.func @_fused_kernel(%arg0: i32, %arg1: i32, %arg2: memref<1x3x2048xf32, #tpu.memory_space<vmem>>, %arg3: memref<1x3x256xf32, #tpu.memory_space<vmem>>, %arg4: memref<1x3x2048xf32, #tpu.memory_space<vmem>>, %arg5: memref<1x3x256xf32, #tpu.memory_space<vmem>>, %arg6: memref<1x1x1x128xf32, #tpu.memory_space<vmem>>) attributes {dimension_semantics = [#tpu.dimension_semantics<arbitrary>, #tpu.dimension_semantics<arbitrary>], iteration_bounds = array<i64: 4, 8>, scalar_prefetch = 0 : i64, scratch_operands = 0 : i64, tpu.core_type = #tpu.core_type<tc>, window_params = [{transform_indices = @transform_0, window_bounds = array<i64: 1, 3, 2048>}, {transform_indices = @transform_1, window_bounds = array<i64: 1, 3, 256>}, {transform_indices = @transform_2, window_bounds = array<i64: 1, 3, 2048>}, {transform_indices = @transform_3, window_bounds = array<i64: 1, 3, 256>}, {transform_indices = @transform_4, window_bounds = array<i64: 1, 1, 1, 128>}]} {
    %get3A = arith.constant 0 : index
    %get3A_0 = arith.constant 0 : index
    %get3A_1 = arith.constant 0 : index
    %get3A_2 = vector.load %arg2[%get3A, %get3A_0, %get3A_1] : memref<1x3x2048xf32, #tpu.memory_space<vmem>>, vector<1x3x2048xf32>
    %get3A_3 = vector.shape_cast %get3A_2 : vector<1x3x2048xf32> to vector<3x2048xf32>
    %get3A_4 = arith.constant 0 : index
    %get3A_5 = arith.constant 0 : index
    %get3A_6 = arith.constant 0 : index
    %get3A_7 = vector.load %arg3[%get3A_4, %get3A_5, %get3A_6] : memref<1x3x256xf32, #tpu.memory_space<vmem>>, vector<1x3x256xf32>
    %get3A_8 = vector.shape_cast %get3A_7 : vector<1x3x256xf32> to vector<3x256xf32>
    %slice3A = vector.extract_strided_slice %get3A_3 {offsets = [0, 0], sizes = [1, 2048], strides = [1, 1]} : vector<3x2048xf32> to vector<1x2048xf32>
    %slice3A_9 = vector.extract_strided_slice %get3A_3 {offsets = [1, 0], sizes = [1, 2048], strides = [1, 1]} : vector<3x2048xf32> to vector<1x2048xf32>
    %slice3A_10 = vector.extract_strided_slice %get3A_3 {offsets = [2, 0], sizes = [1, 2048], strides = [1, 1]} : vector<3x2048xf32> to vector<1x2048xf32>
    %mul3A = arith.mulf %slice3A, %slice3A : vector<1x2048xf32>
    %mul3A_11 = arith.mulf %slice3A_9, %slice3A_9 : vector<1x2048xf32>
    %add3A = arith.addf %mul3A, %mul3A_11 : vector<1x2048xf32>
    %mul3A_12 = arith.mulf %slice3A_10, %slice3A_10 : vector<1x2048xf32>
    %add3A_13 = arith.addf %add3A, %mul3A_12 : vector<1x2048xf32>
    %reshape3A = vector.shape_cast %add3A_13 : vector<1x2048xf32> to vector<2048x1xf32>
    %slice3A_14 = vector.extract_strided_slice %get3A_8 {offsets = [0, 0], sizes = [1, 256], strides = [1, 1]} : vector<3x256xf32> to vector<1x256xf32>
    %slice3A_15 = vector.extract_strided_slice %get3A_8 {offsets = [1, 0], sizes = [1, 256], strides = [1, 1]} : vector<3x256xf32> to vector<1x256xf32>
    %slice3A_16 = vector.extract_strided_slice %get3A_8 {offsets = [2, 0], sizes = [1, 256], strides = [1, 1]} : vector<3x256xf32> to vector<1x256xf32>
    %mul3A_17 = arith.mulf %slice3A_14, %slice3A_14 : vector<1x256xf32>
    %mul3A_18 = arith.mulf %slice3A_15, %slice3A_15 : vector<1x256xf32>
    %add3A_19 = arith.addf %mul3A_17, %mul3A_18 : vector<1x256xf32>
    %mul3A_20 = arith.mulf %slice3A_16, %slice3A_16 : vector<1x256xf32>
    %add3A_21 = arith.addf %add3A_19, %mul3A_20 : vector<1x256xf32>
    %dot_general3A = arith.constant dense<0.000000e+00> : vector<2048x256xf32>
    %dot_general3A_22 = tpu.matmul %get3A_3, %get3A_8, %dot_general3A {dimension_numbers = #tpu.dot_dimension_numbers<[0], [0], [1], [1], [0, 1, 1, 1], [], []>, transpose_lhs_hint = false} : vector<3x2048xf32>, vector<3x256xf32>, vector<2048x256xf32> -> vector<2048x256xf32>
    %mul3A_23 = arith.constant 2.000000e+00 : f32
    %mul3A_24 = vector.broadcast %mul3A_23 : f32 to vector<2048x256xf32>
    %mul3A_25 = arith.mulf %mul3A_24, %dot_general3A_22 : vector<2048x256xf32>
    %sub3A = vector.broadcast %add3A_21 : vector<1x256xf32> to vector<2048x256xf32>
    %sub3A_26 = arith.subf %sub3A, %mul3A_25 : vector<2048x256xf32>
    %add3A_27 = vector.broadcast %reshape3A : vector<2048x1xf32> to vector<2048x256xf32>
    %add3A_28 = arith.addf %sub3A_26, %add3A_27 : vector<2048x256xf32>
    %iota3A = tpu.iota {dimensions = array<i32: 0>} : vector<2048x256xi32>
    %argmin3A = tpu.reduce_index %add3A_28 {axis = 0 : i32, kind = #tpu.reduction_kind<arg_min>} : vector<2048x256xf32> -> vector<256xi32>
    %reshape3A_29 = vector.shape_cast %argmin3A : vector<256xi32> to vector<1x256xi32>
    %eq3A = vector.broadcast %reshape3A_29 : vector<1x256xi32> to vector<2048x256xi32>
    %eq3A_30 = arith.cmpi eq, %iota3A, %eq3A : vector<2048x256xi32>
    %jit3A = arith.constant 0x7F800000 : f32
    %broadcast_in_dim3A = vector.broadcast %jit3A : f32 to vector<2048x256xf32>
    %select_n3A = arith.select %eq3A_30, %broadcast_in_dim3A, %add3A_28 : vector<2048x256xi1>, vector<2048x256xf32>
    %argmin3A_31 = tpu.reduce_index %select_n3A {axis = 0 : i32, kind = #tpu.reduction_kind<arg_min>} : vector<2048x256xf32> -> vector<256xi32>
    %reshape3A_32 = vector.shape_cast %argmin3A_31 : vector<256xi32> to vector<1x256xi32>
    %eq3A_33 = vector.broadcast %reshape3A_32 : vector<1x256xi32> to vector<2048x256xi32>
    %eq3A_34 = arith.cmpi eq, %iota3A, %eq3A_33 : vector<2048x256xi32>
    %jit3A_35 = arith.constant 0x7F800000 : f32
    %broadcast_in_dim3A_36 = vector.broadcast %jit3A_35 : f32 to vector<2048x256xf32>
    %select_n3A_37 = arith.select %eq3A_34, %broadcast_in_dim3A_36, %select_n3A : vector<2048x256xi1>, vector<2048x256xf32>
    %argmin3A_38 = tpu.reduce_index %select_n3A_37 {axis = 0 : i32, kind = #tpu.reduction_kind<arg_min>} : vector<2048x256xf32> -> vector<256xi32>
    %reshape3A_39 = vector.shape_cast %argmin3A_38 : vector<256xi32> to vector<1x256xi32>
    %eq3A_40 = vector.broadcast %reshape3A_39 : vector<1x256xi32> to vector<2048x256xi32>
    %eq3A_41 = arith.cmpi eq, %iota3A, %eq3A_40 : vector<2048x256xi32>
    %jit3A_42 = arith.constant 0x7F800000 : f32
    %broadcast_in_dim3A_43 = vector.broadcast %jit3A_42 : f32 to vector<2048x256xf32>
    %select_n3A_44 = arith.select %eq3A_41, %broadcast_in_dim3A_43, %select_n3A_37 : vector<2048x256xi1>, vector<2048x256xf32>
    %argmin3A_45 = tpu.reduce_index %select_n3A_44 {axis = 0 : i32, kind = #tpu.reduction_kind<arg_min>} : vector<2048x256xf32> -> vector<256xi32>
    %reshape3A_46 = vector.shape_cast %argmin3A_45 : vector<256xi32> to vector<1x256xi32>
    %eq3A_47 = vector.broadcast %reshape3A_46 : vector<1x256xi32> to vector<2048x256xi32>
    %eq3A_48 = arith.cmpi eq, %iota3A, %eq3A_47 : vector<2048x256xi32>
    %jit3A_49 = arith.constant 0x7F800000 : f32
    %broadcast_in_dim3A_50 = vector.broadcast %jit3A_49 : f32 to vector<2048x256xf32>
    %select_n3A_51 = arith.select %eq3A_48, %broadcast_in_dim3A_50, %select_n3A_44 : vector<2048x256xi1>, vector<2048x256xf32>
    %argmin3A_52 = tpu.reduce_index %select_n3A_51 {axis = 0 : i32, kind = #tpu.reduction_kind<arg_min>} : vector<2048x256xf32> -> vector<256xi32>
    %reshape3A_53 = vector.shape_cast %argmin3A_52 : vector<256xi32> to vector<1x256xi32>
    %eq3A_54 = vector.broadcast %reshape3A_53 : vector<1x256xi32> to vector<2048x256xi32>
    %eq3A_55 = arith.cmpi eq, %iota3A, %eq3A_54 : vector<2048x256xi32>
    %jit3A_56 = arith.constant 0x7F800000 : f32
    %broadcast_in_dim3A_57 = vector.broadcast %jit3A_56 : f32 to vector<2048x256xf32>
    %select_n3A_58 = arith.select %eq3A_55, %broadcast_in_dim3A_57, %select_n3A_51 : vector<2048x256xi1>, vector<2048x256xf32>
    %argmin3A_59 = tpu.reduce_index %select_n3A_58 {axis = 0 : i32, kind = #tpu.reduction_kind<arg_min>} : vector<2048x256xf32> -> vector<256xi32>
    %reshape3A_60 = vector.shape_cast %argmin3A_59 : vector<256xi32> to vector<1x256xi32>
    %eq3A_61 = vector.broadcast %reshape3A_60 : vector<1x256xi32> to vector<2048x256xi32>
    %eq3A_62 = arith.cmpi eq, %iota3A, %eq3A_61 : vector<2048x256xi32>
    %jit3A_63 = arith.constant 0x7F800000 : f32
    %broadcast_in_dim3A_64 = vector.broadcast %jit3A_63 : f32 to vector<2048x256xf32>
    %select_n3A_65 = arith.select %eq3A_62, %broadcast_in_dim3A_64, %select_n3A_58 : vector<2048x256xi1>, vector<2048x256xf32>
    %argmin3A_66 = tpu.reduce_index %select_n3A_65 {axis = 0 : i32, kind = #tpu.reduction_kind<arg_min>} : vector<2048x256xf32> -> vector<256xi32>
    %reshape3A_67 = vector.shape_cast %argmin3A_66 : vector<256xi32> to vector<1x256xi32>
    %eq3A_68 = vector.broadcast %reshape3A_67 : vector<1x256xi32> to vector<2048x256xi32>
    %eq3A_69 = arith.cmpi eq, %iota3A, %eq3A_68 : vector<2048x256xi32>
    %jit3A_70 = arith.constant 0x7F800000 : f32
    %broadcast_in_dim3A_71 = vector.broadcast %jit3A_70 : f32 to vector<2048x256xf32>
    %select_n3A_72 = arith.select %eq3A_69, %broadcast_in_dim3A_71, %select_n3A_65 : vector<2048x256xi1>, vector<2048x256xf32>
    %argmin3A_73 = tpu.reduce_index %select_n3A_72 {axis = 0 : i32, kind = #tpu.reduction_kind<arg_min>} : vector<2048x256xf32> -> vector<256xi32>
    %reshape3A_74 = vector.shape_cast %argmin3A_73 : vector<256xi32> to vector<1x256xi32>
    %eq3A_75 = vector.broadcast %reshape3A_74 : vector<1x256xi32> to vector<2048x256xi32>
    %eq3A_76 = arith.cmpi eq, %iota3A, %eq3A_75 : vector<2048x256xi32>
    %jit3A_77 = arith.constant 0x7F800000 : f32
    %broadcast_in_dim3A_78 = vector.broadcast %jit3A_77 : f32 to vector<2048x256xf32>
    %select_n3A_79 = arith.select %eq3A_76, %broadcast_in_dim3A_78, %select_n3A_72 : vector<2048x256xi1>, vector<2048x256xf32>
    %argmin3A_80 = tpu.reduce_index %select_n3A_79 {axis = 0 : i32, kind = #tpu.reduction_kind<arg_min>} : vector<2048x256xf32> -> vector<256xi32>
    %reshape3A_81 = vector.shape_cast %argmin3A_80 : vector<256xi32> to vector<1x256xi32>
    %eq3A_82 = vector.broadcast %reshape3A_81 : vector<1x256xi32> to vector<2048x256xi32>
    %eq3A_83 = arith.cmpi eq, %iota3A, %eq3A_82 : vector<2048x256xi32>
    %jit3A_84 = arith.constant 0x7F800000 : f32
    %broadcast_in_dim3A_85 = vector.broadcast %jit3A_84 : f32 to vector<2048x256xf32>
    %select_n3A_86 = arith.select %eq3A_83, %broadcast_in_dim3A_85, %select_n3A_79 : vector<2048x256xi1>, vector<2048x256xf32>
    %argmin3A_87 = tpu.reduce_index %select_n3A_86 {axis = 0 : i32, kind = #tpu.reduction_kind<arg_min>} : vector<2048x256xf32> -> vector<256xi32>
    %reshape3A_88 = vector.shape_cast %argmin3A_87 : vector<256xi32> to vector<1x256xi32>
    %eq3A_89 = vector.broadcast %reshape3A_88 : vector<1x256xi32> to vector<2048x256xi32>
    %eq3A_90 = arith.cmpi eq, %iota3A, %eq3A_89 : vector<2048x256xi32>
    %jit3A_91 = arith.constant 0x7F800000 : f32
    %broadcast_in_dim3A_92 = vector.broadcast %jit3A_91 : f32 to vector<2048x256xf32>
    %select_n3A_93 = arith.select %eq3A_90, %broadcast_in_dim3A_92, %select_n3A_86 : vector<2048x256xi1>, vector<2048x256xf32>
    %argmin3A_94 = tpu.reduce_index %select_n3A_93 {axis = 0 : i32, kind = #tpu.reduction_kind<arg_min>} : vector<2048x256xf32> -> vector<256xi32>
    %reshape3A_95 = vector.shape_cast %argmin3A_94 : vector<256xi32> to vector<1x256xi32>
    %eq3A_96 = vector.broadcast %reshape3A_95 : vector<1x256xi32> to vector<2048x256xi32>
    %eq3A_97 = arith.cmpi eq, %iota3A, %eq3A_96 : vector<2048x256xi32>
    %jit3A_98 = arith.constant 0x7F800000 : f32
    %broadcast_in_dim3A_99 = vector.broadcast %jit3A_98 : f32 to vector<2048x256xf32>
    %select_n3A_100 = arith.select %eq3A_97, %broadcast_in_dim3A_99, %select_n3A_93 : vector<2048x256xi1>, vector<2048x256xf32>
    %argmin3A_101 = tpu.reduce_index %select_n3A_100 {axis = 0 : i32, kind = #tpu.reduction_kind<arg_min>} : vector<2048x256xf32> -> vector<256xi32>
    %reshape3A_102 = vector.shape_cast %argmin3A_101 : vector<256xi32> to vector<1x256xi32>
    %eq3A_103 = vector.broadcast %reshape3A_102 : vector<1x256xi32> to vector<2048x256xi32>
    %eq3A_104 = arith.cmpi eq, %iota3A, %eq3A_103 : vector<2048x256xi32>
    %jit3A_105 = arith.constant 0x7F800000 : f32
    %broadcast_in_dim3A_106 = vector.broadcast %jit3A_105 : f32 to vector<2048x256xf32>
    %select_n3A_107 = arith.select %eq3A_104, %broadcast_in_dim3A_106, %select_n3A_100 : vector<2048x256xi1>, vector<2048x256xf32>
    %argmin3A_108 = tpu.reduce_index %select_n3A_107 {axis = 0 : i32, kind = #tpu.reduction_kind<arg_min>} : vector<2048x256xf32> -> vector<256xi32>
    %reshape3A_109 = vector.shape_cast %argmin3A_108 : vector<256xi32> to vector<1x256xi32>
    %eq3A_110 = vector.broadcast %reshape3A_109 : vector<1x256xi32> to vector<2048x256xi32>
    %eq3A_111 = arith.cmpi eq, %iota3A, %eq3A_110 : vector<2048x256xi32>
    %jit3A_112 = arith.constant 0x7F800000 : f32
    %broadcast_in_dim3A_113 = vector.broadcast %jit3A_112 : f32 to vector<2048x256xf32>
    %select_n3A_114 = arith.select %eq3A_111, %broadcast_in_dim3A_113, %select_n3A_107 : vector<2048x256xi1>, vector<2048x256xf32>
    %argmin3A_115 = tpu.reduce_index %select_n3A_114 {axis = 0 : i32, kind = #tpu.reduction_kind<arg_min>} : vector<2048x256xf32> -> vector<256xi32>
    %reshape3A_116 = vector.shape_cast %argmin3A_115 : vector<256xi32> to vector<1x256xi32>
    %eq3A_117 = vector.broadcast %reshape3A_116 : vector<1x256xi32> to vector<2048x256xi32>
    %eq3A_118 = arith.cmpi eq, %iota3A, %eq3A_117 : vector<2048x256xi32>
    %jit3A_119 = arith.constant 0x7F800000 : f32
    %broadcast_in_dim3A_120 = vector.broadcast %jit3A_119 : f32 to vector<2048x256xf32>
    %select_n3A_121 = arith.select %eq3A_118, %broadcast_in_dim3A_120, %select_n3A_114 : vector<2048x256xi1>, vector<2048x256xf32>
    %argmin3A_122 = tpu.reduce_index %select_n3A_121 {axis = 0 : i32, kind = #tpu.reduction_kind<arg_min>} : vector<2048x256xf32> -> vector<256xi32>
    %reshape3A_123 = vector.shape_cast %argmin3A_122 : vector<256xi32> to vector<1x256xi32>
    %eq3A_124 = vector.broadcast %reshape3A_123 : vector<1x256xi32> to vector<2048x256xi32>
    %eq3A_125 = arith.cmpi eq, %iota3A, %eq3A_124 : vector<2048x256xi32>
    %jit3A_126 = arith.constant 0x7F800000 : f32
    %broadcast_in_dim3A_127 = vector.broadcast %jit3A_126 : f32 to vector<2048x256xf32>
    %select_n3A_128 = arith.select %eq3A_125, %broadcast_in_dim3A_127, %select_n3A_121 : vector<2048x256xi1>, vector<2048x256xf32>
    %argmin3A_129 = tpu.reduce_index %select_n3A_128 {axis = 0 : i32, kind = #tpu.reduction_kind<arg_min>} : vector<2048x256xf32> -> vector<256xi32>
    %reshape3A_130 = vector.shape_cast %argmin3A_129 : vector<256xi32> to vector<1x256xi32>
    %eq3A_131 = arith.constant 0x7F800000 : f32
    %eq3A_132 = vector.broadcast %eq3A_131 : f32 to vector<2048x256xf32>
    %eq3A_133 = arith.cmpf oeq, %select_n3A_128, %eq3A_132 : vector<2048x256xf32>
    %eq3A_134 = vector.broadcast %reshape3A_130 : vector<1x256xi32> to vector<2048x256xi32>
    %eq3A_135 = arith.cmpi eq, %iota3A, %eq3A_134 : vector<2048x256xi32>
    %or3A = arith.ori %eq3A_133, %eq3A_135 : vector<2048x256xi1>
    %convert_element_type3A = arith.extui %or3A : vector<2048x256xi1> to vector<2048x256xi32>
    %convert_element_type3A_136 = arith.sitofp %convert_element_type3A : vector<2048x256xi32> to vector<2048x256xf32>
    %dot_general3A_137 = arith.constant dense<0.000000e+00> : vector<3x256xf32>
    %dot_general3A_138 = tpu.matmul %get3A_3, %convert_element_type3A_136, %dot_general3A_137 {dimension_numbers = #tpu.dot_dimension_numbers<[1], [0], [0], [1], [0, 0, 1, 1], [], []>, transpose_lhs_hint = false} : vector<3x2048xf32>, vector<2048x256xf32>, vector<3x256xf32> -> vector<3x256xf32>
    %slice3A_139 = vector.extract_strided_slice %dot_general3A_138 {offsets = [0, 0], sizes = [1, 256], strides = [1, 1]} : vector<3x256xf32> to vector<1x256xf32>
    %mul3A_140 = arith.constant 6.250000e-02 : f32
    %mul3A_141 = vector.broadcast %mul3A_140 : f32 to vector<1x256xf32>
    %mul3A_142 = arith.mulf %slice3A_139, %mul3A_141 : vector<1x256xf32>
    %slice3A_143 = vector.extract_strided_slice %dot_general3A_138 {offsets = [1, 0], sizes = [1, 256], strides = [1, 1]} : vector<3x256xf32> to vector<1x256xf32>
    %mul3A_144 = arith.constant 6.250000e-02 : f32
    %mul3A_145 = vector.broadcast %mul3A_144 : f32 to vector<1x256xf32>
    %mul3A_146 = arith.mulf %slice3A_143, %mul3A_145 : vector<1x256xf32>
    %slice3A_147 = vector.extract_strided_slice %dot_general3A_138 {offsets = [2, 0], sizes = [1, 256], strides = [1, 1]} : vector<3x256xf32> to vector<1x256xf32>
    %mul3A_148 = arith.constant 6.250000e-02 : f32
    %mul3A_149 = vector.broadcast %mul3A_148 : f32 to vector<1x256xf32>
    %mul3A_150 = arith.mulf %slice3A_147, %mul3A_149 : vector<1x256xf32>
    %reshape3A_151 = vector.shape_cast %slice3A : vector<1x2048xf32> to vector<2048x1xf32>
    %sub3A_152 = vector.broadcast %reshape3A_151 : vector<2048x1xf32> to vector<2048x256xf32>
    %sub3A_153 = vector.broadcast %mul3A_142 : vector<1x256xf32> to vector<2048x256xf32>
    %sub3A_154 = arith.subf %sub3A_152, %sub3A_153 : vector<2048x256xf32>
    %reshape3A_155 = vector.shape_cast %slice3A_9 : vector<1x2048xf32> to vector<2048x1xf32>
    %sub3A_156 = vector.broadcast %reshape3A_155 : vector<2048x1xf32> to vector<2048x256xf32>
    %sub3A_157 = vector.broadcast %mul3A_146 : vector<1x256xf32> to vector<2048x256xf32>
    %sub3A_158 = arith.subf %sub3A_156, %sub3A_157 : vector<2048x256xf32>
    %reshape3A_159 = vector.shape_cast %slice3A_10 : vector<1x2048xf32> to vector<2048x1xf32>
    %sub3A_160 = vector.broadcast %reshape3A_159 : vector<2048x1xf32> to vector<2048x256xf32>
    %sub3A_161 = vector.broadcast %mul3A_150 : vector<1x256xf32> to vector<2048x256xf32>
    %sub3A_162 = arith.subf %sub3A_160, %sub3A_161 : vector<2048x256xf32>
    %mul3A_163 = arith.mulf %convert_element_type3A_136, %sub3A_154 : vector<2048x256xf32>
    %mul3A_164 = arith.mulf %convert_element_type3A_136, %sub3A_158 : vector<2048x256xf32>
    %mul3A_165 = arith.mulf %convert_element_type3A_136, %sub3A_162 : vector<2048x256xf32>
    %broadcast_in_dim3A_166 = arith.constant 1.000000e+00 : f32
    %broadcast_in_dim3A_167 = vector.broadcast %broadcast_in_dim3A_166 : f32 to vector<1x2048xf32>
    %mul3A_168 = arith.mulf %mul3A_163, %sub3A_154 : vector<2048x256xf32>
    %dot_general3A_169 = arith.constant dense<0.000000e+00> : vector<1x256xf32>
    %dot_general3A_170 = tpu.matmul %broadcast_in_dim3A_167, %mul3A_168, %dot_general3A_169 {dimension_numbers = #tpu.dot_dimension_numbers<[1], [0], [0], [1], [0, 0, 1, 1], [], []>, transpose_lhs_hint = false} : vector<1x2048xf32>, vector<2048x256xf32>, vector<1x256xf32> -> vector<1x256xf32>
    %mul3A_171 = arith.constant 6.250000e-02 : f32
    %mul3A_172 = vector.broadcast %mul3A_171 : f32 to vector<1x256xf32>
    %mul3A_173 = arith.mulf %dot_general3A_170, %mul3A_172 : vector<1x256xf32>
    %mul3A_174 = arith.mulf %mul3A_164, %sub3A_158 : vector<2048x256xf32>
    %dot_general3A_175 = arith.constant dense<0.000000e+00> : vector<1x256xf32>
    %dot_general3A_176 = tpu.matmul %broadcast_in_dim3A_167, %mul3A_174, %dot_general3A_175 {dimension_numbers = #tpu.dot_dimension_numbers<[1], [0], [0], [1], [0, 0, 1, 1], [], []>, transpose_lhs_hint = false} : vector<1x2048xf32>, vector<2048x256xf32>, vector<1x256xf32> -> vector<1x256xf32>
    %mul3A_177 = arith.constant 6.250000e-02 : f32
    %mul3A_178 = vector.broadcast %mul3A_177 : f32 to vector<1x256xf32>
    %mul3A_179 = arith.mulf %dot_general3A_176, %mul3A_178 : vector<1x256xf32>
    %mul3A_180 = arith.mulf %mul3A_165, %sub3A_162 : vector<2048x256xf32>
    %dot_general3A_181 = arith.constant dense<0.000000e+00> : vector<1x256xf32>
    %dot_general3A_182 = tpu.matmul %broadcast_in_dim3A_167, %mul3A_180, %dot_general3A_181 {dimension_numbers = #tpu.dot_dimension_numbers<[1], [0], [0], [1], [0, 0, 1, 1], [], []>, transpose_lhs_hint = false} : vector<1x2048xf32>, vector<2048x256xf32>, vector<1x256xf32> -> vector<1x256xf32>
    %mul3A_183 = arith.constant 6.250000e-02 : f32
    %mul3A_184 = vector.broadcast %mul3A_183 : f32 to vector<1x256xf32>
    %mul3A_185 = arith.mulf %dot_general3A_182, %mul3A_184 : vector<1x256xf32>
    %mul3A_186 = arith.mulf %mul3A_163, %sub3A_158 : vector<2048x256xf32>
    %dot_general3A_187 = arith.constant dense<0.000000e+00> : vector<1x256xf32>
    %dot_general3A_188 = tpu.matmul %broadcast_in_dim3A_167, %mul3A_186, %dot_general3A_187 {dimension_numbers = #tpu.dot_dimension_numbers<[1], [0], [0], [1], [0, 0, 1, 1], [], []>, transpose_lhs_hint = false} : vector<1x2048xf32>, vector<2048x256xf32>, vector<1x256xf32> -> vector<1x256xf32>
    %mul3A_189 = arith.constant 6.250000e-02 : f32
    %mul3A_190 = vector.broadcast %mul3A_189 : f32 to vector<1x256xf32>
    %mul3A_191 = arith.mulf %dot_general3A_188, %mul3A_190 : vector<1x256xf32>
    %mul3A_192 = arith.mulf %mul3A_163, %sub3A_162 : vector<2048x256xf32>
    %dot_general3A_193 = arith.constant dense<0.000000e+00> : vector<1x256xf32>
    %dot_general3A_194 = tpu.matmul %broadcast_in_dim3A_167, %mul3A_192, %dot_general3A_193 {dimension_numbers = #tpu.dot_dimension_numbers<[1], [0], [0], [1], [0, 0, 1, 1], [], []>, transpose_lhs_hint = false} : vector<1x2048xf32>, vector<2048x256xf32>, vector<1x256xf32> -> vector<1x256xf32>
    %mul3A_195 = arith.constant 6.250000e-02 : f32
    %mul3A_196 = vector.broadcast %mul3A_195 : f32 to vector<1x256xf32>
    %mul3A_197 = arith.mulf %dot_general3A_194, %mul3A_196 : vector<1x256xf32>
    %mul3A_198 = arith.mulf %mul3A_164, %sub3A_162 : vector<2048x256xf32>
    %dot_general3A_199 = arith.constant dense<0.000000e+00> : vector<1x256xf32>
    %dot_general3A_200 = tpu.matmul %broadcast_in_dim3A_167, %mul3A_198, %dot_general3A_199 {dimension_numbers = #tpu.dot_dimension_numbers<[1], [0], [0], [1], [0, 0, 1, 1], [], []>, transpose_lhs_hint = false} : vector<1x2048xf32>, vector<2048x256xf32>, vector<1x256xf32> -> vector<1x256xf32>
    %mul3A_201 = arith.constant 6.250000e-02 : f32
    %mul3A_202 = vector.broadcast %mul3A_201 : f32 to vector<1x256xf32>
    %mul3A_203 = arith.mulf %dot_general3A_200, %mul3A_202 : vector<1x256xf32>
    %broadcast_in_dim3A_204 = arith.constant 1.000000e+00 : f32
    %broadcast_in_dim3A_205 = vector.broadcast %broadcast_in_dim3A_204 : f32 to vector<1x256xf32>
    %broadcast_in_dim3A_206 = arith.constant 0.000000e+00 : f32
    %broadcast_in_dim3A_207 = vector.broadcast %broadcast_in_dim3A_206 : f32 to vector<1x256xf32>
    %ne3A = arith.constant 0.000000e+00 : f32
    %ne3A_208 = vector.broadcast %ne3A : f32 to vector<1x256xf32>
    %ne3A_209 = arith.cmpf one, %mul3A_197, %ne3A_208 : vector<1x256xf32>
    %sub3A_210 = arith.subf %mul3A_185, %mul3A_173 : vector<1x256xf32>
    %mul3A_211 = arith.constant 2.000000e+00 : f32
    %mul3A_212 = vector.broadcast %mul3A_211 : f32 to vector<1x256xf32>
    %mul3A_213 = arith.mulf %mul3A_212, %mul3A_197 : vector<1x256xf32>
    %div3A = arith.divf %sub3A_210, %mul3A_213 : vector<1x256xf32>
    %ge3A = arith.constant 0.000000e+00 : f32
    %ge3A_214 = vector.broadcast %ge3A : f32 to vector<1x256xf32>
    %ge3A_215 = arith.cmpf oge, %div3A, %ge3A_214 : vector<1x256xf32>
    %jit3A_216 = arith.constant 1.000000e+00 : f32
    %jit3A_217 = arith.constant -1.000000e+00 : f32
    %broadcast_in_dim3A_218 = vector.broadcast %jit3A_216 : f32 to vector<1x256xf32>
    %broadcast_in_dim3A_219 = vector.broadcast %jit3A_217 : f32 to vector<1x256xf32>
    %select_n3A_220 = arith.select %ge3A_215, %broadcast_in_dim3A_218, %broadcast_in_dim3A_219 : vector<1x256xi1>, vector<1x256xf32>
    %abs3A = math.absf %div3A : vector<1x256xf32>
    %mul3A_221 = arith.mulf %div3A, %div3A : vector<1x256xf32>
    %add3A_222 = arith.constant 1.000000e+00 : f32
    %add3A_223 = vector.broadcast %add3A_222 : f32 to vector<1x256xf32>
    %add3A_224 = arith.addf %add3A_223, %mul3A_221 : vector<1x256xf32>
    %sqrt3A = math.sqrt %add3A_224 : vector<1x256xf32>
    %add3A_225 = arith.addf %abs3A, %sqrt3A : vector<1x256xf32>
    %div3A_226 = arith.divf %select_n3A_220, %add3A_225 : vector<1x256xf32>
    %jit3A_227 = arith.constant 0.000000e+00 : f32
    %broadcast_in_dim3A_228 = vector.broadcast %jit3A_227 : f32 to vector<1x256xf32>
    %select_n3A_229 = arith.select %ne3A_209, %div3A_226, %broadcast_in_dim3A_228 : vector<1x256xi1>, vector<1x256xf32>
    %mul3A_230 = arith.mulf %select_n3A_229, %select_n3A_229 : vector<1x256xf32>
    %add3A_231 = arith.constant 1.000000e+00 : f32
    %add3A_232 = vector.broadcast %add3A_231 : f32 to vector<1x256xf32>
    %add3A_233 = arith.addf %add3A_232, %mul3A_230 : vector<1x256xf32>
    %rsqrt3A = math.rsqrt %add3A_233 : vector<1x256xf32>
    %mul3A_234 = arith.mulf %select_n3A_229, %rsqrt3A : vector<1x256xf32>
    %mul3A_235 = arith.mulf %rsqrt3A, %mul3A_173 : vector<1x256xf32>
    %mul3A_236 = arith.mulf %mul3A_234, %mul3A_197 : vector<1x256xf32>
    %sub3A_237 = arith.subf %mul3A_235, %mul3A_236 : vector<1x256xf32>
    %mul3A_238 = arith.mulf %rsqrt3A, %sub3A_237 : vector<1x256xf32>
    %mul3A_239 = arith.mulf %rsqrt3A, %mul3A_197 : vector<1x256xf32>
    %mul3A_240 = arith.mulf %mul3A_234, %mul3A_185 : vector<1x256xf32>
    %sub3A_241 = arith.subf %mul3A_239, %mul3A_240 : vector<1x256xf32>
    %mul3A_242 = arith.mulf %mul3A_234, %sub3A_241 : vector<1x256xf32>
    %sub3A_243 = arith.subf %mul3A_238, %mul3A_242 : vector<1x256xf32>
    %mul3A_244 = arith.mulf %mul3A_234, %mul3A_173 : vector<1x256xf32>
    %mul3A_245 = arith.mulf %rsqrt3A, %mul3A_197 : vector<1x256xf32>
    %add3A_246 = arith.addf %mul3A_244, %mul3A_245 : vector<1x256xf32>
    %mul3A_247 = arith.mulf %mul3A_234, %add3A_246 : vector<1x256xf32>
    %mul3A_248 = arith.mulf %mul3A_234, %mul3A_197 : vector<1x256xf32>
    %mul3A_249 = arith.mulf %rsqrt3A, %mul3A_185 : vector<1x256xf32>
    %add3A_250 = arith.addf %mul3A_248, %mul3A_249 : vector<1x256xf32>
    %mul3A_251 = arith.mulf %rsqrt3A, %add3A_250 : vector<1x256xf32>
    %add3A_252 = arith.addf %mul3A_247, %mul3A_251 : vector<1x256xf32>
    %mul3A_253 = arith.mulf %rsqrt3A, %mul3A_234 : vector<1x256xf32>
    %sub3A_254 = arith.subf %mul3A_173, %mul3A_185 : vector<1x256xf32>
    %mul3A_255 = arith.mulf %mul3A_253, %sub3A_254 : vector<1x256xf32>
    %mul3A_256 = arith.mulf %rsqrt3A, %rsqrt3A : vector<1x256xf32>
    %mul3A_257 = arith.mulf %mul3A_234, %mul3A_234 : vector<1x256xf32>
    %sub3A_258 = arith.subf %mul3A_256, %mul3A_257 : vector<1x256xf32>
    %mul3A_259 = arith.mulf %sub3A_258, %mul3A_197 : vector<1x256xf32>
    %add3A_260 = arith.addf %mul3A_255, %mul3A_259 : vector<1x256xf32>
    %mul3A_261 = arith.mulf %rsqrt3A, %mul3A_191 : vector<1x256xf32>
    %mul3A_262 = arith.mulf %mul3A_234, %mul3A_203 : vector<1x256xf32>
    %sub3A_263 = arith.subf %mul3A_261, %mul3A_262 : vector<1x256xf32>
    %mul3A_264 = arith.mulf %mul3A_234, %mul3A_191 : vector<1x256xf32>
    %mul3A_265 = arith.mulf %rsqrt3A, %mul3A_203 : vector<1x256xf32>
    %add3A_266 = arith.addf %mul3A_264, %mul3A_265 : vector<1x256xf32>
    %mul3A_267 = arith.mulf %rsqrt3A, %broadcast_in_dim3A_205 : vector<1x256xf32>
    %mul3A_268 = arith.mulf %mul3A_234, %broadcast_in_dim3A_207 : vector<1x256xf32>
    %sub3A_269 = arith.subf %mul3A_267, %mul3A_268 : vector<1x256xf32>
    %mul3A_270 = arith.mulf %mul3A_234, %broadcast_in_dim3A_205 : vector<1x256xf32>
    %mul3A_271 = arith.mulf %rsqrt3A, %broadcast_in_dim3A_207 : vector<1x256xf32>
    %add3A_272 = arith.addf %mul3A_270, %mul3A_271 : vector<1x256xf32>
    %mul3A_273 = arith.mulf %rsqrt3A, %broadcast_in_dim3A_207 : vector<1x256xf32>
    %mul3A_274 = arith.mulf %mul3A_234, %broadcast_in_dim3A_207 : vector<1x256xf32>
    %sub3A_275 = arith.subf %mul3A_273, %mul3A_274 : vector<1x256xf32>
    %mul3A_276 = arith.mulf %mul3A_234, %broadcast_in_dim3A_207 : vector<1x256xf32>
    %mul3A_277 = arith.mulf %rsqrt3A, %broadcast_in_dim3A_207 : vector<1x256xf32>
    %add3A_278 = arith.addf %mul3A_276, %mul3A_277 : vector<1x256xf32>
    %mul3A_279 = arith.mulf %rsqrt3A, %broadcast_in_dim3A_207 : vector<1x256xf32>
    %mul3A_280 = arith.mulf %mul3A_234, %broadcast_in_dim3A_205 : vector<1x256xf32>
    %sub3A_281 = arith.subf %mul3A_279, %mul3A_280 : vector<1x256xf32>
    %mul3A_282 = arith.mulf %mul3A_234, %broadcast_in_dim3A_207 : vector<1x256xf32>
    %mul3A_283 = arith.mulf %rsqrt3A, %broadcast_in_dim3A_205 : vector<1x256xf32>
    %add3A_284 = arith.addf %mul3A_282, %mul3A_283 : vector<1x256xf32>
    %ne3A_285 = arith.constant 0.000000e+00 : f32
    %ne3A_286 = vector.broadcast %ne3A_285 : f32 to vector<1x256xf32>
    %ne3A_287 = arith.cmpf one, %add3A_266, %ne3A_286 : vector<1x256xf32>
    %sub3A_288 = arith.subf %add3A_252, %mul3A_179 : vector<1x256xf32>
    %mul3A_289 = arith.constant 2.000000e+00 : f32
    %mul3A_290 = vector.broadcast %mul3A_289 : f32 to vector<1x256xf32>
    %mul3A_291 = arith.mulf %mul3A_290, %add3A_266 : vector<1x256xf32>
    %div3A_292 = arith.divf %sub3A_288, %mul3A_291 : vector<1x256xf32>
    %ge3A_293 = arith.constant 0.000000e+00 : f32
    %ge3A_294 = vector.broadcast %ge3A_293 : f32 to vector<1x256xf32>
    %ge3A_295 = arith.cmpf oge, %div3A_292, %ge3A_294 : vector<1x256xf32>
    %jit3A_296 = arith.constant 1.000000e+00 : f32
    %jit3A_297 = arith.constant -1.000000e+00 : f32
    %broadcast_in_dim3A_298 = vector.broadcast %jit3A_296 : f32 to vector<1x256xf32>
    %broadcast_in_dim3A_299 = vector.broadcast %jit3A_297 : f32 to vector<1x256xf32>
    %select_n3A_300 = arith.select %ge3A_295, %broadcast_in_dim3A_298, %broadcast_in_dim3A_299 : vector<1x256xi1>, vector<1x256xf32>
    %abs3A_301 = math.absf %div3A_292 : vector<1x256xf32>
    %mul3A_302 = arith.mulf %div3A_292, %div3A_292 : vector<1x256xf32>
    %add3A_303 = arith.constant 1.000000e+00 : f32
    %add3A_304 = vector.broadcast %add3A_303 : f32 to vector<1x256xf32>
    %add3A_305 = arith.addf %add3A_304, %mul3A_302 : vector<1x256xf32>
    %sqrt3A_306 = math.sqrt %add3A_305 : vector<1x256xf32>
    %add3A_307 = arith.addf %abs3A_301, %sqrt3A_306 : vector<1x256xf32>
    %div3A_308 = arith.divf %select_n3A_300, %add3A_307 : vector<1x256xf32>
    %jit3A_309 = arith.constant 0.000000e+00 : f32
    %broadcast_in_dim3A_310 = vector.broadcast %jit3A_309 : f32 to vector<1x256xf32>
    %select_n3A_311 = arith.select %ne3A_287, %div3A_308, %broadcast_in_dim3A_310 : vector<1x256xi1>, vector<1x256xf32>
    %mul3A_312 = arith.mulf %select_n3A_311, %select_n3A_311 : vector<1x256xf32>
    %add3A_313 = arith.constant 1.000000e+00 : f32
    %add3A_314 = vector.broadcast %add3A_313 : f32 to vector<1x256xf32>
    %add3A_315 = arith.addf %add3A_314, %mul3A_312 : vector<1x256xf32>
    %rsqrt3A_316 = math.rsqrt %add3A_315 : vector<1x256xf32>
    %mul3A_317 = arith.mulf %select_n3A_311, %rsqrt3A_316 : vector<1x256xf32>
    %mul3A_318 = arith.mulf %rsqrt3A_316, %mul3A_179 : vector<1x256xf32>
    %mul3A_319 = arith.mulf %mul3A_317, %add3A_266 : vector<1x256xf32>
    %sub3A_320 = arith.subf %mul3A_318, %mul3A_319 : vector<1x256xf32>
    %mul3A_321 = arith.mulf %rsqrt3A_316, %sub3A_320 : vector<1x256xf32>
    %mul3A_322 = arith.mulf %rsqrt3A_316, %add3A_266 : vector<1x256xf32>
    %mul3A_323 = arith.mulf %mul3A_317, %add3A_252 : vector<1x256xf32>
    %sub3A_324 = arith.subf %mul3A_322, %mul3A_323 : vector<1x256xf32>
    %mul3A_325 = arith.mulf %mul3A_317, %sub3A_324 : vector<1x256xf32>
    %sub3A_326 = arith.subf %mul3A_321, %mul3A_325 : vector<1x256xf32>
    %mul3A_327 = arith.mulf %mul3A_317, %mul3A_179 : vector<1x256xf32>
    %mul3A_328 = arith.mulf %rsqrt3A_316, %add3A_266 : vector<1x256xf32>
    %add3A_329 = arith.addf %mul3A_327, %mul3A_328 : vector<1x256xf32>
    %mul3A_330 = arith.mulf %mul3A_317, %add3A_329 : vector<1x256xf32>
    %mul3A_331 = arith.mulf %mul3A_317, %add3A_266 : vector<1x256xf32>
    %mul3A_332 = arith.mulf %rsqrt3A_316, %add3A_252 : vector<1x256xf32>
    %add3A_333 = arith.addf %mul3A_331, %mul3A_332 : vector<1x256xf32>
    %mul3A_334 = arith.mulf %rsqrt3A_316, %add3A_333 : vector<1x256xf32>
    %add3A_335 = arith.addf %mul3A_330, %mul3A_334 : vector<1x256xf32>
    %mul3A_336 = arith.mulf %rsqrt3A_316, %mul3A_317 : vector<1x256xf32>
    %sub3A_337 = arith.subf %mul3A_179, %add3A_252 : vector<1x256xf32>
    %mul3A_338 = arith.mulf %mul3A_336, %sub3A_337 : vector<1x256xf32>
    %mul3A_339 = arith.mulf %rsqrt3A_316, %rsqrt3A_316 : vector<1x256xf32>
    %mul3A_340 = arith.mulf %mul3A_317, %mul3A_317 : vector<1x256xf32>
    %sub3A_341 = arith.subf %mul3A_339, %mul3A_340 : vector<1x256xf32>
    %mul3A_342 = arith.mulf %sub3A_341, %add3A_266 : vector<1x256xf32>
    %add3A_343 = arith.addf %mul3A_338, %mul3A_342 : vector<1x256xf32>
    %mul3A_344 = arith.mulf %rsqrt3A_316, %sub3A_263 : vector<1x256xf32>
    %mul3A_345 = arith.mulf %mul3A_317, %add3A_260 : vector<1x256xf32>
    %sub3A_346 = arith.subf %mul3A_344, %mul3A_345 : vector<1x256xf32>
    %mul3A_347 = arith.mulf %mul3A_317, %sub3A_263 : vector<1x256xf32>
    %mul3A_348 = arith.mulf %rsqrt3A_316, %add3A_260 : vector<1x256xf32>
    %add3A_349 = arith.addf %mul3A_347, %mul3A_348 : vector<1x256xf32>
    %mul3A_350 = arith.mulf %rsqrt3A_316, %broadcast_in_dim3A_207 : vector<1x256xf32>
    %mul3A_351 = arith.mulf %mul3A_317, %add3A_272 : vector<1x256xf32>
    %sub3A_352 = arith.subf %mul3A_350, %mul3A_351 : vector<1x256xf32>
    %mul3A_353 = arith.mulf %mul3A_317, %broadcast_in_dim3A_207 : vector<1x256xf32>
    %mul3A_354 = arith.mulf %rsqrt3A_316, %add3A_272 : vector<1x256xf32>
    %add3A_355 = arith.addf %mul3A_353, %mul3A_354 : vector<1x256xf32>
    %mul3A_356 = arith.mulf %rsqrt3A_316, %broadcast_in_dim3A_205 : vector<1x256xf32>
    %mul3A_357 = arith.mulf %mul3A_317, %add3A_278 : vector<1x256xf32>
    %sub3A_358 = arith.subf %mul3A_356, %mul3A_357 : vector<1x256xf32>
    %mul3A_359 = arith.mulf %mul3A_317, %broadcast_in_dim3A_205 : vector<1x256xf32>
    %mul3A_360 = arith.mulf %rsqrt3A_316, %add3A_278 : vector<1x256xf32>
    %add3A_361 = arith.addf %mul3A_359, %mul3A_360 : vector<1x256xf32>
    %mul3A_362 = arith.mulf %rsqrt3A_316, %broadcast_in_dim3A_207 : vector<1x256xf32>
    %mul3A_363 = arith.mulf %mul3A_317, %add3A_284 : vector<1x256xf32>
    %sub3A_364 = arith.subf %mul3A_362, %mul3A_363 : vector<1x256xf32>
    %mul3A_365 = arith.mulf %mul3A_317, %broadcast_in_dim3A_207 : vector<1x256xf32>
    %mul3A_366 = arith.mulf %rsqrt3A_316, %add3A_284 : vector<1x256xf32>
    %add3A_367 = arith.addf %mul3A_365, %mul3A_366 : vector<1x256xf32>
    %ne3A_368 = arith.constant 0.000000e+00 : f32
    %ne3A_369 = vector.broadcast %ne3A_368 : f32 to vector<1x256xf32>
    %ne3A_370 = arith.cmpf one, %sub3A_346, %ne3A_369 : vector<1x256xf32>
    %sub3A_371 = arith.subf %sub3A_326, %sub3A_243 : vector<1x256xf32>
    %mul3A_372 = arith.constant 2.000000e+00 : f32
    %mul3A_373 = vector.broadcast %mul3A_372 : f32 to vector<1x256xf32>
    %mul3A_374 = arith.mulf %mul3A_373, %sub3A_346 : vector<1x256xf32>
    %div3A_375 = arith.divf %sub3A_371, %mul3A_374 : vector<1x256xf32>
    %ge3A_376 = arith.constant 0.000000e+00 : f32
    %ge3A_377 = vector.broadcast %ge3A_376 : f32 to vector<1x256xf32>
    %ge3A_378 = arith.cmpf oge, %div3A_375, %ge3A_377 : vector<1x256xf32>
    %jit3A_379 = arith.constant 1.000000e+00 : f32
    %jit3A_380 = arith.constant -1.000000e+00 : f32
    %broadcast_in_dim3A_381 = vector.broadcast %jit3A_379 : f32 to vector<1x256xf32>
    %broadcast_in_dim3A_382 = vector.broadcast %jit3A_380 : f32 to vector<1x256xf32>
    %select_n3A_383 = arith.select %ge3A_378, %broadcast_in_dim3A_381, %broadcast_in_dim3A_382 : vector<1x256xi1>, vector<1x256xf32>
    %abs3A_384 = math.absf %div3A_375 : vector<1x256xf32>
    %mul3A_385 = arith.mulf %div3A_375, %div3A_375 : vector<1x256xf32>
    %add3A_386 = arith.constant 1.000000e+00 : f32
    %add3A_387 = vector.broadcast %add3A_386 : f32 to vector<1x256xf32>
    %add3A_388 = arith.addf %add3A_387, %mul3A_385 : vector<1x256xf32>
    %sqrt3A_389 = math.sqrt %add3A_388 : vector<1x256xf32>
    %add3A_390 = arith.addf %abs3A_384, %sqrt3A_389 : vector<1x256xf32>
    %div3A_391 = arith.divf %select_n3A_383, %add3A_390 : vector<1x256xf32>
    %jit3A_392 = arith.constant 0.000000e+00 : f32
    %broadcast_in_dim3A_393 = vector.broadcast %jit3A_392 : f32 to vector<1x256xf32>
    %select_n3A_394 = arith.select %ne3A_370, %div3A_391, %broadcast_in_dim3A_393 : vector<1x256xi1>, vector<1x256xf32>
    %mul3A_395 = arith.mulf %select_n3A_394, %select_n3A_394 : vector<1x256xf32>
    %add3A_396 = arith.constant 1.000000e+00 : f32
    %add3A_397 = vector.broadcast %add3A_396 : f32 to vector<1x256xf32>
    %add3A_398 = arith.addf %add3A_397, %mul3A_395 : vector<1x256xf32>
    %rsqrt3A_399 = math.rsqrt %add3A_398 : vector<1x256xf32>
    %mul3A_400 = arith.mulf %select_n3A_394, %rsqrt3A_399 : vector<1x256xf32>
    %mul3A_401 = arith.mulf %rsqrt3A_399, %sub3A_243 : vector<1x256xf32>
    %mul3A_402 = arith.mulf %mul3A_400, %sub3A_346 : vector<1x256xf32>
    %sub3A_403 = arith.subf %mul3A_401, %mul3A_402 : vector<1x256xf32>
    %mul3A_404 = arith.mulf %rsqrt3A_399, %sub3A_403 : vector<1x256xf32>
    %mul3A_405 = arith.mulf %rsqrt3A_399, %sub3A_346 : vector<1x256xf32>
    %mul3A_406 = arith.mulf %mul3A_400, %sub3A_326 : vector<1x256xf32>
    %sub3A_407 = arith.subf %mul3A_405, %mul3A_406 : vector<1x256xf32>
    %mul3A_408 = arith.mulf %mul3A_400, %sub3A_407 : vector<1x256xf32>
    %sub3A_409 = arith.subf %mul3A_404, %mul3A_408 : vector<1x256xf32>
    %mul3A_410 = arith.mulf %mul3A_400, %sub3A_243 : vector<1x256xf32>
    %mul3A_411 = arith.mulf %rsqrt3A_399, %sub3A_346 : vector<1x256xf32>
    %add3A_412 = arith.addf %mul3A_410, %mul3A_411 : vector<1x256xf32>
    %mul3A_413 = arith.mulf %mul3A_400, %add3A_412 : vector<1x256xf32>
    %mul3A_414 = arith.mulf %mul3A_400, %sub3A_346 : vector<1x256xf32>
    %mul3A_415 = arith.mulf %rsqrt3A_399, %sub3A_326 : vector<1x256xf32>
    %add3A_416 = arith.addf %mul3A_414, %mul3A_415 : vector<1x256xf32>
    %mul3A_417 = arith.mulf %rsqrt3A_399, %add3A_416 : vector<1x256xf32>
    %add3A_418 = arith.addf %mul3A_413, %mul3A_417 : vector<1x256xf32>
    %mul3A_419 = arith.mulf %rsqrt3A_399, %mul3A_400 : vector<1x256xf32>
    %sub3A_420 = arith.subf %sub3A_243, %sub3A_326 : vector<1x256xf32>
    %mul3A_421 = arith.mulf %mul3A_419, %sub3A_420 : vector<1x256xf32>
    %mul3A_422 = arith.mulf %rsqrt3A_399, %rsqrt3A_399 : vector<1x256xf32>
    %mul3A_423 = arith.mulf %mul3A_400, %mul3A_400 : vector<1x256xf32>
    %sub3A_424 = arith.subf %mul3A_422, %mul3A_423 : vector<1x256xf32>
    %mul3A_425 = arith.mulf %sub3A_424, %sub3A_346 : vector<1x256xf32>
    %add3A_426 = arith.addf %mul3A_421, %mul3A_425 : vector<1x256xf32>
    %mul3A_427 = arith.mulf %rsqrt3A_399, %add3A_349 : vector<1x256xf32>
    %mul3A_428 = arith.mulf %mul3A_400, %add3A_343 : vector<1x256xf32>
    %sub3A_429 = arith.subf %mul3A_427, %mul3A_428 : vector<1x256xf32>
    %mul3A_430 = arith.mulf %mul3A_400, %add3A_349 : vector<1x256xf32>
    %mul3A_431 = arith.mulf %rsqrt3A_399, %add3A_343 : vector<1x256xf32>
    %add3A_432 = arith.addf %mul3A_430, %mul3A_431 : vector<1x256xf32>
    %mul3A_433 = arith.mulf %rsqrt3A_399, %sub3A_269 : vector<1x256xf32>
    %mul3A_434 = arith.mulf %mul3A_400, %sub3A_352 : vector<1x256xf32>
    %sub3A_435 = arith.subf %mul3A_433, %mul3A_434 : vector<1x256xf32>
    %mul3A_436 = arith.mulf %mul3A_400, %sub3A_269 : vector<1x256xf32>
    %mul3A_437 = arith.mulf %rsqrt3A_399, %sub3A_352 : vector<1x256xf32>
    %add3A_438 = arith.addf %mul3A_436, %mul3A_437 : vector<1x256xf32>
    %mul3A_439 = arith.mulf %rsqrt3A_399, %sub3A_275 : vector<1x256xf32>
    %mul3A_440 = arith.mulf %mul3A_400, %sub3A_358 : vector<1x256xf32>
    %sub3A_441 = arith.subf %mul3A_439, %mul3A_440 : vector<1x256xf32>
    %mul3A_442 = arith.mulf %mul3A_400, %sub3A_275 : vector<1x256xf32>
    %mul3A_443 = arith.mulf %rsqrt3A_399, %sub3A_358 : vector<1x256xf32>
    %add3A_444 = arith.addf %mul3A_442, %mul3A_443 : vector<1x256xf32>
    %mul3A_445 = arith.mulf %rsqrt3A_399, %sub3A_281 : vector<1x256xf32>
    %mul3A_446 = arith.mulf %mul3A_400, %sub3A_364 : vector<1x256xf32>
    %sub3A_447 = arith.subf %mul3A_445, %mul3A_446 : vector<1x256xf32>
    %mul3A_448 = arith.mulf %mul3A_400, %sub3A_281 : vector<1x256xf32>
    %mul3A_449 = arith.mulf %rsqrt3A_399, %sub3A_364 : vector<1x256xf32>
    %add3A_450 = arith.addf %mul3A_448, %mul3A_449 : vector<1x256xf32>
    %ne3A_451 = arith.constant 0.000000e+00 : f32
    %ne3A_452 = vector.broadcast %ne3A_451 : f32 to vector<1x256xf32>
    %ne3A_453 = arith.cmpf one, %sub3A_429, %ne3A_452 : vector<1x256xf32>
    %sub3A_454 = arith.subf %add3A_335, %sub3A_409 : vector<1x256xf32>
    %mul3A_455 = arith.constant 2.000000e+00 : f32
    %mul3A_456 = vector.broadcast %mul3A_455 : f32 to vector<1x256xf32>
    %mul3A_457 = arith.mulf %mul3A_456, %sub3A_429 : vector<1x256xf32>
    %div3A_458 = arith.divf %sub3A_454, %mul3A_457 : vector<1x256xf32>
    %ge3A_459 = arith.constant 0.000000e+00 : f32
    %ge3A_460 = vector.broadcast %ge3A_459 : f32 to vector<1x256xf32>
    %ge3A_461 = arith.cmpf oge, %div3A_458, %ge3A_460 : vector<1x256xf32>
    %jit3A_462 = arith.constant 1.000000e+00 : f32
    %jit3A_463 = arith.constant -1.000000e+00 : f32
    %broadcast_in_dim3A_464 = vector.broadcast %jit3A_462 : f32 to vector<1x256xf32>
    %broadcast_in_dim3A_465 = vector.broadcast %jit3A_463 : f32 to vector<1x256xf32>
    %select_n3A_466 = arith.select %ge3A_461, %broadcast_in_dim3A_464, %broadcast_in_dim3A_465 : vector<1x256xi1>, vector<1x256xf32>
    %abs3A_467 = math.absf %div3A_458 : vector<1x256xf32>
    %mul3A_468 = arith.mulf %div3A_458, %div3A_458 : vector<1x256xf32>
    %add3A_469 = arith.constant 1.000000e+00 : f32
    %add3A_470 = vector.broadcast %add3A_469 : f32 to vector<1x256xf32>
    %add3A_471 = arith.addf %add3A_470, %mul3A_468 : vector<1x256xf32>
    %sqrt3A_472 = math.sqrt %add3A_471 : vector<1x256xf32>
    %add3A_473 = arith.addf %abs3A_467, %sqrt3A_472 : vector<1x256xf32>
    %div3A_474 = arith.divf %select_n3A_466, %add3A_473 : vector<1x256xf32>
    %jit3A_475 = arith.constant 0.000000e+00 : f32
    %broadcast_in_dim3A_476 = vector.broadcast %jit3A_475 : f32 to vector<1x256xf32>
    %select_n3A_477 = arith.select %ne3A_453, %div3A_474, %broadcast_in_dim3A_476 : vector<1x256xi1>, vector<1x256xf32>
    %mul3A_478 = arith.mulf %select_n3A_477, %select_n3A_477 : vector<1x256xf32>
    %add3A_479 = arith.constant 1.000000e+00 : f32
    %add3A_480 = vector.broadcast %add3A_479 : f32 to vector<1x256xf32>
    %add3A_481 = arith.addf %add3A_480, %mul3A_478 : vector<1x256xf32>
    %rsqrt3A_482 = math.rsqrt %add3A_481 : vector<1x256xf32>
    %mul3A_483 = arith.mulf %select_n3A_477, %rsqrt3A_482 : vector<1x256xf32>
    %mul3A_484 = arith.mulf %rsqrt3A_482, %sub3A_409 : vector<1x256xf32>
    %mul3A_485 = arith.mulf %mul3A_483, %sub3A_429 : vector<1x256xf32>
    %sub3A_486 = arith.subf %mul3A_484, %mul3A_485 : vector<1x256xf32>
    %mul3A_487 = arith.mulf %rsqrt3A_482, %sub3A_486 : vector<1x256xf32>
    %mul3A_488 = arith.mulf %rsqrt3A_482, %sub3A_429 : vector<1x256xf32>
    %mul3A_489 = arith.mulf %mul3A_483, %add3A_335 : vector<1x256xf32>
    %sub3A_490 = arith.subf %mul3A_488, %mul3A_489 : vector<1x256xf32>
    %mul3A_491 = arith.mulf %mul3A_483, %sub3A_490 : vector<1x256xf32>
    %sub3A_492 = arith.subf %mul3A_487, %mul3A_491 : vector<1x256xf32>
    %mul3A_493 = arith.mulf %mul3A_483, %sub3A_409 : vector<1x256xf32>
    %mul3A_494 = arith.mulf %rsqrt3A_482, %sub3A_429 : vector<1x256xf32>
    %add3A_495 = arith.addf %mul3A_493, %mul3A_494 : vector<1x256xf32>
    %mul3A_496 = arith.mulf %mul3A_483, %add3A_495 : vector<1x256xf32>
    %mul3A_497 = arith.mulf %mul3A_483, %sub3A_429 : vector<1x256xf32>
    %mul3A_498 = arith.mulf %rsqrt3A_482, %add3A_335 : vector<1x256xf32>
    %add3A_499 = arith.addf %mul3A_497, %mul3A_498 : vector<1x256xf32>
    %mul3A_500 = arith.mulf %rsqrt3A_482, %add3A_499 : vector<1x256xf32>
    %add3A_501 = arith.addf %mul3A_496, %mul3A_500 : vector<1x256xf32>
    %mul3A_502 = arith.mulf %rsqrt3A_482, %mul3A_483 : vector<1x256xf32>
    %sub3A_503 = arith.subf %sub3A_409, %add3A_335 : vector<1x256xf32>
    %mul3A_504 = arith.mulf %mul3A_502, %sub3A_503 : vector<1x256xf32>
    %mul3A_505 = arith.mulf %rsqrt3A_482, %rsqrt3A_482 : vector<1x256xf32>
    %mul3A_506 = arith.mulf %mul3A_483, %mul3A_483 : vector<1x256xf32>
    %sub3A_507 = arith.subf %mul3A_505, %mul3A_506 : vector<1x256xf32>
    %mul3A_508 = arith.mulf %sub3A_507, %sub3A_429 : vector<1x256xf32>
    %add3A_509 = arith.addf %mul3A_504, %mul3A_508 : vector<1x256xf32>
    %mul3A_510 = arith.mulf %rsqrt3A_482, %add3A_426 : vector<1x256xf32>
    %mul3A_511 = arith.mulf %mul3A_483, %add3A_432 : vector<1x256xf32>
    %sub3A_512 = arith.subf %mul3A_510, %mul3A_511 : vector<1x256xf32>
    %mul3A_513 = arith.mulf %mul3A_483, %add3A_426 : vector<1x256xf32>
    %mul3A_514 = arith.mulf %rsqrt3A_482, %add3A_432 : vector<1x256xf32>
    %add3A_515 = arith.addf %mul3A_513, %mul3A_514 : vector<1x256xf32>
    %mul3A_516 = arith.mulf %rsqrt3A_482, %sub3A_435 : vector<1x256xf32>
    %mul3A_517 = arith.mulf %mul3A_483, %add3A_355 : vector<1x256xf32>
    %sub3A_518 = arith.subf %mul3A_516, %mul3A_517 : vector<1x256xf32>
    %mul3A_519 = arith.mulf %mul3A_483, %sub3A_435 : vector<1x256xf32>
    %mul3A_520 = arith.mulf %rsqrt3A_482, %add3A_355 : vector<1x256xf32>
    %add3A_521 = arith.addf %mul3A_519, %mul3A_520 : vector<1x256xf32>
    %mul3A_522 = arith.mulf %rsqrt3A_482, %sub3A_441 : vector<1x256xf32>
    %mul3A_523 = arith.mulf %mul3A_483, %add3A_361 : vector<1x256xf32>
    %sub3A_524 = arith.subf %mul3A_522, %mul3A_523 : vector<1x256xf32>
    %mul3A_525 = arith.mulf %mul3A_483, %sub3A_441 : vector<1x256xf32>
    %mul3A_526 = arith.mulf %rsqrt3A_482, %add3A_361 : vector<1x256xf32>
    %add3A_527 = arith.addf %mul3A_525, %mul3A_526 : vector<1x256xf32>
    %mul3A_528 = arith.mulf %rsqrt3A_482, %sub3A_447 : vector<1x256xf32>
    %mul3A_529 = arith.mulf %mul3A_483, %add3A_367 : vector<1x256xf32>
    %sub3A_530 = arith.subf %mul3A_528, %mul3A_529 : vector<1x256xf32>
    %mul3A_531 = arith.mulf %mul3A_483, %sub3A_447 : vector<1x256xf32>
    %mul3A_532 = arith.mulf %rsqrt3A_482, %add3A_367 : vector<1x256xf32>
    %add3A_533 = arith.addf %mul3A_531, %mul3A_532 : vector<1x256xf32>
    %ne3A_534 = arith.constant 0.000000e+00 : f32
    %ne3A_535 = vector.broadcast %ne3A_534 : f32 to vector<1x256xf32>
    %ne3A_536 = arith.cmpf one, %add3A_515, %ne3A_535 : vector<1x256xf32>
    %sub3A_537 = arith.subf %add3A_501, %add3A_418 : vector<1x256xf32>
    %mul3A_538 = arith.constant 2.000000e+00 : f32
    %mul3A_539 = vector.broadcast %mul3A_538 : f32 to vector<1x256xf32>
    %mul3A_540 = arith.mulf %mul3A_539, %add3A_515 : vector<1x256xf32>
    %div3A_541 = arith.divf %sub3A_537, %mul3A_540 : vector<1x256xf32>
    %ge3A_542 = arith.constant 0.000000e+00 : f32
    %ge3A_543 = vector.broadcast %ge3A_542 : f32 to vector<1x256xf32>
    %ge3A_544 = arith.cmpf oge, %div3A_541, %ge3A_543 : vector<1x256xf32>
    %jit3A_545 = arith.constant 1.000000e+00 : f32
    %jit3A_546 = arith.constant -1.000000e+00 : f32
    %broadcast_in_dim3A_547 = vector.broadcast %jit3A_545 : f32 to vector<1x256xf32>
    %broadcast_in_dim3A_548 = vector.broadcast %jit3A_546 : f32 to vector<1x256xf32>
    %select_n3A_549 = arith.select %ge3A_544, %broadcast_in_dim3A_547, %broadcast_in_dim3A_548 : vector<1x256xi1>, vector<1x256xf32>
    %abs3A_550 = math.absf %div3A_541 : vector<1x256xf32>
    %mul3A_551 = arith.mulf %div3A_541, %div3A_541 : vector<1x256xf32>
    %add3A_552 = arith.constant 1.000000e+00 : f32
    %add3A_553 = vector.broadcast %add3A_552 : f32 to vector<1x256xf32>
    %add3A_554 = arith.addf %add3A_553, %mul3A_551 : vector<1x256xf32>
    %sqrt3A_555 = math.sqrt %add3A_554 : vector<1x256xf32>
    %add3A_556 = arith.addf %abs3A_550, %sqrt3A_555 : vector<1x256xf32>
    %div3A_557 = arith.divf %select_n3A_549, %add3A_556 : vector<1x256xf32>
    %jit3A_558 = arith.constant 0.000000e+00 : f32
    %broadcast_in_dim3A_559 = vector.broadcast %jit3A_558 : f32 to vector<1x256xf32>
    %select_n3A_560 = arith.select %ne3A_536, %div3A_557, %broadcast_in_dim3A_559 : vector<1x256xi1>, vector<1x256xf32>
    %mul3A_561 = arith.mulf %select_n3A_560, %select_n3A_560 : vector<1x256xf32>
    %add3A_562 = arith.constant 1.000000e+00 : f32
    %add3A_563 = vector.broadcast %add3A_562 : f32 to vector<1x256xf32>
    %add3A_564 = arith.addf %add3A_563, %mul3A_561 : vector<1x256xf32>
    %rsqrt3A_565 = math.rsqrt %add3A_564 : vector<1x256xf32>
    %mul3A_566 = arith.mulf %select_n3A_560, %rsqrt3A_565 : vector<1x256xf32>
    %mul3A_567 = arith.mulf %rsqrt3A_565, %add3A_418 : vector<1x256xf32>
    %mul3A_568 = arith.mulf %mul3A_566, %add3A_515 : vector<1x256xf32>
    %sub3A_569 = arith.subf %mul3A_567, %mul3A_568 : vector<1x256xf32>
    %mul3A_570 = arith.mulf %rsqrt3A_565, %sub3A_569 : vector<1x256xf32>
    %mul3A_571 = arith.mulf %rsqrt3A_565, %add3A_515 : vector<1x256xf32>
    %mul3A_572 = arith.mulf %mul3A_566, %add3A_501 : vector<1x256xf32>
    %sub3A_573 = arith.subf %mul3A_571, %mul3A_572 : vector<1x256xf32>
    %mul3A_574 = arith.mulf %mul3A_566, %sub3A_573 : vector<1x256xf32>
    %sub3A_575 = arith.subf %mul3A_570, %mul3A_574 : vector<1x256xf32>
    %mul3A_576 = arith.mulf %mul3A_566, %add3A_418 : vector<1x256xf32>
    %mul3A_577 = arith.mulf %rsqrt3A_565, %add3A_515 : vector<1x256xf32>
    %add3A_578 = arith.addf %mul3A_576, %mul3A_577 : vector<1x256xf32>
    %mul3A_579 = arith.mulf %mul3A_566, %add3A_578 : vector<1x256xf32>
    %mul3A_580 = arith.mulf %mul3A_566, %add3A_515 : vector<1x256xf32>
    %mul3A_581 = arith.mulf %rsqrt3A_565, %add3A_501 : vector<1x256xf32>
    %add3A_582 = arith.addf %mul3A_580, %mul3A_581 : vector<1x256xf32>
    %mul3A_583 = arith.mulf %rsqrt3A_565, %add3A_582 : vector<1x256xf32>
    %add3A_584 = arith.addf %mul3A_579, %mul3A_583 : vector<1x256xf32>
    %mul3A_585 = arith.mulf %rsqrt3A_565, %mul3A_566 : vector<1x256xf32>
    %sub3A_586 = arith.subf %add3A_418, %add3A_501 : vector<1x256xf32>
    %mul3A_587 = arith.mulf %mul3A_585, %sub3A_586 : vector<1x256xf32>
    %mul3A_588 = arith.mulf %rsqrt3A_565, %rsqrt3A_565 : vector<1x256xf32>
    %mul3A_589 = arith.mulf %mul3A_566, %mul3A_566 : vector<1x256xf32>
    %sub3A_590 = arith.subf %mul3A_588, %mul3A_589 : vector<1x256xf32>
    %mul3A_591 = arith.mulf %sub3A_590, %add3A_515 : vector<1x256xf32>
    %add3A_592 = arith.addf %mul3A_587, %mul3A_591 : vector<1x256xf32>
    %mul3A_593 = arith.mulf %rsqrt3A_565, %sub3A_512 : vector<1x256xf32>
    %mul3A_594 = arith.mulf %mul3A_566, %add3A_509 : vector<1x256xf32>
    %sub3A_595 = arith.subf %mul3A_593, %mul3A_594 : vector<1x256xf32>
    %mul3A_596 = arith.mulf %mul3A_566, %sub3A_512 : vector<1x256xf32>
    %mul3A_597 = arith.mulf %rsqrt3A_565, %add3A_509 : vector<1x256xf32>
    %add3A_598 = arith.addf %mul3A_596, %mul3A_597 : vector<1x256xf32>
    %mul3A_599 = arith.mulf %rsqrt3A_565, %add3A_438 : vector<1x256xf32>
    %mul3A_600 = arith.mulf %mul3A_566, %add3A_521 : vector<1x256xf32>
    %sub3A_601 = arith.subf %mul3A_599, %mul3A_600 : vector<1x256xf32>
    %mul3A_602 = arith.mulf %mul3A_566, %add3A_438 : vector<1x256xf32>
    %mul3A_603 = arith.mulf %rsqrt3A_565, %add3A_521 : vector<1x256xf32>
    %add3A_604 = arith.addf %mul3A_602, %mul3A_603 : vector<1x256xf32>
    %mul3A_605 = arith.mulf %rsqrt3A_565, %add3A_444 : vector<1x256xf32>
    %mul3A_606 = arith.mulf %mul3A_566, %add3A_527 : vector<1x256xf32>
    %sub3A_607 = arith.subf %mul3A_605, %mul3A_606 : vector<1x256xf32>
    %mul3A_608 = arith.mulf %mul3A_566, %add3A_444 : vector<1x256xf32>
    %mul3A_609 = arith.mulf %rsqrt3A_565, %add3A_527 : vector<1x256xf32>
    %add3A_610 = arith.addf %mul3A_608, %mul3A_609 : vector<1x256xf32>
    %mul3A_611 = arith.mulf %rsqrt3A_565, %add3A_450 : vector<1x256xf32>
    %mul3A_612 = arith.mulf %mul3A_566, %add3A_533 : vector<1x256xf32>
    %sub3A_613 = arith.subf %mul3A_611, %mul3A_612 : vector<1x256xf32>
    %mul3A_614 = arith.mulf %mul3A_566, %add3A_450 : vector<1x256xf32>
    %mul3A_615 = arith.mulf %rsqrt3A_565, %add3A_533 : vector<1x256xf32>
    %add3A_616 = arith.addf %mul3A_614, %mul3A_615 : vector<1x256xf32>
    %ne3A_617 = arith.constant 0.000000e+00 : f32
    %ne3A_618 = vector.broadcast %ne3A_617 : f32 to vector<1x256xf32>
    %ne3A_619 = arith.cmpf one, %sub3A_595, %ne3A_618 : vector<1x256xf32>
    %sub3A_620 = arith.subf %sub3A_575, %sub3A_492 : vector<1x256xf32>
    %mul3A_621 = arith.constant 2.000000e+00 : f32
    %mul3A_622 = vector.broadcast %mul3A_621 : f32 to vector<1x256xf32>
    %mul3A_623 = arith.mulf %mul3A_622, %sub3A_595 : vector<1x256xf32>
    %div3A_624 = arith.divf %sub3A_620, %mul3A_623 : vector<1x256xf32>
    %ge3A_625 = arith.constant 0.000000e+00 : f32
    %ge3A_626 = vector.broadcast %ge3A_625 : f32 to vector<1x256xf32>
    %ge3A_627 = arith.cmpf oge, %div3A_624, %ge3A_626 : vector<1x256xf32>
    %jit3A_628 = arith.constant 1.000000e+00 : f32
    %jit3A_629 = arith.constant -1.000000e+00 : f32
    %broadcast_in_dim3A_630 = vector.broadcast %jit3A_628 : f32 to vector<1x256xf32>
    %broadcast_in_dim3A_631 = vector.broadcast %jit3A_629 : f32 to vector<1x256xf32>
    %select_n3A_632 = arith.select %ge3A_627, %broadcast_in_dim3A_630, %broadcast_in_dim3A_631 : vector<1x256xi1>, vector<1x256xf32>
    %abs3A_633 = math.absf %div3A_624 : vector<1x256xf32>
    %mul3A_634 = arith.mulf %div3A_624, %div3A_624 : vector<1x256xf32>
    %add3A_635 = arith.constant 1.000000e+00 : f32
    %add3A_636 = vector.broadcast %add3A_635 : f32 to vector<1x256xf32>
    %add3A_637 = arith.addf %add3A_636, %mul3A_634 : vector<1x256xf32>
    %sqrt3A_638 = math.sqrt %add3A_637 : vector<1x256xf32>
    %add3A_639 = arith.addf %abs3A_633, %sqrt3A_638 : vector<1x256xf32>
    %div3A_640 = arith.divf %select_n3A_632, %add3A_639 : vector<1x256xf32>
    %jit3A_641 = arith.constant 0.000000e+00 : f32
    %broadcast_in_dim3A_642 = vector.broadcast %jit3A_641 : f32 to vector<1x256xf32>
    %select_n3A_643 = arith.select %ne3A_619, %div3A_640, %broadcast_in_dim3A_642 : vector<1x256xi1>, vector<1x256xf32>
    %mul3A_644 = arith.mulf %select_n3A_643, %select_n3A_643 : vector<1x256xf32>
    %add3A_645 = arith.constant 1.000000e+00 : f32
    %add3A_646 = vector.broadcast %add3A_645 : f32 to vector<1x256xf32>
    %add3A_647 = arith.addf %add3A_646, %mul3A_644 : vector<1x256xf32>
    %rsqrt3A_648 = math.rsqrt %add3A_647 : vector<1x256xf32>
    %mul3A_649 = arith.mulf %select_n3A_643, %rsqrt3A_648 : vector<1x256xf32>
    %mul3A_650 = arith.mulf %rsqrt3A_648, %sub3A_492 : vector<1x256xf32>
    %mul3A_651 = arith.mulf %mul3A_649, %sub3A_595 : vector<1x256xf32>
    %sub3A_652 = arith.subf %mul3A_650, %mul3A_651 : vector<1x256xf32>
    %mul3A_653 = arith.mulf %rsqrt3A_648, %sub3A_652 : vector<1x256xf32>
    %mul3A_654 = arith.mulf %rsqrt3A_648, %sub3A_595 : vector<1x256xf32>
    %mul3A_655 = arith.mulf %mul3A_649, %sub3A_575 : vector<1x256xf32>
    %sub3A_656 = arith.subf %mul3A_654, %mul3A_655 : vector<1x256xf32>
    %mul3A_657 = arith.mulf %mul3A_649, %sub3A_656 : vector<1x256xf32>
    %sub3A_658 = arith.subf %mul3A_653, %mul3A_657 : vector<1x256xf32>
    %mul3A_659 = arith.mulf %mul3A_649, %sub3A_492 : vector<1x256xf32>
    %mul3A_660 = arith.mulf %rsqrt3A_648, %sub3A_595 : vector<1x256xf32>
    %add3A_661 = arith.addf %mul3A_659, %mul3A_660 : vector<1x256xf32>
    %mul3A_662 = arith.mulf %mul3A_649, %add3A_661 : vector<1x256xf32>
    %mul3A_663 = arith.mulf %mul3A_649, %sub3A_595 : vector<1x256xf32>
    %mul3A_664 = arith.mulf %rsqrt3A_648, %sub3A_575 : vector<1x256xf32>
    %add3A_665 = arith.addf %mul3A_663, %mul3A_664 : vector<1x256xf32>
    %mul3A_666 = arith.mulf %rsqrt3A_648, %add3A_665 : vector<1x256xf32>
    %add3A_667 = arith.addf %mul3A_662, %mul3A_666 : vector<1x256xf32>
    %mul3A_668 = arith.mulf %rsqrt3A_648, %mul3A_649 : vector<1x256xf32>
    %sub3A_669 = arith.subf %sub3A_492, %sub3A_575 : vector<1x256xf32>
    %mul3A_670 = arith.mulf %mul3A_668, %sub3A_669 : vector<1x256xf32>
    %mul3A_671 = arith.mulf %rsqrt3A_648, %rsqrt3A_648 : vector<1x256xf32>
    %mul3A_672 = arith.mulf %mul3A_649, %mul3A_649 : vector<1x256xf32>
    %sub3A_673 = arith.subf %mul3A_671, %mul3A_672 : vector<1x256xf32>
    %mul3A_674 = arith.mulf %sub3A_673, %sub3A_595 : vector<1x256xf32>
    %add3A_675 = arith.addf %mul3A_670, %mul3A_674 : vector<1x256xf32>
    %mul3A_676 = arith.mulf %rsqrt3A_648, %add3A_598 : vector<1x256xf32>
    %mul3A_677 = arith.mulf %mul3A_649, %add3A_592 : vector<1x256xf32>
    %sub3A_678 = arith.subf %mul3A_676, %mul3A_677 : vector<1x256xf32>
    %mul3A_679 = arith.mulf %mul3A_649, %add3A_598 : vector<1x256xf32>
    %mul3A_680 = arith.mulf %rsqrt3A_648, %add3A_592 : vector<1x256xf32>
    %add3A_681 = arith.addf %mul3A_679, %mul3A_680 : vector<1x256xf32>
    %mul3A_682 = arith.mulf %rsqrt3A_648, %sub3A_518 : vector<1x256xf32>
    %mul3A_683 = arith.mulf %mul3A_649, %sub3A_601 : vector<1x256xf32>
    %sub3A_684 = arith.subf %mul3A_682, %mul3A_683 : vector<1x256xf32>
    %mul3A_685 = arith.mulf %mul3A_649, %sub3A_518 : vector<1x256xf32>
    %mul3A_686 = arith.mulf %rsqrt3A_648, %sub3A_601 : vector<1x256xf32>
    %add3A_687 = arith.addf %mul3A_685, %mul3A_686 : vector<1x256xf32>
    %mul3A_688 = arith.mulf %rsqrt3A_648, %sub3A_524 : vector<1x256xf32>
    %mul3A_689 = arith.mulf %mul3A_649, %sub3A_607 : vector<1x256xf32>
    %sub3A_690 = arith.subf %mul3A_688, %mul3A_689 : vector<1x256xf32>
    %mul3A_691 = arith.mulf %mul3A_649, %sub3A_524 : vector<1x256xf32>
    %mul3A_692 = arith.mulf %rsqrt3A_648, %sub3A_607 : vector<1x256xf32>
    %add3A_693 = arith.addf %mul3A_691, %mul3A_692 : vector<1x256xf32>
    %mul3A_694 = arith.mulf %rsqrt3A_648, %sub3A_530 : vector<1x256xf32>
    %mul3A_695 = arith.mulf %mul3A_649, %sub3A_613 : vector<1x256xf32>
    %sub3A_696 = arith.subf %mul3A_694, %mul3A_695 : vector<1x256xf32>
    %mul3A_697 = arith.mulf %mul3A_649, %sub3A_530 : vector<1x256xf32>
    %mul3A_698 = arith.mulf %rsqrt3A_648, %sub3A_613 : vector<1x256xf32>
    %add3A_699 = arith.addf %mul3A_697, %mul3A_698 : vector<1x256xf32>
    %ne3A_700 = arith.constant 0.000000e+00 : f32
    %ne3A_701 = vector.broadcast %ne3A_700 : f32 to vector<1x256xf32>
    %ne3A_702 = arith.cmpf one, %sub3A_678, %ne3A_701 : vector<1x256xf32>
    %sub3A_703 = arith.subf %add3A_584, %sub3A_658 : vector<1x256xf32>
    %mul3A_704 = arith.constant 2.000000e+00 : f32
    %mul3A_705 = vector.broadcast %mul3A_704 : f32 to vector<1x256xf32>
    %mul3A_706 = arith.mulf %mul3A_705, %sub3A_678 : vector<1x256xf32>
    %div3A_707 = arith.divf %sub3A_703, %mul3A_706 : vector<1x256xf32>
    %ge3A_708 = arith.constant 0.000000e+00 : f32
    %ge3A_709 = vector.broadcast %ge3A_708 : f32 to vector<1x256xf32>
    %ge3A_710 = arith.cmpf oge, %div3A_707, %ge3A_709 : vector<1x256xf32>
    %jit3A_711 = arith.constant 1.000000e+00 : f32
    %jit3A_712 = arith.constant -1.000000e+00 : f32
    %broadcast_in_dim3A_713 = vector.broadcast %jit3A_711 : f32 to vector<1x256xf32>
    %broadcast_in_dim3A_714 = vector.broadcast %jit3A_712 : f32 to vector<1x256xf32>
    %select_n3A_715 = arith.select %ge3A_710, %broadcast_in_dim3A_713, %broadcast_in_dim3A_714 : vector<1x256xi1>, vector<1x256xf32>
    %abs3A_716 = math.absf %div3A_707 : vector<1x256xf32>
    %mul3A_717 = arith.mulf %div3A_707, %div3A_707 : vector<1x256xf32>
    %add3A_718 = arith.constant 1.000000e+00 : f32
    %add3A_719 = vector.broadcast %add3A_718 : f32 to vector<1x256xf32>
    %add3A_720 = arith.addf %add3A_719, %mul3A_717 : vector<1x256xf32>
    %sqrt3A_721 = math.sqrt %add3A_720 : vector<1x256xf32>
    %add3A_722 = arith.addf %abs3A_716, %sqrt3A_721 : vector<1x256xf32>
    %div3A_723 = arith.divf %select_n3A_715, %add3A_722 : vector<1x256xf32>
    %jit3A_724 = arith.constant 0.000000e+00 : f32
    %broadcast_in_dim3A_725 = vector.broadcast %jit3A_724 : f32 to vector<1x256xf32>
    %select_n3A_726 = arith.select %ne3A_702, %div3A_723, %broadcast_in_dim3A_725 : vector<1x256xi1>, vector<1x256xf32>
    %mul3A_727 = arith.mulf %select_n3A_726, %select_n3A_726 : vector<1x256xf32>
    %add3A_728 = arith.constant 1.000000e+00 : f32
    %add3A_729 = vector.broadcast %add3A_728 : f32 to vector<1x256xf32>
    %add3A_730 = arith.addf %add3A_729, %mul3A_727 : vector<1x256xf32>
    %rsqrt3A_731 = math.rsqrt %add3A_730 : vector<1x256xf32>
    %mul3A_732 = arith.mulf %select_n3A_726, %rsqrt3A_731 : vector<1x256xf32>
    %mul3A_733 = arith.mulf %rsqrt3A_731, %sub3A_658 : vector<1x256xf32>
    %mul3A_734 = arith.mulf %mul3A_732, %sub3A_678 : vector<1x256xf32>
    %sub3A_735 = arith.subf %mul3A_733, %mul3A_734 : vector<1x256xf32>
    %mul3A_736 = arith.mulf %rsqrt3A_731, %sub3A_735 : vector<1x256xf32>
    %mul3A_737 = arith.mulf %rsqrt3A_731, %sub3A_678 : vector<1x256xf32>
    %mul3A_738 = arith.mulf %mul3A_732, %add3A_584 : vector<1x256xf32>
    %sub3A_739 = arith.subf %mul3A_737, %mul3A_738 : vector<1x256xf32>
    %mul3A_740 = arith.mulf %mul3A_732, %sub3A_739 : vector<1x256xf32>
    %sub3A_741 = arith.subf %mul3A_736, %mul3A_740 : vector<1x256xf32>
    %mul3A_742 = arith.mulf %mul3A_732, %sub3A_658 : vector<1x256xf32>
    %mul3A_743 = arith.mulf %rsqrt3A_731, %sub3A_678 : vector<1x256xf32>
    %add3A_744 = arith.addf %mul3A_742, %mul3A_743 : vector<1x256xf32>
    %mul3A_745 = arith.mulf %mul3A_732, %add3A_744 : vector<1x256xf32>
    %mul3A_746 = arith.mulf %mul3A_732, %sub3A_678 : vector<1x256xf32>
    %mul3A_747 = arith.mulf %rsqrt3A_731, %add3A_584 : vector<1x256xf32>
    %add3A_748 = arith.addf %mul3A_746, %mul3A_747 : vector<1x256xf32>
    %mul3A_749 = arith.mulf %rsqrt3A_731, %add3A_748 : vector<1x256xf32>
    %add3A_750 = arith.addf %mul3A_745, %mul3A_749 : vector<1x256xf32>
    %mul3A_751 = arith.mulf %rsqrt3A_731, %mul3A_732 : vector<1x256xf32>
    %sub3A_752 = arith.subf %sub3A_658, %add3A_584 : vector<1x256xf32>
    %mul3A_753 = arith.mulf %mul3A_751, %sub3A_752 : vector<1x256xf32>
    %mul3A_754 = arith.mulf %rsqrt3A_731, %rsqrt3A_731 : vector<1x256xf32>
    %mul3A_755 = arith.mulf %mul3A_732, %mul3A_732 : vector<1x256xf32>
    %sub3A_756 = arith.subf %mul3A_754, %mul3A_755 : vector<1x256xf32>
    %mul3A_757 = arith.mulf %sub3A_756, %sub3A_678 : vector<1x256xf32>
    %add3A_758 = arith.addf %mul3A_753, %mul3A_757 : vector<1x256xf32>
    %mul3A_759 = arith.mulf %rsqrt3A_731, %add3A_675 : vector<1x256xf32>
    %mul3A_760 = arith.mulf %mul3A_732, %add3A_681 : vector<1x256xf32>
    %sub3A_761 = arith.subf %mul3A_759, %mul3A_760 : vector<1x256xf32>
    %mul3A_762 = arith.mulf %mul3A_732, %add3A_675 : vector<1x256xf32>
    %mul3A_763 = arith.mulf %rsqrt3A_731, %add3A_681 : vector<1x256xf32>
    %add3A_764 = arith.addf %mul3A_762, %mul3A_763 : vector<1x256xf32>
    %mul3A_765 = arith.mulf %rsqrt3A_731, %sub3A_684 : vector<1x256xf32>
    %mul3A_766 = arith.mulf %mul3A_732, %add3A_604 : vector<1x256xf32>
    %sub3A_767 = arith.subf %mul3A_765, %mul3A_766 : vector<1x256xf32>
    %mul3A_768 = arith.mulf %mul3A_732, %sub3A_684 : vector<1x256xf32>
    %mul3A_769 = arith.mulf %rsqrt3A_731, %add3A_604 : vector<1x256xf32>
    %add3A_770 = arith.addf %mul3A_768, %mul3A_769 : vector<1x256xf32>
    %mul3A_771 = arith.mulf %rsqrt3A_731, %sub3A_690 : vector<1x256xf32>
    %mul3A_772 = arith.mulf %mul3A_732, %add3A_610 : vector<1x256xf32>
    %sub3A_773 = arith.subf %mul3A_771, %mul3A_772 : vector<1x256xf32>
    %mul3A_774 = arith.mulf %mul3A_732, %sub3A_690 : vector<1x256xf32>
    %mul3A_775 = arith.mulf %rsqrt3A_731, %add3A_610 : vector<1x256xf32>
    %add3A_776 = arith.addf %mul3A_774, %mul3A_775 : vector<1x256xf32>
    %mul3A_777 = arith.mulf %rsqrt3A_731, %sub3A_696 : vector<1x256xf32>
    %mul3A_778 = arith.mulf %mul3A_732, %add3A_616 : vector<1x256xf32>
    %sub3A_779 = arith.subf %mul3A_777, %mul3A_778 : vector<1x256xf32>
    %mul3A_780 = arith.mulf %mul3A_732, %sub3A_696 : vector<1x256xf32>
    %mul3A_781 = arith.mulf %rsqrt3A_731, %add3A_616 : vector<1x256xf32>
    %add3A_782 = arith.addf %mul3A_780, %mul3A_781 : vector<1x256xf32>
    %ne3A_783 = arith.constant 0.000000e+00 : f32
    %ne3A_784 = vector.broadcast %ne3A_783 : f32 to vector<1x256xf32>
    %ne3A_785 = arith.cmpf one, %add3A_764, %ne3A_784 : vector<1x256xf32>
    %sub3A_786 = arith.subf %add3A_750, %add3A_667 : vector<1x256xf32>
    %mul3A_787 = arith.constant 2.000000e+00 : f32
    %mul3A_788 = vector.broadcast %mul3A_787 : f32 to vector<1x256xf32>
    %mul3A_789 = arith.mulf %mul3A_788, %add3A_764 : vector<1x256xf32>
    %div3A_790 = arith.divf %sub3A_786, %mul3A_789 : vector<1x256xf32>
    %ge3A_791 = arith.constant 0.000000e+00 : f32
    %ge3A_792 = vector.broadcast %ge3A_791 : f32 to vector<1x256xf32>
    %ge3A_793 = arith.cmpf oge, %div3A_790, %ge3A_792 : vector<1x256xf32>
    %jit3A_794 = arith.constant 1.000000e+00 : f32
    %jit3A_795 = arith.constant -1.000000e+00 : f32
    %broadcast_in_dim3A_796 = vector.broadcast %jit3A_794 : f32 to vector<1x256xf32>
    %broadcast_in_dim3A_797 = vector.broadcast %jit3A_795 : f32 to vector<1x256xf32>
    %select_n3A_798 = arith.select %ge3A_793, %broadcast_in_dim3A_796, %broadcast_in_dim3A_797 : vector<1x256xi1>, vector<1x256xf32>
    %abs3A_799 = math.absf %div3A_790 : vector<1x256xf32>
    %mul3A_800 = arith.mulf %div3A_790, %div3A_790 : vector<1x256xf32>
    %add3A_801 = arith.constant 1.000000e+00 : f32
    %add3A_802 = vector.broadcast %add3A_801 : f32 to vector<1x256xf32>
    %add3A_803 = arith.addf %add3A_802, %mul3A_800 : vector<1x256xf32>
    %sqrt3A_804 = math.sqrt %add3A_803 : vector<1x256xf32>
    %add3A_805 = arith.addf %abs3A_799, %sqrt3A_804 : vector<1x256xf32>
    %div3A_806 = arith.divf %select_n3A_798, %add3A_805 : vector<1x256xf32>
    %jit3A_807 = arith.constant 0.000000e+00 : f32
    %broadcast_in_dim3A_808 = vector.broadcast %jit3A_807 : f32 to vector<1x256xf32>
    %select_n3A_809 = arith.select %ne3A_785, %div3A_806, %broadcast_in_dim3A_808 : vector<1x256xi1>, vector<1x256xf32>
    %mul3A_810 = arith.mulf %select_n3A_809, %select_n3A_809 : vector<1x256xf32>
    %add3A_811 = arith.constant 1.000000e+00 : f32
    %add3A_812 = vector.broadcast %add3A_811 : f32 to vector<1x256xf32>
    %add3A_813 = arith.addf %add3A_812, %mul3A_810 : vector<1x256xf32>
    %rsqrt3A_814 = math.rsqrt %add3A_813 : vector<1x256xf32>
    %mul3A_815 = arith.mulf %select_n3A_809, %rsqrt3A_814 : vector<1x256xf32>
    %mul3A_816 = arith.mulf %rsqrt3A_814, %add3A_667 : vector<1x256xf32>
    %mul3A_817 = arith.mulf %mul3A_815, %add3A_764 : vector<1x256xf32>
    %sub3A_818 = arith.subf %mul3A_816, %mul3A_817 : vector<1x256xf32>
    %mul3A_819 = arith.mulf %rsqrt3A_814, %sub3A_818 : vector<1x256xf32>
    %mul3A_820 = arith.mulf %rsqrt3A_814, %add3A_764 : vector<1x256xf32>
    %mul3A_821 = arith.mulf %mul3A_815, %add3A_750 : vector<1x256xf32>
    %sub3A_822 = arith.subf %mul3A_820, %mul3A_821 : vector<1x256xf32>
    %mul3A_823 = arith.mulf %mul3A_815, %sub3A_822 : vector<1x256xf32>
    %sub3A_824 = arith.subf %mul3A_819, %mul3A_823 : vector<1x256xf32>
    %mul3A_825 = arith.mulf %mul3A_815, %add3A_667 : vector<1x256xf32>
    %mul3A_826 = arith.mulf %rsqrt3A_814, %add3A_764 : vector<1x256xf32>
    %add3A_827 = arith.addf %mul3A_825, %mul3A_826 : vector<1x256xf32>
    %mul3A_828 = arith.mulf %mul3A_815, %add3A_827 : vector<1x256xf32>
    %mul3A_829 = arith.mulf %mul3A_815, %add3A_764 : vector<1x256xf32>
    %mul3A_830 = arith.mulf %rsqrt3A_814, %add3A_750 : vector<1x256xf32>
    %add3A_831 = arith.addf %mul3A_829, %mul3A_830 : vector<1x256xf32>
    %mul3A_832 = arith.mulf %rsqrt3A_814, %add3A_831 : vector<1x256xf32>
    %add3A_833 = arith.addf %mul3A_828, %mul3A_832 : vector<1x256xf32>
    %mul3A_834 = arith.mulf %rsqrt3A_814, %mul3A_815 : vector<1x256xf32>
    %sub3A_835 = arith.subf %add3A_667, %add3A_750 : vector<1x256xf32>
    %mul3A_836 = arith.mulf %mul3A_834, %sub3A_835 : vector<1x256xf32>
    %mul3A_837 = arith.mulf %rsqrt3A_814, %rsqrt3A_814 : vector<1x256xf32>
    %mul3A_838 = arith.mulf %mul3A_815, %mul3A_815 : vector<1x256xf32>
    %sub3A_839 = arith.subf %mul3A_837, %mul3A_838 : vector<1x256xf32>
    %mul3A_840 = arith.mulf %sub3A_839, %add3A_764 : vector<1x256xf32>
    %add3A_841 = arith.addf %mul3A_836, %mul3A_840 : vector<1x256xf32>
    %mul3A_842 = arith.mulf %rsqrt3A_814, %sub3A_761 : vector<1x256xf32>
    %mul3A_843 = arith.mulf %mul3A_815, %add3A_758 : vector<1x256xf32>
    %sub3A_844 = arith.subf %mul3A_842, %mul3A_843 : vector<1x256xf32>
    %mul3A_845 = arith.mulf %mul3A_815, %sub3A_761 : vector<1x256xf32>
    %mul3A_846 = arith.mulf %rsqrt3A_814, %add3A_758 : vector<1x256xf32>
    %add3A_847 = arith.addf %mul3A_845, %mul3A_846 : vector<1x256xf32>
    %mul3A_848 = arith.mulf %rsqrt3A_814, %add3A_687 : vector<1x256xf32>
    %mul3A_849 = arith.mulf %mul3A_815, %add3A_770 : vector<1x256xf32>
    %sub3A_850 = arith.subf %mul3A_848, %mul3A_849 : vector<1x256xf32>
    %mul3A_851 = arith.mulf %mul3A_815, %add3A_687 : vector<1x256xf32>
    %mul3A_852 = arith.mulf %rsqrt3A_814, %add3A_770 : vector<1x256xf32>
    %add3A_853 = arith.addf %mul3A_851, %mul3A_852 : vector<1x256xf32>
    %mul3A_854 = arith.mulf %rsqrt3A_814, %add3A_693 : vector<1x256xf32>
    %mul3A_855 = arith.mulf %mul3A_815, %add3A_776 : vector<1x256xf32>
    %sub3A_856 = arith.subf %mul3A_854, %mul3A_855 : vector<1x256xf32>
    %mul3A_857 = arith.mulf %mul3A_815, %add3A_693 : vector<1x256xf32>
    %mul3A_858 = arith.mulf %rsqrt3A_814, %add3A_776 : vector<1x256xf32>
    %add3A_859 = arith.addf %mul3A_857, %mul3A_858 : vector<1x256xf32>
    %mul3A_860 = arith.mulf %rsqrt3A_814, %add3A_699 : vector<1x256xf32>
    %mul3A_861 = arith.mulf %mul3A_815, %add3A_782 : vector<1x256xf32>
    %sub3A_862 = arith.subf %mul3A_860, %mul3A_861 : vector<1x256xf32>
    %mul3A_863 = arith.mulf %mul3A_815, %add3A_699 : vector<1x256xf32>
    %mul3A_864 = arith.mulf %rsqrt3A_814, %add3A_782 : vector<1x256xf32>
    %add3A_865 = arith.addf %mul3A_863, %mul3A_864 : vector<1x256xf32>
    %ne3A_866 = arith.constant 0.000000e+00 : f32
    %ne3A_867 = vector.broadcast %ne3A_866 : f32 to vector<1x256xf32>
    %ne3A_868 = arith.cmpf one, %sub3A_844, %ne3A_867 : vector<1x256xf32>
    %sub3A_869 = arith.subf %sub3A_824, %sub3A_741 : vector<1x256xf32>
    %mul3A_870 = arith.constant 2.000000e+00 : f32
    %mul3A_871 = vector.broadcast %mul3A_870 : f32 to vector<1x256xf32>
    %mul3A_872 = arith.mulf %mul3A_871, %sub3A_844 : vector<1x256xf32>
    %div3A_873 = arith.divf %sub3A_869, %mul3A_872 : vector<1x256xf32>
    %ge3A_874 = arith.constant 0.000000e+00 : f32
    %ge3A_875 = vector.broadcast %ge3A_874 : f32 to vector<1x256xf32>
    %ge3A_876 = arith.cmpf oge, %div3A_873, %ge3A_875 : vector<1x256xf32>
    %jit3A_877 = arith.constant 1.000000e+00 : f32
    %jit3A_878 = arith.constant -1.000000e+00 : f32
    %broadcast_in_dim3A_879 = vector.broadcast %jit3A_877 : f32 to vector<1x256xf32>
    %broadcast_in_dim3A_880 = vector.broadcast %jit3A_878 : f32 to vector<1x256xf32>
    %select_n3A_881 = arith.select %ge3A_876, %broadcast_in_dim3A_879, %broadcast_in_dim3A_880 : vector<1x256xi1>, vector<1x256xf32>
    %abs3A_882 = math.absf %div3A_873 : vector<1x256xf32>
    %mul3A_883 = arith.mulf %div3A_873, %div3A_873 : vector<1x256xf32>
    %add3A_884 = arith.constant 1.000000e+00 : f32
    %add3A_885 = vector.broadcast %add3A_884 : f32 to vector<1x256xf32>
    %add3A_886 = arith.addf %add3A_885, %mul3A_883 : vector<1x256xf32>
    %sqrt3A_887 = math.sqrt %add3A_886 : vector<1x256xf32>
    %add3A_888 = arith.addf %abs3A_882, %sqrt3A_887 : vector<1x256xf32>
    %div3A_889 = arith.divf %select_n3A_881, %add3A_888 : vector<1x256xf32>
    %jit3A_890 = arith.constant 0.000000e+00 : f32
    %broadcast_in_dim3A_891 = vector.broadcast %jit3A_890 : f32 to vector<1x256xf32>
    %select_n3A_892 = arith.select %ne3A_868, %div3A_889, %broadcast_in_dim3A_891 : vector<1x256xi1>, vector<1x256xf32>
    %mul3A_893 = arith.mulf %select_n3A_892, %select_n3A_892 : vector<1x256xf32>
    %add3A_894 = arith.constant 1.000000e+00 : f32
    %add3A_895 = vector.broadcast %add3A_894 : f32 to vector<1x256xf32>
    %add3A_896 = arith.addf %add3A_895, %mul3A_893 : vector<1x256xf32>
    %rsqrt3A_897 = math.rsqrt %add3A_896 : vector<1x256xf32>
    %mul3A_898 = arith.mulf %select_n3A_892, %rsqrt3A_897 : vector<1x256xf32>
    %mul3A_899 = arith.mulf %rsqrt3A_897, %sub3A_741 : vector<1x256xf32>
    %mul3A_900 = arith.mulf %mul3A_898, %sub3A_844 : vector<1x256xf32>
    %sub3A_901 = arith.subf %mul3A_899, %mul3A_900 : vector<1x256xf32>
    %mul3A_902 = arith.mulf %rsqrt3A_897, %sub3A_901 : vector<1x256xf32>
    %mul3A_903 = arith.mulf %rsqrt3A_897, %sub3A_844 : vector<1x256xf32>
    %mul3A_904 = arith.mulf %mul3A_898, %sub3A_824 : vector<1x256xf32>
    %sub3A_905 = arith.subf %mul3A_903, %mul3A_904 : vector<1x256xf32>
    %mul3A_906 = arith.mulf %mul3A_898, %sub3A_905 : vector<1x256xf32>
    %sub3A_907 = arith.subf %mul3A_902, %mul3A_906 : vector<1x256xf32>
    %mul3A_908 = arith.mulf %mul3A_898, %sub3A_741 : vector<1x256xf32>
    %mul3A_909 = arith.mulf %rsqrt3A_897, %sub3A_844 : vector<1x256xf32>
    %add3A_910 = arith.addf %mul3A_908, %mul3A_909 : vector<1x256xf32>
    %mul3A_911 = arith.mulf %mul3A_898, %add3A_910 : vector<1x256xf32>
    %mul3A_912 = arith.mulf %mul3A_898, %sub3A_844 : vector<1x256xf32>
    %mul3A_913 = arith.mulf %rsqrt3A_897, %sub3A_824 : vector<1x256xf32>
    %add3A_914 = arith.addf %mul3A_912, %mul3A_913 : vector<1x256xf32>
    %mul3A_915 = arith.mulf %rsqrt3A_897, %add3A_914 : vector<1x256xf32>
    %add3A_916 = arith.addf %mul3A_911, %mul3A_915 : vector<1x256xf32>
    %mul3A_917 = arith.mulf %rsqrt3A_897, %mul3A_898 : vector<1x256xf32>
    %sub3A_918 = arith.subf %sub3A_741, %sub3A_824 : vector<1x256xf32>
    %mul3A_919 = arith.mulf %mul3A_917, %sub3A_918 : vector<1x256xf32>
    %mul3A_920 = arith.mulf %rsqrt3A_897, %rsqrt3A_897 : vector<1x256xf32>
    %mul3A_921 = arith.mulf %mul3A_898, %mul3A_898 : vector<1x256xf32>
    %sub3A_922 = arith.subf %mul3A_920, %mul3A_921 : vector<1x256xf32>
    %mul3A_923 = arith.mulf %sub3A_922, %sub3A_844 : vector<1x256xf32>
    %add3A_924 = arith.addf %mul3A_919, %mul3A_923 : vector<1x256xf32>
    %mul3A_925 = arith.mulf %rsqrt3A_897, %add3A_847 : vector<1x256xf32>
    %mul3A_926 = arith.mulf %mul3A_898, %add3A_841 : vector<1x256xf32>
    %sub3A_927 = arith.subf %mul3A_925, %mul3A_926 : vector<1x256xf32>
    %mul3A_928 = arith.mulf %mul3A_898, %add3A_847 : vector<1x256xf32>
    %mul3A_929 = arith.mulf %rsqrt3A_897, %add3A_841 : vector<1x256xf32>
    %add3A_930 = arith.addf %mul3A_928, %mul3A_929 : vector<1x256xf32>
    %mul3A_931 = arith.mulf %rsqrt3A_897, %sub3A_767 : vector<1x256xf32>
    %mul3A_932 = arith.mulf %mul3A_898, %sub3A_850 : vector<1x256xf32>
    %sub3A_933 = arith.subf %mul3A_931, %mul3A_932 : vector<1x256xf32>
    %mul3A_934 = arith.mulf %mul3A_898, %sub3A_767 : vector<1x256xf32>
    %mul3A_935 = arith.mulf %rsqrt3A_897, %sub3A_850 : vector<1x256xf32>
    %add3A_936 = arith.addf %mul3A_934, %mul3A_935 : vector<1x256xf32>
    %mul3A_937 = arith.mulf %rsqrt3A_897, %sub3A_773 : vector<1x256xf32>
    %mul3A_938 = arith.mulf %mul3A_898, %sub3A_856 : vector<1x256xf32>
    %sub3A_939 = arith.subf %mul3A_937, %mul3A_938 : vector<1x256xf32>
    %mul3A_940 = arith.mulf %mul3A_898, %sub3A_773 : vector<1x256xf32>
    %mul3A_941 = arith.mulf %rsqrt3A_897, %sub3A_856 : vector<1x256xf32>
    %add3A_942 = arith.addf %mul3A_940, %mul3A_941 : vector<1x256xf32>
    %mul3A_943 = arith.mulf %rsqrt3A_897, %sub3A_779 : vector<1x256xf32>
    %mul3A_944 = arith.mulf %mul3A_898, %sub3A_862 : vector<1x256xf32>
    %sub3A_945 = arith.subf %mul3A_943, %mul3A_944 : vector<1x256xf32>
    %mul3A_946 = arith.mulf %mul3A_898, %sub3A_779 : vector<1x256xf32>
    %mul3A_947 = arith.mulf %rsqrt3A_897, %sub3A_862 : vector<1x256xf32>
    %add3A_948 = arith.addf %mul3A_946, %mul3A_947 : vector<1x256xf32>
    %ne3A_949 = arith.constant 0.000000e+00 : f32
    %ne3A_950 = vector.broadcast %ne3A_949 : f32 to vector<1x256xf32>
    %ne3A_951 = arith.cmpf one, %sub3A_927, %ne3A_950 : vector<1x256xf32>
    %sub3A_952 = arith.subf %add3A_833, %sub3A_907 : vector<1x256xf32>
    %mul3A_953 = arith.constant 2.000000e+00 : f32
    %mul3A_954 = vector.broadcast %mul3A_953 : f32 to vector<1x256xf32>
    %mul3A_955 = arith.mulf %mul3A_954, %sub3A_927 : vector<1x256xf32>
    %div3A_956 = arith.divf %sub3A_952, %mul3A_955 : vector<1x256xf32>
    %ge3A_957 = arith.constant 0.000000e+00 : f32
    %ge3A_958 = vector.broadcast %ge3A_957 : f32 to vector<1x256xf32>
    %ge3A_959 = arith.cmpf oge, %div3A_956, %ge3A_958 : vector<1x256xf32>
    %jit3A_960 = arith.constant 1.000000e+00 : f32
    %jit3A_961 = arith.constant -1.000000e+00 : f32
    %broadcast_in_dim3A_962 = vector.broadcast %jit3A_960 : f32 to vector<1x256xf32>
    %broadcast_in_dim3A_963 = vector.broadcast %jit3A_961 : f32 to vector<1x256xf32>
    %select_n3A_964 = arith.select %ge3A_959, %broadcast_in_dim3A_962, %broadcast_in_dim3A_963 : vector<1x256xi1>, vector<1x256xf32>
    %abs3A_965 = math.absf %div3A_956 : vector<1x256xf32>
    %mul3A_966 = arith.mulf %div3A_956, %div3A_956 : vector<1x256xf32>
    %add3A_967 = arith.constant 1.000000e+00 : f32
    %add3A_968 = vector.broadcast %add3A_967 : f32 to vector<1x256xf32>
    %add3A_969 = arith.addf %add3A_968, %mul3A_966 : vector<1x256xf32>
    %sqrt3A_970 = math.sqrt %add3A_969 : vector<1x256xf32>
    %add3A_971 = arith.addf %abs3A_965, %sqrt3A_970 : vector<1x256xf32>
    %div3A_972 = arith.divf %select_n3A_964, %add3A_971 : vector<1x256xf32>
    %jit3A_973 = arith.constant 0.000000e+00 : f32
    %broadcast_in_dim3A_974 = vector.broadcast %jit3A_973 : f32 to vector<1x256xf32>
    %select_n3A_975 = arith.select %ne3A_951, %div3A_972, %broadcast_in_dim3A_974 : vector<1x256xi1>, vector<1x256xf32>
    %mul3A_976 = arith.mulf %select_n3A_975, %select_n3A_975 : vector<1x256xf32>
    %add3A_977 = arith.constant 1.000000e+00 : f32
    %add3A_978 = vector.broadcast %add3A_977 : f32 to vector<1x256xf32>
    %add3A_979 = arith.addf %add3A_978, %mul3A_976 : vector<1x256xf32>
    %rsqrt3A_980 = math.rsqrt %add3A_979 : vector<1x256xf32>
    %mul3A_981 = arith.mulf %select_n3A_975, %rsqrt3A_980 : vector<1x256xf32>
    %mul3A_982 = arith.mulf %rsqrt3A_980, %sub3A_907 : vector<1x256xf32>
    %mul3A_983 = arith.mulf %mul3A_981, %sub3A_927 : vector<1x256xf32>
    %sub3A_984 = arith.subf %mul3A_982, %mul3A_983 : vector<1x256xf32>
    %mul3A_985 = arith.mulf %rsqrt3A_980, %sub3A_984 : vector<1x256xf32>
    %mul3A_986 = arith.mulf %rsqrt3A_980, %sub3A_927 : vector<1x256xf32>
    %mul3A_987 = arith.mulf %mul3A_981, %add3A_833 : vector<1x256xf32>
    %sub3A_988 = arith.subf %mul3A_986, %mul3A_987 : vector<1x256xf32>
    %mul3A_989 = arith.mulf %mul3A_981, %sub3A_988 : vector<1x256xf32>
    %sub3A_990 = arith.subf %mul3A_985, %mul3A_989 : vector<1x256xf32>
    %mul3A_991 = arith.mulf %mul3A_981, %sub3A_907 : vector<1x256xf32>
    %mul3A_992 = arith.mulf %rsqrt3A_980, %sub3A_927 : vector<1x256xf32>
    %add3A_993 = arith.addf %mul3A_991, %mul3A_992 : vector<1x256xf32>
    %mul3A_994 = arith.mulf %mul3A_981, %add3A_993 : vector<1x256xf32>
    %mul3A_995 = arith.mulf %mul3A_981, %sub3A_927 : vector<1x256xf32>
    %mul3A_996 = arith.mulf %rsqrt3A_980, %add3A_833 : vector<1x256xf32>
    %add3A_997 = arith.addf %mul3A_995, %mul3A_996 : vector<1x256xf32>
    %mul3A_998 = arith.mulf %rsqrt3A_980, %add3A_997 : vector<1x256xf32>
    %add3A_999 = arith.addf %mul3A_994, %mul3A_998 : vector<1x256xf32>
    %mul3A_1000 = arith.mulf %rsqrt3A_980, %mul3A_981 : vector<1x256xf32>
    %sub3A_1001 = arith.subf %sub3A_907, %add3A_833 : vector<1x256xf32>
    %mul3A_1002 = arith.mulf %mul3A_1000, %sub3A_1001 : vector<1x256xf32>
    %mul3A_1003 = arith.mulf %rsqrt3A_980, %rsqrt3A_980 : vector<1x256xf32>
    %mul3A_1004 = arith.mulf %mul3A_981, %mul3A_981 : vector<1x256xf32>
    %sub3A_1005 = arith.subf %mul3A_1003, %mul3A_1004 : vector<1x256xf32>
    %mul3A_1006 = arith.mulf %sub3A_1005, %sub3A_927 : vector<1x256xf32>
    %add3A_1007 = arith.addf %mul3A_1002, %mul3A_1006 : vector<1x256xf32>
    %mul3A_1008 = arith.mulf %rsqrt3A_980, %add3A_924 : vector<1x256xf32>
    %mul3A_1009 = arith.mulf %mul3A_981, %add3A_930 : vector<1x256xf32>
    %sub3A_1010 = arith.subf %mul3A_1008, %mul3A_1009 : vector<1x256xf32>
    %mul3A_1011 = arith.mulf %mul3A_981, %add3A_924 : vector<1x256xf32>
    %mul3A_1012 = arith.mulf %rsqrt3A_980, %add3A_930 : vector<1x256xf32>
    %add3A_1013 = arith.addf %mul3A_1011, %mul3A_1012 : vector<1x256xf32>
    %mul3A_1014 = arith.mulf %rsqrt3A_980, %sub3A_933 : vector<1x256xf32>
    %mul3A_1015 = arith.mulf %mul3A_981, %add3A_853 : vector<1x256xf32>
    %sub3A_1016 = arith.subf %mul3A_1014, %mul3A_1015 : vector<1x256xf32>
    %mul3A_1017 = arith.mulf %mul3A_981, %sub3A_933 : vector<1x256xf32>
    %mul3A_1018 = arith.mulf %rsqrt3A_980, %add3A_853 : vector<1x256xf32>
    %add3A_1019 = arith.addf %mul3A_1017, %mul3A_1018 : vector<1x256xf32>
    %mul3A_1020 = arith.mulf %rsqrt3A_980, %sub3A_939 : vector<1x256xf32>
    %mul3A_1021 = arith.mulf %mul3A_981, %add3A_859 : vector<1x256xf32>
    %sub3A_1022 = arith.subf %mul3A_1020, %mul3A_1021 : vector<1x256xf32>
    %mul3A_1023 = arith.mulf %mul3A_981, %sub3A_939 : vector<1x256xf32>
    %mul3A_1024 = arith.mulf %rsqrt3A_980, %add3A_859 : vector<1x256xf32>
    %add3A_1025 = arith.addf %mul3A_1023, %mul3A_1024 : vector<1x256xf32>
    %mul3A_1026 = arith.mulf %rsqrt3A_980, %sub3A_945 : vector<1x256xf32>
    %mul3A_1027 = arith.mulf %mul3A_981, %add3A_865 : vector<1x256xf32>
    %sub3A_1028 = arith.subf %mul3A_1026, %mul3A_1027 : vector<1x256xf32>
    %mul3A_1029 = arith.mulf %mul3A_981, %sub3A_945 : vector<1x256xf32>
    %mul3A_1030 = arith.mulf %rsqrt3A_980, %add3A_865 : vector<1x256xf32>
    %add3A_1031 = arith.addf %mul3A_1029, %mul3A_1030 : vector<1x256xf32>
    %ne3A_1032 = arith.constant 0.000000e+00 : f32
    %ne3A_1033 = vector.broadcast %ne3A_1032 : f32 to vector<1x256xf32>
    %ne3A_1034 = arith.cmpf one, %add3A_1013, %ne3A_1033 : vector<1x256xf32>
    %sub3A_1035 = arith.subf %add3A_999, %add3A_916 : vector<1x256xf32>
    %mul3A_1036 = arith.constant 2.000000e+00 : f32
    %mul3A_1037 = vector.broadcast %mul3A_1036 : f32 to vector<1x256xf32>
    %mul3A_1038 = arith.mulf %mul3A_1037, %add3A_1013 : vector<1x256xf32>
    %div3A_1039 = arith.divf %sub3A_1035, %mul3A_1038 : vector<1x256xf32>
    %ge3A_1040 = arith.constant 0.000000e+00 : f32
    %ge3A_1041 = vector.broadcast %ge3A_1040 : f32 to vector<1x256xf32>
    %ge3A_1042 = arith.cmpf oge, %div3A_1039, %ge3A_1041 : vector<1x256xf32>
    %jit3A_1043 = arith.constant 1.000000e+00 : f32
    %jit3A_1044 = arith.constant -1.000000e+00 : f32
    %broadcast_in_dim3A_1045 = vector.broadcast %jit3A_1043 : f32 to vector<1x256xf32>
    %broadcast_in_dim3A_1046 = vector.broadcast %jit3A_1044 : f32 to vector<1x256xf32>
    %select_n3A_1047 = arith.select %ge3A_1042, %broadcast_in_dim3A_1045, %broadcast_in_dim3A_1046 : vector<1x256xi1>, vector<1x256xf32>
    %abs3A_1048 = math.absf %div3A_1039 : vector<1x256xf32>
    %mul3A_1049 = arith.mulf %div3A_1039, %div3A_1039 : vector<1x256xf32>
    %add3A_1050 = arith.constant 1.000000e+00 : f32
    %add3A_1051 = vector.broadcast %add3A_1050 : f32 to vector<1x256xf32>
    %add3A_1052 = arith.addf %add3A_1051, %mul3A_1049 : vector<1x256xf32>
    %sqrt3A_1053 = math.sqrt %add3A_1052 : vector<1x256xf32>
    %add3A_1054 = arith.addf %abs3A_1048, %sqrt3A_1053 : vector<1x256xf32>
    %div3A_1055 = arith.divf %select_n3A_1047, %add3A_1054 : vector<1x256xf32>
    %jit3A_1056 = arith.constant 0.000000e+00 : f32
    %broadcast_in_dim3A_1057 = vector.broadcast %jit3A_1056 : f32 to vector<1x256xf32>
    %select_n3A_1058 = arith.select %ne3A_1034, %div3A_1055, %broadcast_in_dim3A_1057 : vector<1x256xi1>, vector<1x256xf32>
    %mul3A_1059 = arith.mulf %select_n3A_1058, %select_n3A_1058 : vector<1x256xf32>
    %add3A_1060 = arith.constant 1.000000e+00 : f32
    %add3A_1061 = vector.broadcast %add3A_1060 : f32 to vector<1x256xf32>
    %add3A_1062 = arith.addf %add3A_1061, %mul3A_1059 : vector<1x256xf32>
    %rsqrt3A_1063 = math.rsqrt %add3A_1062 : vector<1x256xf32>
    %mul3A_1064 = arith.mulf %select_n3A_1058, %rsqrt3A_1063 : vector<1x256xf32>
    %mul3A_1065 = arith.mulf %rsqrt3A_1063, %add3A_916 : vector<1x256xf32>
    %mul3A_1066 = arith.mulf %mul3A_1064, %add3A_1013 : vector<1x256xf32>
    %sub3A_1067 = arith.subf %mul3A_1065, %mul3A_1066 : vector<1x256xf32>
    %mul3A_1068 = arith.mulf %rsqrt3A_1063, %sub3A_1067 : vector<1x256xf32>
    %mul3A_1069 = arith.mulf %rsqrt3A_1063, %add3A_1013 : vector<1x256xf32>
    %mul3A_1070 = arith.mulf %mul3A_1064, %add3A_999 : vector<1x256xf32>
    %sub3A_1071 = arith.subf %mul3A_1069, %mul3A_1070 : vector<1x256xf32>
    %mul3A_1072 = arith.mulf %mul3A_1064, %sub3A_1071 : vector<1x256xf32>
    %sub3A_1073 = arith.subf %mul3A_1068, %mul3A_1072 : vector<1x256xf32>
    %mul3A_1074 = arith.mulf %mul3A_1064, %add3A_916 : vector<1x256xf32>
    %mul3A_1075 = arith.mulf %rsqrt3A_1063, %add3A_1013 : vector<1x256xf32>
    %add3A_1076 = arith.addf %mul3A_1074, %mul3A_1075 : vector<1x256xf32>
    %mul3A_1077 = arith.mulf %mul3A_1064, %add3A_1076 : vector<1x256xf32>
    %mul3A_1078 = arith.mulf %mul3A_1064, %add3A_1013 : vector<1x256xf32>
    %mul3A_1079 = arith.mulf %rsqrt3A_1063, %add3A_999 : vector<1x256xf32>
    %add3A_1080 = arith.addf %mul3A_1078, %mul3A_1079 : vector<1x256xf32>
    %mul3A_1081 = arith.mulf %rsqrt3A_1063, %add3A_1080 : vector<1x256xf32>
    %add3A_1082 = arith.addf %mul3A_1077, %mul3A_1081 : vector<1x256xf32>
    %mul3A_1083 = arith.mulf %rsqrt3A_1063, %mul3A_1064 : vector<1x256xf32>
    %sub3A_1084 = arith.subf %add3A_916, %add3A_999 : vector<1x256xf32>
    %mul3A_1085 = arith.mulf %mul3A_1083, %sub3A_1084 : vector<1x256xf32>
    %mul3A_1086 = arith.mulf %rsqrt3A_1063, %rsqrt3A_1063 : vector<1x256xf32>
    %mul3A_1087 = arith.mulf %mul3A_1064, %mul3A_1064 : vector<1x256xf32>
    %sub3A_1088 = arith.subf %mul3A_1086, %mul3A_1087 : vector<1x256xf32>
    %mul3A_1089 = arith.mulf %sub3A_1088, %add3A_1013 : vector<1x256xf32>
    %add3A_1090 = arith.addf %mul3A_1085, %mul3A_1089 : vector<1x256xf32>
    %mul3A_1091 = arith.mulf %rsqrt3A_1063, %sub3A_1010 : vector<1x256xf32>
    %mul3A_1092 = arith.mulf %mul3A_1064, %add3A_1007 : vector<1x256xf32>
    %sub3A_1093 = arith.subf %mul3A_1091, %mul3A_1092 : vector<1x256xf32>
    %mul3A_1094 = arith.mulf %mul3A_1064, %sub3A_1010 : vector<1x256xf32>
    %mul3A_1095 = arith.mulf %rsqrt3A_1063, %add3A_1007 : vector<1x256xf32>
    %add3A_1096 = arith.addf %mul3A_1094, %mul3A_1095 : vector<1x256xf32>
    %mul3A_1097 = arith.mulf %rsqrt3A_1063, %add3A_936 : vector<1x256xf32>
    %mul3A_1098 = arith.mulf %mul3A_1064, %add3A_1019 : vector<1x256xf32>
    %sub3A_1099 = arith.subf %mul3A_1097, %mul3A_1098 : vector<1x256xf32>
    %mul3A_1100 = arith.mulf %mul3A_1064, %add3A_936 : vector<1x256xf32>
    %mul3A_1101 = arith.mulf %rsqrt3A_1063, %add3A_1019 : vector<1x256xf32>
    %add3A_1102 = arith.addf %mul3A_1100, %mul3A_1101 : vector<1x256xf32>
    %mul3A_1103 = arith.mulf %rsqrt3A_1063, %add3A_942 : vector<1x256xf32>
    %mul3A_1104 = arith.mulf %mul3A_1064, %add3A_1025 : vector<1x256xf32>
    %sub3A_1105 = arith.subf %mul3A_1103, %mul3A_1104 : vector<1x256xf32>
    %mul3A_1106 = arith.mulf %mul3A_1064, %add3A_942 : vector<1x256xf32>
    %mul3A_1107 = arith.mulf %rsqrt3A_1063, %add3A_1025 : vector<1x256xf32>
    %add3A_1108 = arith.addf %mul3A_1106, %mul3A_1107 : vector<1x256xf32>
    %mul3A_1109 = arith.mulf %rsqrt3A_1063, %add3A_948 : vector<1x256xf32>
    %mul3A_1110 = arith.mulf %mul3A_1064, %add3A_1031 : vector<1x256xf32>
    %sub3A_1111 = arith.subf %mul3A_1109, %mul3A_1110 : vector<1x256xf32>
    %mul3A_1112 = arith.mulf %mul3A_1064, %add3A_948 : vector<1x256xf32>
    %mul3A_1113 = arith.mulf %rsqrt3A_1063, %add3A_1031 : vector<1x256xf32>
    %add3A_1114 = arith.addf %mul3A_1112, %mul3A_1113 : vector<1x256xf32>
    %ne3A_1115 = arith.constant 0.000000e+00 : f32
    %ne3A_1116 = vector.broadcast %ne3A_1115 : f32 to vector<1x256xf32>
    %ne3A_1117 = arith.cmpf one, %sub3A_1093, %ne3A_1116 : vector<1x256xf32>
    %sub3A_1118 = arith.subf %sub3A_1073, %sub3A_990 : vector<1x256xf32>
    %mul3A_1119 = arith.constant 2.000000e+00 : f32
    %mul3A_1120 = vector.broadcast %mul3A_1119 : f32 to vector<1x256xf32>
    %mul3A_1121 = arith.mulf %mul3A_1120, %sub3A_1093 : vector<1x256xf32>
    %div3A_1122 = arith.divf %sub3A_1118, %mul3A_1121 : vector<1x256xf32>
    %ge3A_1123 = arith.constant 0.000000e+00 : f32
    %ge3A_1124 = vector.broadcast %ge3A_1123 : f32 to vector<1x256xf32>
    %ge3A_1125 = arith.cmpf oge, %div3A_1122, %ge3A_1124 : vector<1x256xf32>
    %jit3A_1126 = arith.constant 1.000000e+00 : f32
    %jit3A_1127 = arith.constant -1.000000e+00 : f32
    %broadcast_in_dim3A_1128 = vector.broadcast %jit3A_1126 : f32 to vector<1x256xf32>
    %broadcast_in_dim3A_1129 = vector.broadcast %jit3A_1127 : f32 to vector<1x256xf32>
    %select_n3A_1130 = arith.select %ge3A_1125, %broadcast_in_dim3A_1128, %broadcast_in_dim3A_1129 : vector<1x256xi1>, vector<1x256xf32>
    %abs3A_1131 = math.absf %div3A_1122 : vector<1x256xf32>
    %mul3A_1132 = arith.mulf %div3A_1122, %div3A_1122 : vector<1x256xf32>
    %add3A_1133 = arith.constant 1.000000e+00 : f32
    %add3A_1134 = vector.broadcast %add3A_1133 : f32 to vector<1x256xf32>
    %add3A_1135 = arith.addf %add3A_1134, %mul3A_1132 : vector<1x256xf32>
    %sqrt3A_1136 = math.sqrt %add3A_1135 : vector<1x256xf32>
    %add3A_1137 = arith.addf %abs3A_1131, %sqrt3A_1136 : vector<1x256xf32>
    %div3A_1138 = arith.divf %select_n3A_1130, %add3A_1137 : vector<1x256xf32>
    %jit3A_1139 = arith.constant 0.000000e+00 : f32
    %broadcast_in_dim3A_1140 = vector.broadcast %jit3A_1139 : f32 to vector<1x256xf32>
    %select_n3A_1141 = arith.select %ne3A_1117, %div3A_1138, %broadcast_in_dim3A_1140 : vector<1x256xi1>, vector<1x256xf32>
    %mul3A_1142 = arith.mulf %select_n3A_1141, %select_n3A_1141 : vector<1x256xf32>
    %add3A_1143 = arith.constant 1.000000e+00 : f32
    %add3A_1144 = vector.broadcast %add3A_1143 : f32 to vector<1x256xf32>
    %add3A_1145 = arith.addf %add3A_1144, %mul3A_1142 : vector<1x256xf32>
    %rsqrt3A_1146 = math.rsqrt %add3A_1145 : vector<1x256xf32>
    %mul3A_1147 = arith.mulf %select_n3A_1141, %rsqrt3A_1146 : vector<1x256xf32>
    %mul3A_1148 = arith.mulf %rsqrt3A_1146, %sub3A_990 : vector<1x256xf32>
    %mul3A_1149 = arith.mulf %mul3A_1147, %sub3A_1093 : vector<1x256xf32>
    %sub3A_1150 = arith.subf %mul3A_1148, %mul3A_1149 : vector<1x256xf32>
    %mul3A_1151 = arith.mulf %rsqrt3A_1146, %sub3A_1150 : vector<1x256xf32>
    %mul3A_1152 = arith.mulf %rsqrt3A_1146, %sub3A_1093 : vector<1x256xf32>
    %mul3A_1153 = arith.mulf %mul3A_1147, %sub3A_1073 : vector<1x256xf32>
    %sub3A_1154 = arith.subf %mul3A_1152, %mul3A_1153 : vector<1x256xf32>
    %mul3A_1155 = arith.mulf %mul3A_1147, %sub3A_1154 : vector<1x256xf32>
    %sub3A_1156 = arith.subf %mul3A_1151, %mul3A_1155 : vector<1x256xf32>
    %mul3A_1157 = arith.mulf %mul3A_1147, %sub3A_990 : vector<1x256xf32>
    %mul3A_1158 = arith.mulf %rsqrt3A_1146, %sub3A_1093 : vector<1x256xf32>
    %add3A_1159 = arith.addf %mul3A_1157, %mul3A_1158 : vector<1x256xf32>
    %mul3A_1160 = arith.mulf %mul3A_1147, %add3A_1159 : vector<1x256xf32>
    %mul3A_1161 = arith.mulf %mul3A_1147, %sub3A_1093 : vector<1x256xf32>
    %mul3A_1162 = arith.mulf %rsqrt3A_1146, %sub3A_1073 : vector<1x256xf32>
    %add3A_1163 = arith.addf %mul3A_1161, %mul3A_1162 : vector<1x256xf32>
    %mul3A_1164 = arith.mulf %rsqrt3A_1146, %add3A_1163 : vector<1x256xf32>
    %add3A_1165 = arith.addf %mul3A_1160, %mul3A_1164 : vector<1x256xf32>
    %mul3A_1166 = arith.mulf %rsqrt3A_1146, %mul3A_1147 : vector<1x256xf32>
    %sub3A_1167 = arith.subf %sub3A_990, %sub3A_1073 : vector<1x256xf32>
    %mul3A_1168 = arith.mulf %mul3A_1166, %sub3A_1167 : vector<1x256xf32>
    %mul3A_1169 = arith.mulf %rsqrt3A_1146, %rsqrt3A_1146 : vector<1x256xf32>
    %mul3A_1170 = arith.mulf %mul3A_1147, %mul3A_1147 : vector<1x256xf32>
    %sub3A_1171 = arith.subf %mul3A_1169, %mul3A_1170 : vector<1x256xf32>
    %mul3A_1172 = arith.mulf %sub3A_1171, %sub3A_1093 : vector<1x256xf32>
    %add3A_1173 = arith.addf %mul3A_1168, %mul3A_1172 : vector<1x256xf32>
    %mul3A_1174 = arith.mulf %rsqrt3A_1146, %add3A_1096 : vector<1x256xf32>
    %mul3A_1175 = arith.mulf %mul3A_1147, %add3A_1090 : vector<1x256xf32>
    %sub3A_1176 = arith.subf %mul3A_1174, %mul3A_1175 : vector<1x256xf32>
    %mul3A_1177 = arith.mulf %mul3A_1147, %add3A_1096 : vector<1x256xf32>
    %mul3A_1178 = arith.mulf %rsqrt3A_1146, %add3A_1090 : vector<1x256xf32>
    %add3A_1179 = arith.addf %mul3A_1177, %mul3A_1178 : vector<1x256xf32>
    %mul3A_1180 = arith.mulf %rsqrt3A_1146, %sub3A_1016 : vector<1x256xf32>
    %mul3A_1181 = arith.mulf %mul3A_1147, %sub3A_1099 : vector<1x256xf32>
    %sub3A_1182 = arith.subf %mul3A_1180, %mul3A_1181 : vector<1x256xf32>
    %mul3A_1183 = arith.mulf %mul3A_1147, %sub3A_1016 : vector<1x256xf32>
    %mul3A_1184 = arith.mulf %rsqrt3A_1146, %sub3A_1099 : vector<1x256xf32>
    %add3A_1185 = arith.addf %mul3A_1183, %mul3A_1184 : vector<1x256xf32>
    %mul3A_1186 = arith.mulf %rsqrt3A_1146, %sub3A_1022 : vector<1x256xf32>
    %mul3A_1187 = arith.mulf %mul3A_1147, %sub3A_1105 : vector<1x256xf32>
    %sub3A_1188 = arith.subf %mul3A_1186, %mul3A_1187 : vector<1x256xf32>
    %mul3A_1189 = arith.mulf %mul3A_1147, %sub3A_1022 : vector<1x256xf32>
    %mul3A_1190 = arith.mulf %rsqrt3A_1146, %sub3A_1105 : vector<1x256xf32>
    %add3A_1191 = arith.addf %mul3A_1189, %mul3A_1190 : vector<1x256xf32>
    %mul3A_1192 = arith.mulf %rsqrt3A_1146, %sub3A_1028 : vector<1x256xf32>
    %mul3A_1193 = arith.mulf %mul3A_1147, %sub3A_1111 : vector<1x256xf32>
    %sub3A_1194 = arith.subf %mul3A_1192, %mul3A_1193 : vector<1x256xf32>
    %mul3A_1195 = arith.mulf %mul3A_1147, %sub3A_1028 : vector<1x256xf32>
    %mul3A_1196 = arith.mulf %rsqrt3A_1146, %sub3A_1111 : vector<1x256xf32>
    %add3A_1197 = arith.addf %mul3A_1195, %mul3A_1196 : vector<1x256xf32>
    %ne3A_1198 = arith.constant 0.000000e+00 : f32
    %ne3A_1199 = vector.broadcast %ne3A_1198 : f32 to vector<1x256xf32>
    %ne3A_1200 = arith.cmpf one, %sub3A_1176, %ne3A_1199 : vector<1x256xf32>
    %sub3A_1201 = arith.subf %add3A_1082, %sub3A_1156 : vector<1x256xf32>
    %mul3A_1202 = arith.constant 2.000000e+00 : f32
    %mul3A_1203 = vector.broadcast %mul3A_1202 : f32 to vector<1x256xf32>
    %mul3A_1204 = arith.mulf %mul3A_1203, %sub3A_1176 : vector<1x256xf32>
    %div3A_1205 = arith.divf %sub3A_1201, %mul3A_1204 : vector<1x256xf32>
    %ge3A_1206 = arith.constant 0.000000e+00 : f32
    %ge3A_1207 = vector.broadcast %ge3A_1206 : f32 to vector<1x256xf32>
    %ge3A_1208 = arith.cmpf oge, %div3A_1205, %ge3A_1207 : vector<1x256xf32>
    %jit3A_1209 = arith.constant 1.000000e+00 : f32
    %jit3A_1210 = arith.constant -1.000000e+00 : f32
    %broadcast_in_dim3A_1211 = vector.broadcast %jit3A_1209 : f32 to vector<1x256xf32>
    %broadcast_in_dim3A_1212 = vector.broadcast %jit3A_1210 : f32 to vector<1x256xf32>
    %select_n3A_1213 = arith.select %ge3A_1208, %broadcast_in_dim3A_1211, %broadcast_in_dim3A_1212 : vector<1x256xi1>, vector<1x256xf32>
    %abs3A_1214 = math.absf %div3A_1205 : vector<1x256xf32>
    %mul3A_1215 = arith.mulf %div3A_1205, %div3A_1205 : vector<1x256xf32>
    %add3A_1216 = arith.constant 1.000000e+00 : f32
    %add3A_1217 = vector.broadcast %add3A_1216 : f32 to vector<1x256xf32>
    %add3A_1218 = arith.addf %add3A_1217, %mul3A_1215 : vector<1x256xf32>
    %sqrt3A_1219 = math.sqrt %add3A_1218 : vector<1x256xf32>
    %add3A_1220 = arith.addf %abs3A_1214, %sqrt3A_1219 : vector<1x256xf32>
    %div3A_1221 = arith.divf %select_n3A_1213, %add3A_1220 : vector<1x256xf32>
    %jit3A_1222 = arith.constant 0.000000e+00 : f32
    %broadcast_in_dim3A_1223 = vector.broadcast %jit3A_1222 : f32 to vector<1x256xf32>
    %select_n3A_1224 = arith.select %ne3A_1200, %div3A_1221, %broadcast_in_dim3A_1223 : vector<1x256xi1>, vector<1x256xf32>
    %mul3A_1225 = arith.mulf %select_n3A_1224, %select_n3A_1224 : vector<1x256xf32>
    %add3A_1226 = arith.constant 1.000000e+00 : f32
    %add3A_1227 = vector.broadcast %add3A_1226 : f32 to vector<1x256xf32>
    %add3A_1228 = arith.addf %add3A_1227, %mul3A_1225 : vector<1x256xf32>
    %rsqrt3A_1229 = math.rsqrt %add3A_1228 : vector<1x256xf32>
    %mul3A_1230 = arith.mulf %select_n3A_1224, %rsqrt3A_1229 : vector<1x256xf32>
    %mul3A_1231 = arith.mulf %rsqrt3A_1229, %sub3A_1156 : vector<1x256xf32>
    %mul3A_1232 = arith.mulf %mul3A_1230, %sub3A_1176 : vector<1x256xf32>
    %sub3A_1233 = arith.subf %mul3A_1231, %mul3A_1232 : vector<1x256xf32>
    %mul3A_1234 = arith.mulf %rsqrt3A_1229, %sub3A_1233 : vector<1x256xf32>
    %mul3A_1235 = arith.mulf %rsqrt3A_1229, %sub3A_1176 : vector<1x256xf32>
    %mul3A_1236 = arith.mulf %mul3A_1230, %add3A_1082 : vector<1x256xf32>
    %sub3A_1237 = arith.subf %mul3A_1235, %mul3A_1236 : vector<1x256xf32>
    %mul3A_1238 = arith.mulf %mul3A_1230, %sub3A_1237 : vector<1x256xf32>
    %sub3A_1239 = arith.subf %mul3A_1234, %mul3A_1238 : vector<1x256xf32>
    %mul3A_1240 = arith.mulf %mul3A_1230, %sub3A_1156 : vector<1x256xf32>
    %mul3A_1241 = arith.mulf %rsqrt3A_1229, %sub3A_1176 : vector<1x256xf32>
    %add3A_1242 = arith.addf %mul3A_1240, %mul3A_1241 : vector<1x256xf32>
    %mul3A_1243 = arith.mulf %mul3A_1230, %add3A_1242 : vector<1x256xf32>
    %mul3A_1244 = arith.mulf %mul3A_1230, %sub3A_1176 : vector<1x256xf32>
    %mul3A_1245 = arith.mulf %rsqrt3A_1229, %add3A_1082 : vector<1x256xf32>
    %add3A_1246 = arith.addf %mul3A_1244, %mul3A_1245 : vector<1x256xf32>
    %mul3A_1247 = arith.mulf %rsqrt3A_1229, %add3A_1246 : vector<1x256xf32>
    %add3A_1248 = arith.addf %mul3A_1243, %mul3A_1247 : vector<1x256xf32>
    %mul3A_1249 = arith.mulf %rsqrt3A_1229, %mul3A_1230 : vector<1x256xf32>
    %sub3A_1250 = arith.subf %sub3A_1156, %add3A_1082 : vector<1x256xf32>
    %mul3A_1251 = arith.mulf %mul3A_1249, %sub3A_1250 : vector<1x256xf32>
    %mul3A_1252 = arith.mulf %rsqrt3A_1229, %rsqrt3A_1229 : vector<1x256xf32>
    %mul3A_1253 = arith.mulf %mul3A_1230, %mul3A_1230 : vector<1x256xf32>
    %sub3A_1254 = arith.subf %mul3A_1252, %mul3A_1253 : vector<1x256xf32>
    %mul3A_1255 = arith.mulf %sub3A_1254, %sub3A_1176 : vector<1x256xf32>
    %add3A_1256 = arith.addf %mul3A_1251, %mul3A_1255 : vector<1x256xf32>
    %mul3A_1257 = arith.mulf %rsqrt3A_1229, %add3A_1173 : vector<1x256xf32>
    %mul3A_1258 = arith.mulf %mul3A_1230, %add3A_1179 : vector<1x256xf32>
    %sub3A_1259 = arith.subf %mul3A_1257, %mul3A_1258 : vector<1x256xf32>
    %mul3A_1260 = arith.mulf %mul3A_1230, %add3A_1173 : vector<1x256xf32>
    %mul3A_1261 = arith.mulf %rsqrt3A_1229, %add3A_1179 : vector<1x256xf32>
    %add3A_1262 = arith.addf %mul3A_1260, %mul3A_1261 : vector<1x256xf32>
    %mul3A_1263 = arith.mulf %rsqrt3A_1229, %sub3A_1182 : vector<1x256xf32>
    %mul3A_1264 = arith.mulf %mul3A_1230, %add3A_1102 : vector<1x256xf32>
    %sub3A_1265 = arith.subf %mul3A_1263, %mul3A_1264 : vector<1x256xf32>
    %mul3A_1266 = arith.mulf %mul3A_1230, %sub3A_1182 : vector<1x256xf32>
    %mul3A_1267 = arith.mulf %rsqrt3A_1229, %add3A_1102 : vector<1x256xf32>
    %add3A_1268 = arith.addf %mul3A_1266, %mul3A_1267 : vector<1x256xf32>
    %mul3A_1269 = arith.mulf %rsqrt3A_1229, %sub3A_1188 : vector<1x256xf32>
    %mul3A_1270 = arith.mulf %mul3A_1230, %add3A_1108 : vector<1x256xf32>
    %sub3A_1271 = arith.subf %mul3A_1269, %mul3A_1270 : vector<1x256xf32>
    %mul3A_1272 = arith.mulf %mul3A_1230, %sub3A_1188 : vector<1x256xf32>
    %mul3A_1273 = arith.mulf %rsqrt3A_1229, %add3A_1108 : vector<1x256xf32>
    %add3A_1274 = arith.addf %mul3A_1272, %mul3A_1273 : vector<1x256xf32>
    %mul3A_1275 = arith.mulf %rsqrt3A_1229, %sub3A_1194 : vector<1x256xf32>
    %mul3A_1276 = arith.mulf %mul3A_1230, %add3A_1114 : vector<1x256xf32>
    %sub3A_1277 = arith.subf %mul3A_1275, %mul3A_1276 : vector<1x256xf32>
    %mul3A_1278 = arith.mulf %mul3A_1230, %sub3A_1194 : vector<1x256xf32>
    %mul3A_1279 = arith.mulf %rsqrt3A_1229, %add3A_1114 : vector<1x256xf32>
    %add3A_1280 = arith.addf %mul3A_1278, %mul3A_1279 : vector<1x256xf32>
    %ne3A_1281 = arith.constant 0.000000e+00 : f32
    %ne3A_1282 = vector.broadcast %ne3A_1281 : f32 to vector<1x256xf32>
    %ne3A_1283 = arith.cmpf one, %add3A_1262, %ne3A_1282 : vector<1x256xf32>
    %sub3A_1284 = arith.subf %add3A_1248, %add3A_1165 : vector<1x256xf32>
    %mul3A_1285 = arith.constant 2.000000e+00 : f32
    %mul3A_1286 = vector.broadcast %mul3A_1285 : f32 to vector<1x256xf32>
    %mul3A_1287 = arith.mulf %mul3A_1286, %add3A_1262 : vector<1x256xf32>
    %div3A_1288 = arith.divf %sub3A_1284, %mul3A_1287 : vector<1x256xf32>
    %ge3A_1289 = arith.constant 0.000000e+00 : f32
    %ge3A_1290 = vector.broadcast %ge3A_1289 : f32 to vector<1x256xf32>
    %ge3A_1291 = arith.cmpf oge, %div3A_1288, %ge3A_1290 : vector<1x256xf32>
    %jit3A_1292 = arith.constant 1.000000e+00 : f32
    %jit3A_1293 = arith.constant -1.000000e+00 : f32
    %broadcast_in_dim3A_1294 = vector.broadcast %jit3A_1292 : f32 to vector<1x256xf32>
    %broadcast_in_dim3A_1295 = vector.broadcast %jit3A_1293 : f32 to vector<1x256xf32>
    %select_n3A_1296 = arith.select %ge3A_1291, %broadcast_in_dim3A_1294, %broadcast_in_dim3A_1295 : vector<1x256xi1>, vector<1x256xf32>
    %abs3A_1297 = math.absf %div3A_1288 : vector<1x256xf32>
    %mul3A_1298 = arith.mulf %div3A_1288, %div3A_1288 : vector<1x256xf32>
    %add3A_1299 = arith.constant 1.000000e+00 : f32
    %add3A_1300 = vector.broadcast %add3A_1299 : f32 to vector<1x256xf32>
    %add3A_1301 = arith.addf %add3A_1300, %mul3A_1298 : vector<1x256xf32>
    %sqrt3A_1302 = math.sqrt %add3A_1301 : vector<1x256xf32>
    %add3A_1303 = arith.addf %abs3A_1297, %sqrt3A_1302 : vector<1x256xf32>
    %div3A_1304 = arith.divf %select_n3A_1296, %add3A_1303 : vector<1x256xf32>
    %jit3A_1305 = arith.constant 0.000000e+00 : f32
    %broadcast_in_dim3A_1306 = vector.broadcast %jit3A_1305 : f32 to vector<1x256xf32>
    %select_n3A_1307 = arith.select %ne3A_1283, %div3A_1304, %broadcast_in_dim3A_1306 : vector<1x256xi1>, vector<1x256xf32>
    %mul3A_1308 = arith.mulf %select_n3A_1307, %select_n3A_1307 : vector<1x256xf32>
    %add3A_1309 = arith.constant 1.000000e+00 : f32
    %add3A_1310 = vector.broadcast %add3A_1309 : f32 to vector<1x256xf32>
    %add3A_1311 = arith.addf %add3A_1310, %mul3A_1308 : vector<1x256xf32>
    %rsqrt3A_1312 = math.rsqrt %add3A_1311 : vector<1x256xf32>
    %mul3A_1313 = arith.mulf %select_n3A_1307, %rsqrt3A_1312 : vector<1x256xf32>
    %mul3A_1314 = arith.mulf %rsqrt3A_1312, %add3A_1165 : vector<1x256xf32>
    %mul3A_1315 = arith.mulf %mul3A_1313, %add3A_1262 : vector<1x256xf32>
    %sub3A_1316 = arith.subf %mul3A_1314, %mul3A_1315 : vector<1x256xf32>
    %mul3A_1317 = arith.mulf %rsqrt3A_1312, %sub3A_1316 : vector<1x256xf32>
    %mul3A_1318 = arith.mulf %rsqrt3A_1312, %add3A_1262 : vector<1x256xf32>
    %mul3A_1319 = arith.mulf %mul3A_1313, %add3A_1248 : vector<1x256xf32>
    %sub3A_1320 = arith.subf %mul3A_1318, %mul3A_1319 : vector<1x256xf32>
    %mul3A_1321 = arith.mulf %mul3A_1313, %sub3A_1320 : vector<1x256xf32>
    %sub3A_1322 = arith.subf %mul3A_1317, %mul3A_1321 : vector<1x256xf32>
    %mul3A_1323 = arith.mulf %mul3A_1313, %add3A_1165 : vector<1x256xf32>
    %mul3A_1324 = arith.mulf %rsqrt3A_1312, %add3A_1262 : vector<1x256xf32>
    %add3A_1325 = arith.addf %mul3A_1323, %mul3A_1324 : vector<1x256xf32>
    %mul3A_1326 = arith.mulf %mul3A_1313, %add3A_1325 : vector<1x256xf32>
    %mul3A_1327 = arith.mulf %mul3A_1313, %add3A_1262 : vector<1x256xf32>
    %mul3A_1328 = arith.mulf %rsqrt3A_1312, %add3A_1248 : vector<1x256xf32>
    %add3A_1329 = arith.addf %mul3A_1327, %mul3A_1328 : vector<1x256xf32>
    %mul3A_1330 = arith.mulf %rsqrt3A_1312, %add3A_1329 : vector<1x256xf32>
    %add3A_1331 = arith.addf %mul3A_1326, %mul3A_1330 : vector<1x256xf32>
    %mul3A_1332 = arith.mulf %rsqrt3A_1312, %sub3A_1259 : vector<1x256xf32>
    %mul3A_1333 = arith.mulf %mul3A_1313, %add3A_1256 : vector<1x256xf32>
    %sub3A_1334 = arith.subf %mul3A_1332, %mul3A_1333 : vector<1x256xf32>
    %mul3A_1335 = arith.mulf %rsqrt3A_1312, %add3A_1185 : vector<1x256xf32>
    %mul3A_1336 = arith.mulf %mul3A_1313, %add3A_1268 : vector<1x256xf32>
    %sub3A_1337 = arith.subf %mul3A_1335, %mul3A_1336 : vector<1x256xf32>
    %mul3A_1338 = arith.mulf %mul3A_1313, %add3A_1185 : vector<1x256xf32>
    %mul3A_1339 = arith.mulf %rsqrt3A_1312, %add3A_1268 : vector<1x256xf32>
    %add3A_1340 = arith.addf %mul3A_1338, %mul3A_1339 : vector<1x256xf32>
    %mul3A_1341 = arith.mulf %rsqrt3A_1312, %add3A_1191 : vector<1x256xf32>
    %mul3A_1342 = arith.mulf %mul3A_1313, %add3A_1274 : vector<1x256xf32>
    %sub3A_1343 = arith.subf %mul3A_1341, %mul3A_1342 : vector<1x256xf32>
    %mul3A_1344 = arith.mulf %mul3A_1313, %add3A_1191 : vector<1x256xf32>
    %mul3A_1345 = arith.mulf %rsqrt3A_1312, %add3A_1274 : vector<1x256xf32>
    %add3A_1346 = arith.addf %mul3A_1344, %mul3A_1345 : vector<1x256xf32>
    %mul3A_1347 = arith.mulf %rsqrt3A_1312, %add3A_1197 : vector<1x256xf32>
    %mul3A_1348 = arith.mulf %mul3A_1313, %add3A_1280 : vector<1x256xf32>
    %sub3A_1349 = arith.subf %mul3A_1347, %mul3A_1348 : vector<1x256xf32>
    %mul3A_1350 = arith.mulf %mul3A_1313, %add3A_1197 : vector<1x256xf32>
    %mul3A_1351 = arith.mulf %rsqrt3A_1312, %add3A_1280 : vector<1x256xf32>
    %add3A_1352 = arith.addf %mul3A_1350, %mul3A_1351 : vector<1x256xf32>
    %ne3A_1353 = arith.constant 0.000000e+00 : f32
    %ne3A_1354 = vector.broadcast %ne3A_1353 : f32 to vector<1x256xf32>
    %ne3A_1355 = arith.cmpf one, %sub3A_1334, %ne3A_1354 : vector<1x256xf32>
    %sub3A_1356 = arith.subf %sub3A_1322, %sub3A_1239 : vector<1x256xf32>
    %mul3A_1357 = arith.constant 2.000000e+00 : f32
    %mul3A_1358 = vector.broadcast %mul3A_1357 : f32 to vector<1x256xf32>
    %mul3A_1359 = arith.mulf %mul3A_1358, %sub3A_1334 : vector<1x256xf32>
    %div3A_1360 = arith.divf %sub3A_1356, %mul3A_1359 : vector<1x256xf32>
    %ge3A_1361 = arith.constant 0.000000e+00 : f32
    %ge3A_1362 = vector.broadcast %ge3A_1361 : f32 to vector<1x256xf32>
    %ge3A_1363 = arith.cmpf oge, %div3A_1360, %ge3A_1362 : vector<1x256xf32>
    %jit3A_1364 = arith.constant 1.000000e+00 : f32
    %jit3A_1365 = arith.constant -1.000000e+00 : f32
    %broadcast_in_dim3A_1366 = vector.broadcast %jit3A_1364 : f32 to vector<1x256xf32>
    %broadcast_in_dim3A_1367 = vector.broadcast %jit3A_1365 : f32 to vector<1x256xf32>
    %select_n3A_1368 = arith.select %ge3A_1363, %broadcast_in_dim3A_1366, %broadcast_in_dim3A_1367 : vector<1x256xi1>, vector<1x256xf32>
    %abs3A_1369 = math.absf %div3A_1360 : vector<1x256xf32>
    %mul3A_1370 = arith.mulf %div3A_1360, %div3A_1360 : vector<1x256xf32>
    %add3A_1371 = arith.constant 1.000000e+00 : f32
    %add3A_1372 = vector.broadcast %add3A_1371 : f32 to vector<1x256xf32>
    %add3A_1373 = arith.addf %add3A_1372, %mul3A_1370 : vector<1x256xf32>
    %sqrt3A_1374 = math.sqrt %add3A_1373 : vector<1x256xf32>
    %add3A_1375 = arith.addf %abs3A_1369, %sqrt3A_1374 : vector<1x256xf32>
    %div3A_1376 = arith.divf %select_n3A_1368, %add3A_1375 : vector<1x256xf32>
    %jit3A_1377 = arith.constant 0.000000e+00 : f32
    %broadcast_in_dim3A_1378 = vector.broadcast %jit3A_1377 : f32 to vector<1x256xf32>
    %select_n3A_1379 = arith.select %ne3A_1355, %div3A_1376, %broadcast_in_dim3A_1378 : vector<1x256xi1>, vector<1x256xf32>
    %mul3A_1380 = arith.mulf %select_n3A_1379, %select_n3A_1379 : vector<1x256xf32>
    %add3A_1381 = arith.constant 1.000000e+00 : f32
    %add3A_1382 = vector.broadcast %add3A_1381 : f32 to vector<1x256xf32>
    %add3A_1383 = arith.addf %add3A_1382, %mul3A_1380 : vector<1x256xf32>
    %rsqrt3A_1384 = math.rsqrt %add3A_1383 : vector<1x256xf32>
    %mul3A_1385 = arith.mulf %select_n3A_1379, %rsqrt3A_1384 : vector<1x256xf32>
    %mul3A_1386 = arith.mulf %rsqrt3A_1384, %sub3A_1239 : vector<1x256xf32>
    %mul3A_1387 = arith.mulf %mul3A_1385, %sub3A_1334 : vector<1x256xf32>
    %sub3A_1388 = arith.subf %mul3A_1386, %mul3A_1387 : vector<1x256xf32>
    %mul3A_1389 = arith.mulf %rsqrt3A_1384, %sub3A_1388 : vector<1x256xf32>
    %mul3A_1390 = arith.mulf %rsqrt3A_1384, %sub3A_1334 : vector<1x256xf32>
    %mul3A_1391 = arith.mulf %mul3A_1385, %sub3A_1322 : vector<1x256xf32>
    %sub3A_1392 = arith.subf %mul3A_1390, %mul3A_1391 : vector<1x256xf32>
    %mul3A_1393 = arith.mulf %mul3A_1385, %sub3A_1392 : vector<1x256xf32>
    %sub3A_1394 = arith.subf %mul3A_1389, %mul3A_1393 : vector<1x256xf32>
    %mul3A_1395 = arith.mulf %mul3A_1385, %sub3A_1239 : vector<1x256xf32>
    %mul3A_1396 = arith.mulf %rsqrt3A_1384, %sub3A_1334 : vector<1x256xf32>
    %add3A_1397 = arith.addf %mul3A_1395, %mul3A_1396 : vector<1x256xf32>
    %mul3A_1398 = arith.mulf %mul3A_1385, %add3A_1397 : vector<1x256xf32>
    %mul3A_1399 = arith.mulf %mul3A_1385, %sub3A_1334 : vector<1x256xf32>
    %mul3A_1400 = arith.mulf %rsqrt3A_1384, %sub3A_1322 : vector<1x256xf32>
    %add3A_1401 = arith.addf %mul3A_1399, %mul3A_1400 : vector<1x256xf32>
    %mul3A_1402 = arith.mulf %rsqrt3A_1384, %add3A_1401 : vector<1x256xf32>
    %add3A_1403 = arith.addf %mul3A_1398, %mul3A_1402 : vector<1x256xf32>
    %mul3A_1404 = arith.mulf %rsqrt3A_1384, %sub3A_1265 : vector<1x256xf32>
    %mul3A_1405 = arith.mulf %mul3A_1385, %sub3A_1337 : vector<1x256xf32>
    %sub3A_1406 = arith.subf %mul3A_1404, %mul3A_1405 : vector<1x256xf32>
    %mul3A_1407 = arith.mulf %mul3A_1385, %sub3A_1265 : vector<1x256xf32>
    %mul3A_1408 = arith.mulf %rsqrt3A_1384, %sub3A_1337 : vector<1x256xf32>
    %add3A_1409 = arith.addf %mul3A_1407, %mul3A_1408 : vector<1x256xf32>
    %mul3A_1410 = arith.mulf %rsqrt3A_1384, %sub3A_1271 : vector<1x256xf32>
    %mul3A_1411 = arith.mulf %mul3A_1385, %sub3A_1343 : vector<1x256xf32>
    %sub3A_1412 = arith.subf %mul3A_1410, %mul3A_1411 : vector<1x256xf32>
    %mul3A_1413 = arith.mulf %mul3A_1385, %sub3A_1271 : vector<1x256xf32>
    %mul3A_1414 = arith.mulf %rsqrt3A_1384, %sub3A_1343 : vector<1x256xf32>
    %add3A_1415 = arith.addf %mul3A_1413, %mul3A_1414 : vector<1x256xf32>
    %mul3A_1416 = arith.mulf %rsqrt3A_1384, %sub3A_1277 : vector<1x256xf32>
    %mul3A_1417 = arith.mulf %mul3A_1385, %sub3A_1349 : vector<1x256xf32>
    %sub3A_1418 = arith.subf %mul3A_1416, %mul3A_1417 : vector<1x256xf32>
    %mul3A_1419 = arith.mulf %mul3A_1385, %sub3A_1277 : vector<1x256xf32>
    %mul3A_1420 = arith.mulf %rsqrt3A_1384, %sub3A_1349 : vector<1x256xf32>
    %add3A_1421 = arith.addf %mul3A_1419, %mul3A_1420 : vector<1x256xf32>
    %le3A = arith.cmpf ole, %sub3A_1394, %add3A_1403 : vector<1x256xf32>
    %le3A_1422 = arith.cmpf ole, %sub3A_1394, %add3A_1331 : vector<1x256xf32>
    %and3A = arith.andi %le3A, %le3A_1422 : vector<1x256xi1>
    %not3A = arith.constant dense<true> : vector<1x256xi1>
    %not3A_1423 = arith.xori %and3A, %not3A : vector<1x256xi1>
    %le3A_1424 = arith.cmpf ole, %add3A_1403, %add3A_1331 : vector<1x256xf32>
    %and3A_1425 = arith.andi %not3A_1423, %le3A_1424 : vector<1x256xi1>
    %select_n3A_1426 = arith.select %and3A_1425, %add3A_1409, %add3A_1340 : vector<1x256xi1>, vector<1x256xf32>
    %select_n3A_1427 = arith.select %and3A, %sub3A_1406, %select_n3A_1426 : vector<1x256xi1>, vector<1x256xf32>
    %select_n3A_1428 = arith.select %and3A_1425, %add3A_1415, %add3A_1346 : vector<1x256xi1>, vector<1x256xf32>
    %select_n3A_1429 = arith.select %and3A, %sub3A_1412, %select_n3A_1428 : vector<1x256xi1>, vector<1x256xf32>
    %select_n3A_1430 = arith.select %and3A_1425, %add3A_1421, %add3A_1352 : vector<1x256xi1>, vector<1x256xf32>
    %select_n3A_1431 = arith.select %and3A, %sub3A_1418, %select_n3A_1430 : vector<1x256xi1>, vector<1x256xf32>
    %get3A_1432 = arith.constant 0 : index
    %get3A_1433 = arith.constant 0 : index
    %get3A_1434 = arith.constant 0 : index
    %get3A_1435 = vector.load %arg4[%get3A_1432, %get3A_1433, %get3A_1434] : memref<1x3x2048xf32, #tpu.memory_space<vmem>>, vector<1x3x2048xf32>
    %get3A_1436 = vector.shape_cast %get3A_1435 : vector<1x3x2048xf32> to vector<3x2048xf32>
    %get3A_1437 = arith.constant 0 : index
    %get3A_1438 = arith.constant 0 : index
    %get3A_1439 = arith.constant 0 : index
    %get3A_1440 = vector.load %arg5[%get3A_1437, %get3A_1438, %get3A_1439] : memref<1x3x256xf32, #tpu.memory_space<vmem>>, vector<1x3x256xf32>
    %get3A_1441 = vector.shape_cast %get3A_1440 : vector<1x3x256xf32> to vector<3x256xf32>
    %slice3A_1442 = vector.extract_strided_slice %get3A_1436 {offsets = [0, 0], sizes = [1, 2048], strides = [1, 1]} : vector<3x2048xf32> to vector<1x2048xf32>
    %slice3A_1443 = vector.extract_strided_slice %get3A_1436 {offsets = [1, 0], sizes = [1, 2048], strides = [1, 1]} : vector<3x2048xf32> to vector<1x2048xf32>
    %slice3A_1444 = vector.extract_strided_slice %get3A_1436 {offsets = [2, 0], sizes = [1, 2048], strides = [1, 1]} : vector<3x2048xf32> to vector<1x2048xf32>
    %mul3A_1445 = arith.mulf %slice3A_1442, %slice3A_1442 : vector<1x2048xf32>
    %mul3A_1446 = arith.mulf %slice3A_1443, %slice3A_1443 : vector<1x2048xf32>
    %add3A_1447 = arith.addf %mul3A_1445, %mul3A_1446 : vector<1x2048xf32>
    %mul3A_1448 = arith.mulf %slice3A_1444, %slice3A_1444 : vector<1x2048xf32>
    %add3A_1449 = arith.addf %add3A_1447, %mul3A_1448 : vector<1x2048xf32>
    %reshape3A_1450 = vector.shape_cast %add3A_1449 : vector<1x2048xf32> to vector<2048x1xf32>
    %slice3A_1451 = vector.extract_strided_slice %get3A_1441 {offsets = [0, 0], sizes = [1, 256], strides = [1, 1]} : vector<3x256xf32> to vector<1x256xf32>
    %slice3A_1452 = vector.extract_strided_slice %get3A_1441 {offsets = [1, 0], sizes = [1, 256], strides = [1, 1]} : vector<3x256xf32> to vector<1x256xf32>
    %slice3A_1453 = vector.extract_strided_slice %get3A_1441 {offsets = [2, 0], sizes = [1, 256], strides = [1, 1]} : vector<3x256xf32> to vector<1x256xf32>
    %mul3A_1454 = arith.mulf %slice3A_1451, %slice3A_1451 : vector<1x256xf32>
    %mul3A_1455 = arith.mulf %slice3A_1452, %slice3A_1452 : vector<1x256xf32>
    %add3A_1456 = arith.addf %mul3A_1454, %mul3A_1455 : vector<1x256xf32>
    %mul3A_1457 = arith.mulf %slice3A_1453, %slice3A_1453 : vector<1x256xf32>
    %add3A_1458 = arith.addf %add3A_1456, %mul3A_1457 : vector<1x256xf32>
    %dot_general3A_1459 = arith.constant dense<0.000000e+00> : vector<2048x256xf32>
    %dot_general3A_1460 = tpu.matmul %get3A_1436, %get3A_1441, %dot_general3A_1459 {dimension_numbers = #tpu.dot_dimension_numbers<[0], [0], [1], [1], [0, 1, 1, 1], [], []>, transpose_lhs_hint = false} : vector<3x2048xf32>, vector<3x256xf32>, vector<2048x256xf32> -> vector<2048x256xf32>
    %mul3A_1461 = arith.constant 2.000000e+00 : f32
    %mul3A_1462 = vector.broadcast %mul3A_1461 : f32 to vector<2048x256xf32>
    %mul3A_1463 = arith.mulf %mul3A_1462, %dot_general3A_1460 : vector<2048x256xf32>
    %sub3A_1464 = vector.broadcast %add3A_1458 : vector<1x256xf32> to vector<2048x256xf32>
    %sub3A_1465 = arith.subf %sub3A_1464, %mul3A_1463 : vector<2048x256xf32>
    %add3A_1466 = vector.broadcast %reshape3A_1450 : vector<2048x1xf32> to vector<2048x256xf32>
    %add3A_1467 = arith.addf %sub3A_1465, %add3A_1466 : vector<2048x256xf32>
    %iota3A_1468 = tpu.iota {dimensions = array<i32: 0>} : vector<2048x256xi32>
    %argmin3A_1469 = tpu.reduce_index %add3A_1467 {axis = 0 : i32, kind = #tpu.reduction_kind<arg_min>} : vector<2048x256xf32> -> vector<256xi32>
    %reshape3A_1470 = vector.shape_cast %argmin3A_1469 : vector<256xi32> to vector<1x256xi32>
    %eq3A_1471 = vector.broadcast %reshape3A_1470 : vector<1x256xi32> to vector<2048x256xi32>
    %eq3A_1472 = arith.cmpi eq, %iota3A_1468, %eq3A_1471 : vector<2048x256xi32>
    %jit3A_1473 = arith.constant 0x7F800000 : f32
    %broadcast_in_dim3A_1474 = vector.broadcast %jit3A_1473 : f32 to vector<2048x256xf32>
    %select_n3A_1475 = arith.select %eq3A_1472, %broadcast_in_dim3A_1474, %add3A_1467 : vector<2048x256xi1>, vector<2048x256xf32>
    %argmin3A_1476 = tpu.reduce_index %select_n3A_1475 {axis = 0 : i32, kind = #tpu.reduction_kind<arg_min>} : vector<2048x256xf32> -> vector<256xi32>
    %reshape3A_1477 = vector.shape_cast %argmin3A_1476 : vector<256xi32> to vector<1x256xi32>
    %eq3A_1478 = vector.broadcast %reshape3A_1477 : vector<1x256xi32> to vector<2048x256xi32>
    %eq3A_1479 = arith.cmpi eq, %iota3A_1468, %eq3A_1478 : vector<2048x256xi32>
    %jit3A_1480 = arith.constant 0x7F800000 : f32
    %broadcast_in_dim3A_1481 = vector.broadcast %jit3A_1480 : f32 to vector<2048x256xf32>
    %select_n3A_1482 = arith.select %eq3A_1479, %broadcast_in_dim3A_1481, %select_n3A_1475 : vector<2048x256xi1>, vector<2048x256xf32>
    %argmin3A_1483 = tpu.reduce_index %select_n3A_1482 {axis = 0 : i32, kind = #tpu.reduction_kind<arg_min>} : vector<2048x256xf32> -> vector<256xi32>
    %reshape3A_1484 = vector.shape_cast %argmin3A_1483 : vector<256xi32> to vector<1x256xi32>
    %eq3A_1485 = vector.broadcast %reshape3A_1484 : vector<1x256xi32> to vector<2048x256xi32>
    %eq3A_1486 = arith.cmpi eq, %iota3A_1468, %eq3A_1485 : vector<2048x256xi32>
    %jit3A_1487 = arith.constant 0x7F800000 : f32
    %broadcast_in_dim3A_1488 = vector.broadcast %jit3A_1487 : f32 to vector<2048x256xf32>
    %select_n3A_1489 = arith.select %eq3A_1486, %broadcast_in_dim3A_1488, %select_n3A_1482 : vector<2048x256xi1>, vector<2048x256xf32>
    %argmin3A_1490 = tpu.reduce_index %select_n3A_1489 {axis = 0 : i32, kind = #tpu.reduction_kind<arg_min>} : vector<2048x256xf32> -> vector<256xi32>
    %reshape3A_1491 = vector.shape_cast %argmin3A_1490 : vector<256xi32> to vector<1x256xi32>
    %eq3A_1492 = vector.broadcast %reshape3A_1491 : vector<1x256xi32> to vector<2048x256xi32>
    %eq3A_1493 = arith.cmpi eq, %iota3A_1468, %eq3A_1492 : vector<2048x256xi32>
    %jit3A_1494 = arith.constant 0x7F800000 : f32
    %broadcast_in_dim3A_1495 = vector.broadcast %jit3A_1494 : f32 to vector<2048x256xf32>
    %select_n3A_1496 = arith.select %eq3A_1493, %broadcast_in_dim3A_1495, %select_n3A_1489 : vector<2048x256xi1>, vector<2048x256xf32>
    %argmin3A_1497 = tpu.reduce_index %select_n3A_1496 {axis = 0 : i32, kind = #tpu.reduction_kind<arg_min>} : vector<2048x256xf32> -> vector<256xi32>
    %reshape3A_1498 = vector.shape_cast %argmin3A_1497 : vector<256xi32> to vector<1x256xi32>
    %eq3A_1499 = vector.broadcast %reshape3A_1498 : vector<1x256xi32> to vector<2048x256xi32>
    %eq3A_1500 = arith.cmpi eq, %iota3A_1468, %eq3A_1499 : vector<2048x256xi32>
    %jit3A_1501 = arith.constant 0x7F800000 : f32
    %broadcast_in_dim3A_1502 = vector.broadcast %jit3A_1501 : f32 to vector<2048x256xf32>
    %select_n3A_1503 = arith.select %eq3A_1500, %broadcast_in_dim3A_1502, %select_n3A_1496 : vector<2048x256xi1>, vector<2048x256xf32>
    %argmin3A_1504 = tpu.reduce_index %select_n3A_1503 {axis = 0 : i32, kind = #tpu.reduction_kind<arg_min>} : vector<2048x256xf32> -> vector<256xi32>
    %reshape3A_1505 = vector.shape_cast %argmin3A_1504 : vector<256xi32> to vector<1x256xi32>
    %eq3A_1506 = vector.broadcast %reshape3A_1505 : vector<1x256xi32> to vector<2048x256xi32>
    %eq3A_1507 = arith.cmpi eq, %iota3A_1468, %eq3A_1506 : vector<2048x256xi32>
    %jit3A_1508 = arith.constant 0x7F800000 : f32
    %broadcast_in_dim3A_1509 = vector.broadcast %jit3A_1508 : f32 to vector<2048x256xf32>
    %select_n3A_1510 = arith.select %eq3A_1507, %broadcast_in_dim3A_1509, %select_n3A_1503 : vector<2048x256xi1>, vector<2048x256xf32>
    %argmin3A_1511 = tpu.reduce_index %select_n3A_1510 {axis = 0 : i32, kind = #tpu.reduction_kind<arg_min>} : vector<2048x256xf32> -> vector<256xi32>
    %reshape3A_1512 = vector.shape_cast %argmin3A_1511 : vector<256xi32> to vector<1x256xi32>
    %eq3A_1513 = vector.broadcast %reshape3A_1512 : vector<1x256xi32> to vector<2048x256xi32>
    %eq3A_1514 = arith.cmpi eq, %iota3A_1468, %eq3A_1513 : vector<2048x256xi32>
    %jit3A_1515 = arith.constant 0x7F800000 : f32
    %broadcast_in_dim3A_1516 = vector.broadcast %jit3A_1515 : f32 to vector<2048x256xf32>
    %select_n3A_1517 = arith.select %eq3A_1514, %broadcast_in_dim3A_1516, %select_n3A_1510 : vector<2048x256xi1>, vector<2048x256xf32>
    %argmin3A_1518 = tpu.reduce_index %select_n3A_1517 {axis = 0 : i32, kind = #tpu.reduction_kind<arg_min>} : vector<2048x256xf32> -> vector<256xi32>
    %reshape3A_1519 = vector.shape_cast %argmin3A_1518 : vector<256xi32> to vector<1x256xi32>
    %eq3A_1520 = vector.broadcast %reshape3A_1519 : vector<1x256xi32> to vector<2048x256xi32>
    %eq3A_1521 = arith.cmpi eq, %iota3A_1468, %eq3A_1520 : vector<2048x256xi32>
    %jit3A_1522 = arith.constant 0x7F800000 : f32
    %broadcast_in_dim3A_1523 = vector.broadcast %jit3A_1522 : f32 to vector<2048x256xf32>
    %select_n3A_1524 = arith.select %eq3A_1521, %broadcast_in_dim3A_1523, %select_n3A_1517 : vector<2048x256xi1>, vector<2048x256xf32>
    %argmin3A_1525 = tpu.reduce_index %select_n3A_1524 {axis = 0 : i32, kind = #tpu.reduction_kind<arg_min>} : vector<2048x256xf32> -> vector<256xi32>
    %reshape3A_1526 = vector.shape_cast %argmin3A_1525 : vector<256xi32> to vector<1x256xi32>
    %eq3A_1527 = vector.broadcast %reshape3A_1526 : vector<1x256xi32> to vector<2048x256xi32>
    %eq3A_1528 = arith.cmpi eq, %iota3A_1468, %eq3A_1527 : vector<2048x256xi32>
    %jit3A_1529 = arith.constant 0x7F800000 : f32
    %broadcast_in_dim3A_1530 = vector.broadcast %jit3A_1529 : f32 to vector<2048x256xf32>
    %select_n3A_1531 = arith.select %eq3A_1528, %broadcast_in_dim3A_1530, %select_n3A_1524 : vector<2048x256xi1>, vector<2048x256xf32>
    %argmin3A_1532 = tpu.reduce_index %select_n3A_1531 {axis = 0 : i32, kind = #tpu.reduction_kind<arg_min>} : vector<2048x256xf32> -> vector<256xi32>
    %reshape3A_1533 = vector.shape_cast %argmin3A_1532 : vector<256xi32> to vector<1x256xi32>
    %eq3A_1534 = vector.broadcast %reshape3A_1533 : vector<1x256xi32> to vector<2048x256xi32>
    %eq3A_1535 = arith.cmpi eq, %iota3A_1468, %eq3A_1534 : vector<2048x256xi32>
    %jit3A_1536 = arith.constant 0x7F800000 : f32
    %broadcast_in_dim3A_1537 = vector.broadcast %jit3A_1536 : f32 to vector<2048x256xf32>
    %select_n3A_1538 = arith.select %eq3A_1535, %broadcast_in_dim3A_1537, %select_n3A_1531 : vector<2048x256xi1>, vector<2048x256xf32>
    %argmin3A_1539 = tpu.reduce_index %select_n3A_1538 {axis = 0 : i32, kind = #tpu.reduction_kind<arg_min>} : vector<2048x256xf32> -> vector<256xi32>
    %reshape3A_1540 = vector.shape_cast %argmin3A_1539 : vector<256xi32> to vector<1x256xi32>
    %eq3A_1541 = vector.broadcast %reshape3A_1540 : vector<1x256xi32> to vector<2048x256xi32>
    %eq3A_1542 = arith.cmpi eq, %iota3A_1468, %eq3A_1541 : vector<2048x256xi32>
    %jit3A_1543 = arith.constant 0x7F800000 : f32
    %broadcast_in_dim3A_1544 = vector.broadcast %jit3A_1543 : f32 to vector<2048x256xf32>
    %select_n3A_1545 = arith.select %eq3A_1542, %broadcast_in_dim3A_1544, %select_n3A_1538 : vector<2048x256xi1>, vector<2048x256xf32>
    %argmin3A_1546 = tpu.reduce_index %select_n3A_1545 {axis = 0 : i32, kind = #tpu.reduction_kind<arg_min>} : vector<2048x256xf32> -> vector<256xi32>
    %reshape3A_1547 = vector.shape_cast %argmin3A_1546 : vector<256xi32> to vector<1x256xi32>
    %eq3A_1548 = vector.broadcast %reshape3A_1547 : vector<1x256xi32> to vector<2048x256xi32>
    %eq3A_1549 = arith.cmpi eq, %iota3A_1468, %eq3A_1548 : vector<2048x256xi32>
    %jit3A_1550 = arith.constant 0x7F800000 : f32
    %broadcast_in_dim3A_1551 = vector.broadcast %jit3A_1550 : f32 to vector<2048x256xf32>
    %select_n3A_1552 = arith.select %eq3A_1549, %broadcast_in_dim3A_1551, %select_n3A_1545 : vector<2048x256xi1>, vector<2048x256xf32>
    %argmin3A_1553 = tpu.reduce_index %select_n3A_1552 {axis = 0 : i32, kind = #tpu.reduction_kind<arg_min>} : vector<2048x256xf32> -> vector<256xi32>
    %reshape3A_1554 = vector.shape_cast %argmin3A_1553 : vector<256xi32> to vector<1x256xi32>
    %eq3A_1555 = vector.broadcast %reshape3A_1554 : vector<1x256xi32> to vector<2048x256xi32>
    %eq3A_1556 = arith.cmpi eq, %iota3A_1468, %eq3A_1555 : vector<2048x256xi32>
    %jit3A_1557 = arith.constant 0x7F800000 : f32
    %broadcast_in_dim3A_1558 = vector.broadcast %jit3A_1557 : f32 to vector<2048x256xf32>
    %select_n3A_1559 = arith.select %eq3A_1556, %broadcast_in_dim3A_1558, %select_n3A_1552 : vector<2048x256xi1>, vector<2048x256xf32>
    %argmin3A_1560 = tpu.reduce_index %select_n3A_1559 {axis = 0 : i32, kind = #tpu.reduction_kind<arg_min>} : vector<2048x256xf32> -> vector<256xi32>
    %reshape3A_1561 = vector.shape_cast %argmin3A_1560 : vector<256xi32> to vector<1x256xi32>
    %eq3A_1562 = vector.broadcast %reshape3A_1561 : vector<1x256xi32> to vector<2048x256xi32>
    %eq3A_1563 = arith.cmpi eq, %iota3A_1468, %eq3A_1562 : vector<2048x256xi32>
    %jit3A_1564 = arith.constant 0x7F800000 : f32
    %broadcast_in_dim3A_1565 = vector.broadcast %jit3A_1564 : f32 to vector<2048x256xf32>
    %select_n3A_1566 = arith.select %eq3A_1563, %broadcast_in_dim3A_1565, %select_n3A_1559 : vector<2048x256xi1>, vector<2048x256xf32>
    %argmin3A_1567 = tpu.reduce_index %select_n3A_1566 {axis = 0 : i32, kind = #tpu.reduction_kind<arg_min>} : vector<2048x256xf32> -> vector<256xi32>
    %reshape3A_1568 = vector.shape_cast %argmin3A_1567 : vector<256xi32> to vector<1x256xi32>
    %eq3A_1569 = vector.broadcast %reshape3A_1568 : vector<1x256xi32> to vector<2048x256xi32>
    %eq3A_1570 = arith.cmpi eq, %iota3A_1468, %eq3A_1569 : vector<2048x256xi32>
    %jit3A_1571 = arith.constant 0x7F800000 : f32
    %broadcast_in_dim3A_1572 = vector.broadcast %jit3A_1571 : f32 to vector<2048x256xf32>
    %select_n3A_1573 = arith.select %eq3A_1570, %broadcast_in_dim3A_1572, %select_n3A_1566 : vector<2048x256xi1>, vector<2048x256xf32>
    %argmin3A_1574 = tpu.reduce_index %select_n3A_1573 {axis = 0 : i32, kind = #tpu.reduction_kind<arg_min>} : vector<2048x256xf32> -> vector<256xi32>
    %reshape3A_1575 = vector.shape_cast %argmin3A_1574 : vector<256xi32> to vector<1x256xi32>
    %eq3A_1576 = arith.constant 0x7F800000 : f32
    %eq3A_1577 = vector.broadcast %eq3A_1576 : f32 to vector<2048x256xf32>
    %eq3A_1578 = arith.cmpf oeq, %select_n3A_1573, %eq3A_1577 : vector<2048x256xf32>
    %eq3A_1579 = vector.broadcast %reshape3A_1575 : vector<1x256xi32> to vector<2048x256xi32>
    %eq3A_1580 = arith.cmpi eq, %iota3A_1468, %eq3A_1579 : vector<2048x256xi32>
    %or3A_1581 = arith.ori %eq3A_1578, %eq3A_1580 : vector<2048x256xi1>
    %convert_element_type3A_1582 = arith.extui %or3A_1581 : vector<2048x256xi1> to vector<2048x256xi32>
    %convert_element_type3A_1583 = arith.sitofp %convert_element_type3A_1582 : vector<2048x256xi32> to vector<2048x256xf32>
    %dot_general3A_1584 = arith.constant dense<0.000000e+00> : vector<3x256xf32>
    %dot_general3A_1585 = tpu.matmul %get3A_1436, %convert_element_type3A_1583, %dot_general3A_1584 {dimension_numbers = #tpu.dot_dimension_numbers<[1], [0], [0], [1], [0, 0, 1, 1], [], []>, transpose_lhs_hint = false} : vector<3x2048xf32>, vector<2048x256xf32>, vector<3x256xf32> -> vector<3x256xf32>
    %slice3A_1586 = vector.extract_strided_slice %dot_general3A_1585 {offsets = [0, 0], sizes = [1, 256], strides = [1, 1]} : vector<3x256xf32> to vector<1x256xf32>
    %mul3A_1587 = arith.constant 6.250000e-02 : f32
    %mul3A_1588 = vector.broadcast %mul3A_1587 : f32 to vector<1x256xf32>
    %mul3A_1589 = arith.mulf %slice3A_1586, %mul3A_1588 : vector<1x256xf32>
    %slice3A_1590 = vector.extract_strided_slice %dot_general3A_1585 {offsets = [1, 0], sizes = [1, 256], strides = [1, 1]} : vector<3x256xf32> to vector<1x256xf32>
    %mul3A_1591 = arith.constant 6.250000e-02 : f32
    %mul3A_1592 = vector.broadcast %mul3A_1591 : f32 to vector<1x256xf32>
    %mul3A_1593 = arith.mulf %slice3A_1590, %mul3A_1592 : vector<1x256xf32>
    %slice3A_1594 = vector.extract_strided_slice %dot_general3A_1585 {offsets = [2, 0], sizes = [1, 256], strides = [1, 1]} : vector<3x256xf32> to vector<1x256xf32>
    %mul3A_1595 = arith.constant 6.250000e-02 : f32
    %mul3A_1596 = vector.broadcast %mul3A_1595 : f32 to vector<1x256xf32>
    %mul3A_1597 = arith.mulf %slice3A_1594, %mul3A_1596 : vector<1x256xf32>
    %reshape3A_1598 = vector.shape_cast %slice3A_1442 : vector<1x2048xf32> to vector<2048x1xf32>
    %sub3A_1599 = vector.broadcast %reshape3A_1598 : vector<2048x1xf32> to vector<2048x256xf32>
    %sub3A_1600 = vector.broadcast %mul3A_1589 : vector<1x256xf32> to vector<2048x256xf32>
    %sub3A_1601 = arith.subf %sub3A_1599, %sub3A_1600 : vector<2048x256xf32>
    %reshape3A_1602 = vector.shape_cast %slice3A_1443 : vector<1x2048xf32> to vector<2048x1xf32>
    %sub3A_1603 = vector.broadcast %reshape3A_1602 : vector<2048x1xf32> to vector<2048x256xf32>
    %sub3A_1604 = vector.broadcast %mul3A_1593 : vector<1x256xf32> to vector<2048x256xf32>
    %sub3A_1605 = arith.subf %sub3A_1603, %sub3A_1604 : vector<2048x256xf32>
    %reshape3A_1606 = vector.shape_cast %slice3A_1444 : vector<1x2048xf32> to vector<2048x1xf32>
    %sub3A_1607 = vector.broadcast %reshape3A_1606 : vector<2048x1xf32> to vector<2048x256xf32>
    %sub3A_1608 = vector.broadcast %mul3A_1597 : vector<1x256xf32> to vector<2048x256xf32>
    %sub3A_1609 = arith.subf %sub3A_1607, %sub3A_1608 : vector<2048x256xf32>
    %mul3A_1610 = arith.mulf %convert_element_type3A_1583, %sub3A_1601 : vector<2048x256xf32>
    %mul3A_1611 = arith.mulf %convert_element_type3A_1583, %sub3A_1605 : vector<2048x256xf32>
    %mul3A_1612 = arith.mulf %convert_element_type3A_1583, %sub3A_1609 : vector<2048x256xf32>
    %broadcast_in_dim3A_1613 = arith.constant 1.000000e+00 : f32
    %broadcast_in_dim3A_1614 = vector.broadcast %broadcast_in_dim3A_1613 : f32 to vector<1x2048xf32>
    %mul3A_1615 = arith.mulf %mul3A_1610, %sub3A_1601 : vector<2048x256xf32>
    %dot_general3A_1616 = arith.constant dense<0.000000e+00> : vector<1x256xf32>
    %dot_general3A_1617 = tpu.matmul %broadcast_in_dim3A_1614, %mul3A_1615, %dot_general3A_1616 {dimension_numbers = #tpu.dot_dimension_numbers<[1], [0], [0], [1], [0, 0, 1, 1], [], []>, transpose_lhs_hint = false} : vector<1x2048xf32>, vector<2048x256xf32>, vector<1x256xf32> -> vector<1x256xf32>
    %mul3A_1618 = arith.constant 6.250000e-02 : f32
    %mul3A_1619 = vector.broadcast %mul3A_1618 : f32 to vector<1x256xf32>
    %mul3A_1620 = arith.mulf %dot_general3A_1617, %mul3A_1619 : vector<1x256xf32>
    %mul3A_1621 = arith.mulf %mul3A_1611, %sub3A_1605 : vector<2048x256xf32>
    %dot_general3A_1622 = arith.constant dense<0.000000e+00> : vector<1x256xf32>
    %dot_general3A_1623 = tpu.matmul %broadcast_in_dim3A_1614, %mul3A_1621, %dot_general3A_1622 {dimension_numbers = #tpu.dot_dimension_numbers<[1], [0], [0], [1], [0, 0, 1, 1], [], []>, transpose_lhs_hint = false} : vector<1x2048xf32>, vector<2048x256xf32>, vector<1x256xf32> -> vector<1x256xf32>
    %mul3A_1624 = arith.constant 6.250000e-02 : f32
    %mul3A_1625 = vector.broadcast %mul3A_1624 : f32 to vector<1x256xf32>
    %mul3A_1626 = arith.mulf %dot_general3A_1623, %mul3A_1625 : vector<1x256xf32>
    %mul3A_1627 = arith.mulf %mul3A_1612, %sub3A_1609 : vector<2048x256xf32>
    %dot_general3A_1628 = arith.constant dense<0.000000e+00> : vector<1x256xf32>
    %dot_general3A_1629 = tpu.matmul %broadcast_in_dim3A_1614, %mul3A_1627, %dot_general3A_1628 {dimension_numbers = #tpu.dot_dimension_numbers<[1], [0], [0], [1], [0, 0, 1, 1], [], []>, transpose_lhs_hint = false} : vector<1x2048xf32>, vector<2048x256xf32>, vector<1x256xf32> -> vector<1x256xf32>
    %mul3A_1630 = arith.constant 6.250000e-02 : f32
    %mul3A_1631 = vector.broadcast %mul3A_1630 : f32 to vector<1x256xf32>
    %mul3A_1632 = arith.mulf %dot_general3A_1629, %mul3A_1631 : vector<1x256xf32>
    %mul3A_1633 = arith.mulf %mul3A_1610, %sub3A_1605 : vector<2048x256xf32>
    %dot_general3A_1634 = arith.constant dense<0.000000e+00> : vector<1x256xf32>
    %dot_general3A_1635 = tpu.matmul %broadcast_in_dim3A_1614, %mul3A_1633, %dot_general3A_1634 {dimension_numbers = #tpu.dot_dimension_numbers<[1], [0], [0], [1], [0, 0, 1, 1], [], []>, transpose_lhs_hint = false} : vector<1x2048xf32>, vector<2048x256xf32>, vector<1x256xf32> -> vector<1x256xf32>
    %mul3A_1636 = arith.constant 6.250000e-02 : f32
    %mul3A_1637 = vector.broadcast %mul3A_1636 : f32 to vector<1x256xf32>
    %mul3A_1638 = arith.mulf %dot_general3A_1635, %mul3A_1637 : vector<1x256xf32>
    %mul3A_1639 = arith.mulf %mul3A_1610, %sub3A_1609 : vector<2048x256xf32>
    %dot_general3A_1640 = arith.constant dense<0.000000e+00> : vector<1x256xf32>
    %dot_general3A_1641 = tpu.matmul %broadcast_in_dim3A_1614, %mul3A_1639, %dot_general3A_1640 {dimension_numbers = #tpu.dot_dimension_numbers<[1], [0], [0], [1], [0, 0, 1, 1], [], []>, transpose_lhs_hint = false} : vector<1x2048xf32>, vector<2048x256xf32>, vector<1x256xf32> -> vector<1x256xf32>
    %mul3A_1642 = arith.constant 6.250000e-02 : f32
    %mul3A_1643 = vector.broadcast %mul3A_1642 : f32 to vector<1x256xf32>
    %mul3A_1644 = arith.mulf %dot_general3A_1641, %mul3A_1643 : vector<1x256xf32>
    %mul3A_1645 = arith.mulf %mul3A_1611, %sub3A_1609 : vector<2048x256xf32>
    %dot_general3A_1646 = arith.constant dense<0.000000e+00> : vector<1x256xf32>
    %dot_general3A_1647 = tpu.matmul %broadcast_in_dim3A_1614, %mul3A_1645, %dot_general3A_1646 {dimension_numbers = #tpu.dot_dimension_numbers<[1], [0], [0], [1], [0, 0, 1, 1], [], []>, transpose_lhs_hint = false} : vector<1x2048xf32>, vector<2048x256xf32>, vector<1x256xf32> -> vector<1x256xf32>
    %mul3A_1648 = arith.constant 6.250000e-02 : f32
    %mul3A_1649 = vector.broadcast %mul3A_1648 : f32 to vector<1x256xf32>
    %mul3A_1650 = arith.mulf %dot_general3A_1647, %mul3A_1649 : vector<1x256xf32>
    %broadcast_in_dim3A_1651 = arith.constant 1.000000e+00 : f32
    %broadcast_in_dim3A_1652 = vector.broadcast %broadcast_in_dim3A_1651 : f32 to vector<1x256xf32>
    %broadcast_in_dim3A_1653 = arith.constant 0.000000e+00 : f32
    %broadcast_in_dim3A_1654 = vector.broadcast %broadcast_in_dim3A_1653 : f32 to vector<1x256xf32>
    %ne3A_1655 = arith.constant 0.000000e+00 : f32
    %ne3A_1656 = vector.broadcast %ne3A_1655 : f32 to vector<1x256xf32>
    %ne3A_1657 = arith.cmpf one, %mul3A_1644, %ne3A_1656 : vector<1x256xf32>
    %sub3A_1658 = arith.subf %mul3A_1632, %mul3A_1620 : vector<1x256xf32>
    %mul3A_1659 = arith.constant 2.000000e+00 : f32
    %mul3A_1660 = vector.broadcast %mul3A_1659 : f32 to vector<1x256xf32>
    %mul3A_1661 = arith.mulf %mul3A_1660, %mul3A_1644 : vector<1x256xf32>
    %div3A_1662 = arith.divf %sub3A_1658, %mul3A_1661 : vector<1x256xf32>
    %ge3A_1663 = arith.constant 0.000000e+00 : f32
    %ge3A_1664 = vector.broadcast %ge3A_1663 : f32 to vector<1x256xf32>
    %ge3A_1665 = arith.cmpf oge, %div3A_1662, %ge3A_1664 : vector<1x256xf32>
    %jit3A_1666 = arith.constant 1.000000e+00 : f32
    %jit3A_1667 = arith.constant -1.000000e+00 : f32
    %broadcast_in_dim3A_1668 = vector.broadcast %jit3A_1666 : f32 to vector<1x256xf32>
    %broadcast_in_dim3A_1669 = vector.broadcast %jit3A_1667 : f32 to vector<1x256xf32>
    %select_n3A_1670 = arith.select %ge3A_1665, %broadcast_in_dim3A_1668, %broadcast_in_dim3A_1669 : vector<1x256xi1>, vector<1x256xf32>
    %abs3A_1671 = math.absf %div3A_1662 : vector<1x256xf32>
    %mul3A_1672 = arith.mulf %div3A_1662, %div3A_1662 : vector<1x256xf32>
    %add3A_1673 = arith.constant 1.000000e+00 : f32
    %add3A_1674 = vector.broadcast %add3A_1673 : f32 to vector<1x256xf32>
    %add3A_1675 = arith.addf %add3A_1674, %mul3A_1672 : vector<1x256xf32>
    %sqrt3A_1676 = math.sqrt %add3A_1675 : vector<1x256xf32>
    %add3A_1677 = arith.addf %abs3A_1671, %sqrt3A_1676 : vector<1x256xf32>
    %div3A_1678 = arith.divf %select_n3A_1670, %add3A_1677 : vector<1x256xf32>
    %jit3A_1679 = arith.constant 0.000000e+00 : f32
    %broadcast_in_dim3A_1680 = vector.broadcast %jit3A_1679 : f32 to vector<1x256xf32>
    %select_n3A_1681 = arith.select %ne3A_1657, %div3A_1678, %broadcast_in_dim3A_1680 : vector<1x256xi1>, vector<1x256xf32>
    %mul3A_1682 = arith.mulf %select_n3A_1681, %select_n3A_1681 : vector<1x256xf32>
    %add3A_1683 = arith.constant 1.000000e+00 : f32
    %add3A_1684 = vector.broadcast %add3A_1683 : f32 to vector<1x256xf32>
    %add3A_1685 = arith.addf %add3A_1684, %mul3A_1682 : vector<1x256xf32>
    %rsqrt3A_1686 = math.rsqrt %add3A_1685 : vector<1x256xf32>
    %mul3A_1687 = arith.mulf %select_n3A_1681, %rsqrt3A_1686 : vector<1x256xf32>
    %mul3A_1688 = arith.mulf %rsqrt3A_1686, %mul3A_1620 : vector<1x256xf32>
    %mul3A_1689 = arith.mulf %mul3A_1687, %mul3A_1644 : vector<1x256xf32>
    %sub3A_1690 = arith.subf %mul3A_1688, %mul3A_1689 : vector<1x256xf32>
    %mul3A_1691 = arith.mulf %rsqrt3A_1686, %sub3A_1690 : vector<1x256xf32>
    %mul3A_1692 = arith.mulf %rsqrt3A_1686, %mul3A_1644 : vector<1x256xf32>
    %mul3A_1693 = arith.mulf %mul3A_1687, %mul3A_1632 : vector<1x256xf32>
    %sub3A_1694 = arith.subf %mul3A_1692, %mul3A_1693 : vector<1x256xf32>
    %mul3A_1695 = arith.mulf %mul3A_1687, %sub3A_1694 : vector<1x256xf32>
    %sub3A_1696 = arith.subf %mul3A_1691, %mul3A_1695 : vector<1x256xf32>
    %mul3A_1697 = arith.mulf %mul3A_1687, %mul3A_1620 : vector<1x256xf32>
    %mul3A_1698 = arith.mulf %rsqrt3A_1686, %mul3A_1644 : vector<1x256xf32>
    %add3A_1699 = arith.addf %mul3A_1697, %mul3A_1698 : vector<1x256xf32>
    %mul3A_1700 = arith.mulf %mul3A_1687, %add3A_1699 : vector<1x256xf32>
    %mul3A_1701 = arith.mulf %mul3A_1687, %mul3A_1644 : vector<1x256xf32>
    %mul3A_1702 = arith.mulf %rsqrt3A_1686, %mul3A_1632 : vector<1x256xf32>
    %add3A_1703 = arith.addf %mul3A_1701, %mul3A_1702 : vector<1x256xf32>
    %mul3A_1704 = arith.mulf %rsqrt3A_1686, %add3A_1703 : vector<1x256xf32>
    %add3A_1705 = arith.addf %mul3A_1700, %mul3A_1704 : vector<1x256xf32>
    %mul3A_1706 = arith.mulf %rsqrt3A_1686, %mul3A_1687 : vector<1x256xf32>
    %sub3A_1707 = arith.subf %mul3A_1620, %mul3A_1632 : vector<1x256xf32>
    %mul3A_1708 = arith.mulf %mul3A_1706, %sub3A_1707 : vector<1x256xf32>
    %mul3A_1709 = arith.mulf %rsqrt3A_1686, %rsqrt3A_1686 : vector<1x256xf32>
    %mul3A_1710 = arith.mulf %mul3A_1687, %mul3A_1687 : vector<1x256xf32>
    %sub3A_1711 = arith.subf %mul3A_1709, %mul3A_1710 : vector<1x256xf32>
    %mul3A_1712 = arith.mulf %sub3A_1711, %mul3A_1644 : vector<1x256xf32>
    %add3A_1713 = arith.addf %mul3A_1708, %mul3A_1712 : vector<1x256xf32>
    %mul3A_1714 = arith.mulf %rsqrt3A_1686, %mul3A_1638 : vector<1x256xf32>
    %mul3A_1715 = arith.mulf %mul3A_1687, %mul3A_1650 : vector<1x256xf32>
    %sub3A_1716 = arith.subf %mul3A_1714, %mul3A_1715 : vector<1x256xf32>
    %mul3A_1717 = arith.mulf %mul3A_1687, %mul3A_1638 : vector<1x256xf32>
    %mul3A_1718 = arith.mulf %rsqrt3A_1686, %mul3A_1650 : vector<1x256xf32>
    %add3A_1719 = arith.addf %mul3A_1717, %mul3A_1718 : vector<1x256xf32>
    %mul3A_1720 = arith.mulf %rsqrt3A_1686, %broadcast_in_dim3A_1652 : vector<1x256xf32>
    %mul3A_1721 = arith.mulf %mul3A_1687, %broadcast_in_dim3A_1654 : vector<1x256xf32>
    %sub3A_1722 = arith.subf %mul3A_1720, %mul3A_1721 : vector<1x256xf32>
    %mul3A_1723 = arith.mulf %mul3A_1687, %broadcast_in_dim3A_1652 : vector<1x256xf32>
    %mul3A_1724 = arith.mulf %rsqrt3A_1686, %broadcast_in_dim3A_1654 : vector<1x256xf32>
    %add3A_1725 = arith.addf %mul3A_1723, %mul3A_1724 : vector<1x256xf32>
    %mul3A_1726 = arith.mulf %rsqrt3A_1686, %broadcast_in_dim3A_1654 : vector<1x256xf32>
    %mul3A_1727 = arith.mulf %mul3A_1687, %broadcast_in_dim3A_1654 : vector<1x256xf32>
    %sub3A_1728 = arith.subf %mul3A_1726, %mul3A_1727 : vector<1x256xf32>
    %mul3A_1729 = arith.mulf %mul3A_1687, %broadcast_in_dim3A_1654 : vector<1x256xf32>
    %mul3A_1730 = arith.mulf %rsqrt3A_1686, %broadcast_in_dim3A_1654 : vector<1x256xf32>
    %add3A_1731 = arith.addf %mul3A_1729, %mul3A_1730 : vector<1x256xf32>
    %mul3A_1732 = arith.mulf %rsqrt3A_1686, %broadcast_in_dim3A_1654 : vector<1x256xf32>
    %mul3A_1733 = arith.mulf %mul3A_1687, %broadcast_in_dim3A_1652 : vector<1x256xf32>
    %sub3A_1734 = arith.subf %mul3A_1732, %mul3A_1733 : vector<1x256xf32>
    %mul3A_1735 = arith.mulf %mul3A_1687, %broadcast_in_dim3A_1654 : vector<1x256xf32>
    %mul3A_1736 = arith.mulf %rsqrt3A_1686, %broadcast_in_dim3A_1652 : vector<1x256xf32>
    %add3A_1737 = arith.addf %mul3A_1735, %mul3A_1736 : vector<1x256xf32>
    %ne3A_1738 = arith.constant 0.000000e+00 : f32
    %ne3A_1739 = vector.broadcast %ne3A_1738 : f32 to vector<1x256xf32>
    %ne3A_1740 = arith.cmpf one, %add3A_1719, %ne3A_1739 : vector<1x256xf32>
    %sub3A_1741 = arith.subf %add3A_1705, %mul3A_1626 : vector<1x256xf32>
    %mul3A_1742 = arith.constant 2.000000e+00 : f32
    %mul3A_1743 = vector.broadcast %mul3A_1742 : f32 to vector<1x256xf32>
    %mul3A_1744 = arith.mulf %mul3A_1743, %add3A_1719 : vector<1x256xf32>
    %div3A_1745 = arith.divf %sub3A_1741, %mul3A_1744 : vector<1x256xf32>
    %ge3A_1746 = arith.constant 0.000000e+00 : f32
    %ge3A_1747 = vector.broadcast %ge3A_1746 : f32 to vector<1x256xf32>
    %ge3A_1748 = arith.cmpf oge, %div3A_1745, %ge3A_1747 : vector<1x256xf32>
    %jit3A_1749 = arith.constant 1.000000e+00 : f32
    %jit3A_1750 = arith.constant -1.000000e+00 : f32
    %broadcast_in_dim3A_1751 = vector.broadcast %jit3A_1749 : f32 to vector<1x256xf32>
    %broadcast_in_dim3A_1752 = vector.broadcast %jit3A_1750 : f32 to vector<1x256xf32>
    %select_n3A_1753 = arith.select %ge3A_1748, %broadcast_in_dim3A_1751, %broadcast_in_dim3A_1752 : vector<1x256xi1>, vector<1x256xf32>
    %abs3A_1754 = math.absf %div3A_1745 : vector<1x256xf32>
    %mul3A_1755 = arith.mulf %div3A_1745, %div3A_1745 : vector<1x256xf32>
    %add3A_1756 = arith.constant 1.000000e+00 : f32
    %add3A_1757 = vector.broadcast %add3A_1756 : f32 to vector<1x256xf32>
    %add3A_1758 = arith.addf %add3A_1757, %mul3A_1755 : vector<1x256xf32>
    %sqrt3A_1759 = math.sqrt %add3A_1758 : vector<1x256xf32>
    %add3A_1760 = arith.addf %abs3A_1754, %sqrt3A_1759 : vector<1x256xf32>
    %div3A_1761 = arith.divf %select_n3A_1753, %add3A_1760 : vector<1x256xf32>
    %jit3A_1762 = arith.constant 0.000000e+00 : f32
    %broadcast_in_dim3A_1763 = vector.broadcast %jit3A_1762 : f32 to vector<1x256xf32>
    %select_n3A_1764 = arith.select %ne3A_1740, %div3A_1761, %broadcast_in_dim3A_1763 : vector<1x256xi1>, vector<1x256xf32>
    %mul3A_1765 = arith.mulf %select_n3A_1764, %select_n3A_1764 : vector<1x256xf32>
    %add3A_1766 = arith.constant 1.000000e+00 : f32
    %add3A_1767 = vector.broadcast %add3A_1766 : f32 to vector<1x256xf32>
    %add3A_1768 = arith.addf %add3A_1767, %mul3A_1765 : vector<1x256xf32>
    %rsqrt3A_1769 = math.rsqrt %add3A_1768 : vector<1x256xf32>
    %mul3A_1770 = arith.mulf %select_n3A_1764, %rsqrt3A_1769 : vector<1x256xf32>
    %mul3A_1771 = arith.mulf %rsqrt3A_1769, %mul3A_1626 : vector<1x256xf32>
    %mul3A_1772 = arith.mulf %mul3A_1770, %add3A_1719 : vector<1x256xf32>
    %sub3A_1773 = arith.subf %mul3A_1771, %mul3A_1772 : vector<1x256xf32>
    %mul3A_1774 = arith.mulf %rsqrt3A_1769, %sub3A_1773 : vector<1x256xf32>
    %mul3A_1775 = arith.mulf %rsqrt3A_1769, %add3A_1719 : vector<1x256xf32>
    %mul3A_1776 = arith.mulf %mul3A_1770, %add3A_1705 : vector<1x256xf32>
    %sub3A_1777 = arith.subf %mul3A_1775, %mul3A_1776 : vector<1x256xf32>
    %mul3A_1778 = arith.mulf %mul3A_1770, %sub3A_1777 : vector<1x256xf32>
    %sub3A_1779 = arith.subf %mul3A_1774, %mul3A_1778 : vector<1x256xf32>
    %mul3A_1780 = arith.mulf %mul3A_1770, %mul3A_1626 : vector<1x256xf32>
    %mul3A_1781 = arith.mulf %rsqrt3A_1769, %add3A_1719 : vector<1x256xf32>
    %add3A_1782 = arith.addf %mul3A_1780, %mul3A_1781 : vector<1x256xf32>
    %mul3A_1783 = arith.mulf %mul3A_1770, %add3A_1782 : vector<1x256xf32>
    %mul3A_1784 = arith.mulf %mul3A_1770, %add3A_1719 : vector<1x256xf32>
    %mul3A_1785 = arith.mulf %rsqrt3A_1769, %add3A_1705 : vector<1x256xf32>
    %add3A_1786 = arith.addf %mul3A_1784, %mul3A_1785 : vector<1x256xf32>
    %mul3A_1787 = arith.mulf %rsqrt3A_1769, %add3A_1786 : vector<1x256xf32>
    %add3A_1788 = arith.addf %mul3A_1783, %mul3A_1787 : vector<1x256xf32>
    %mul3A_1789 = arith.mulf %rsqrt3A_1769, %mul3A_1770 : vector<1x256xf32>
    %sub3A_1790 = arith.subf %mul3A_1626, %add3A_1705 : vector<1x256xf32>
    %mul3A_1791 = arith.mulf %mul3A_1789, %sub3A_1790 : vector<1x256xf32>
    %mul3A_1792 = arith.mulf %rsqrt3A_1769, %rsqrt3A_1769 : vector<1x256xf32>
    %mul3A_1793 = arith.mulf %mul3A_1770, %mul3A_1770 : vector<1x256xf32>
    %sub3A_1794 = arith.subf %mul3A_1792, %mul3A_1793 : vector<1x256xf32>
    %mul3A_1795 = arith.mulf %sub3A_1794, %add3A_1719 : vector<1x256xf32>
    %add3A_1796 = arith.addf %mul3A_1791, %mul3A_1795 : vector<1x256xf32>
    %mul3A_1797 = arith.mulf %rsqrt3A_1769, %sub3A_1716 : vector<1x256xf32>
    %mul3A_1798 = arith.mulf %mul3A_1770, %add3A_1713 : vector<1x256xf32>
    %sub3A_1799 = arith.subf %mul3A_1797, %mul3A_1798 : vector<1x256xf32>
    %mul3A_1800 = arith.mulf %mul3A_1770, %sub3A_1716 : vector<1x256xf32>
    %mul3A_1801 = arith.mulf %rsqrt3A_1769, %add3A_1713 : vector<1x256xf32>
    %add3A_1802 = arith.addf %mul3A_1800, %mul3A_1801 : vector<1x256xf32>
    %mul3A_1803 = arith.mulf %rsqrt3A_1769, %broadcast_in_dim3A_1654 : vector<1x256xf32>
    %mul3A_1804 = arith.mulf %mul3A_1770, %add3A_1725 : vector<1x256xf32>
    %sub3A_1805 = arith.subf %mul3A_1803, %mul3A_1804 : vector<1x256xf32>
    %mul3A_1806 = arith.mulf %mul3A_1770, %broadcast_in_dim3A_1654 : vector<1x256xf32>
    %mul3A_1807 = arith.mulf %rsqrt3A_1769, %add3A_1725 : vector<1x256xf32>
    %add3A_1808 = arith.addf %mul3A_1806, %mul3A_1807 : vector<1x256xf32>
    %mul3A_1809 = arith.mulf %rsqrt3A_1769, %broadcast_in_dim3A_1652 : vector<1x256xf32>
    %mul3A_1810 = arith.mulf %mul3A_1770, %add3A_1731 : vector<1x256xf32>
    %sub3A_1811 = arith.subf %mul3A_1809, %mul3A_1810 : vector<1x256xf32>
    %mul3A_1812 = arith.mulf %mul3A_1770, %broadcast_in_dim3A_1652 : vector<1x256xf32>
    %mul3A_1813 = arith.mulf %rsqrt3A_1769, %add3A_1731 : vector<1x256xf32>
    %add3A_1814 = arith.addf %mul3A_1812, %mul3A_1813 : vector<1x256xf32>
    %mul3A_1815 = arith.mulf %rsqrt3A_1769, %broadcast_in_dim3A_1654 : vector<1x256xf32>
    %mul3A_1816 = arith.mulf %mul3A_1770, %add3A_1737 : vector<1x256xf32>
    %sub3A_1817 = arith.subf %mul3A_1815, %mul3A_1816 : vector<1x256xf32>
    %mul3A_1818 = arith.mulf %mul3A_1770, %broadcast_in_dim3A_1654 : vector<1x256xf32>
    %mul3A_1819 = arith.mulf %rsqrt3A_1769, %add3A_1737 : vector<1x256xf32>
    %add3A_1820 = arith.addf %mul3A_1818, %mul3A_1819 : vector<1x256xf32>
    %ne3A_1821 = arith.constant 0.000000e+00 : f32
    %ne3A_1822 = vector.broadcast %ne3A_1821 : f32 to vector<1x256xf32>
    %ne3A_1823 = arith.cmpf one, %sub3A_1799, %ne3A_1822 : vector<1x256xf32>
    %sub3A_1824 = arith.subf %sub3A_1779, %sub3A_1696 : vector<1x256xf32>
    %mul3A_1825 = arith.constant 2.000000e+00 : f32
    %mul3A_1826 = vector.broadcast %mul3A_1825 : f32 to vector<1x256xf32>
    %mul3A_1827 = arith.mulf %mul3A_1826, %sub3A_1799 : vector<1x256xf32>
    %div3A_1828 = arith.divf %sub3A_1824, %mul3A_1827 : vector<1x256xf32>
    %ge3A_1829 = arith.constant 0.000000e+00 : f32
    %ge3A_1830 = vector.broadcast %ge3A_1829 : f32 to vector<1x256xf32>
    %ge3A_1831 = arith.cmpf oge, %div3A_1828, %ge3A_1830 : vector<1x256xf32>
    %jit3A_1832 = arith.constant 1.000000e+00 : f32
    %jit3A_1833 = arith.constant -1.000000e+00 : f32
    %broadcast_in_dim3A_1834 = vector.broadcast %jit3A_1832 : f32 to vector<1x256xf32>
    %broadcast_in_dim3A_1835 = vector.broadcast %jit3A_1833 : f32 to vector<1x256xf32>
    %select_n3A_1836 = arith.select %ge3A_1831, %broadcast_in_dim3A_1834, %broadcast_in_dim3A_1835 : vector<1x256xi1>, vector<1x256xf32>
    %abs3A_1837 = math.absf %div3A_1828 : vector<1x256xf32>
    %mul3A_1838 = arith.mulf %div3A_1828, %div3A_1828 : vector<1x256xf32>
    %add3A_1839 = arith.constant 1.000000e+00 : f32
    %add3A_1840 = vector.broadcast %add3A_1839 : f32 to vector<1x256xf32>
    %add3A_1841 = arith.addf %add3A_1840, %mul3A_1838 : vector<1x256xf32>
    %sqrt3A_1842 = math.sqrt %add3A_1841 : vector<1x256xf32>
    %add3A_1843 = arith.addf %abs3A_1837, %sqrt3A_1842 : vector<1x256xf32>
    %div3A_1844 = arith.divf %select_n3A_1836, %add3A_1843 : vector<1x256xf32>
    %jit3A_1845 = arith.constant 0.000000e+00 : f32
    %broadcast_in_dim3A_1846 = vector.broadcast %jit3A_1845 : f32 to vector<1x256xf32>
    %select_n3A_1847 = arith.select %ne3A_1823, %div3A_1844, %broadcast_in_dim3A_1846 : vector<1x256xi1>, vector<1x256xf32>
    %mul3A_1848 = arith.mulf %select_n3A_1847, %select_n3A_1847 : vector<1x256xf32>
    %add3A_1849 = arith.constant 1.000000e+00 : f32
    %add3A_1850 = vector.broadcast %add3A_1849 : f32 to vector<1x256xf32>
    %add3A_1851 = arith.addf %add3A_1850, %mul3A_1848 : vector<1x256xf32>
    %rsqrt3A_1852 = math.rsqrt %add3A_1851 : vector<1x256xf32>
    %mul3A_1853 = arith.mulf %select_n3A_1847, %rsqrt3A_1852 : vector<1x256xf32>
    %mul3A_1854 = arith.mulf %rsqrt3A_1852, %sub3A_1696 : vector<1x256xf32>
    %mul3A_1855 = arith.mulf %mul3A_1853, %sub3A_1799 : vector<1x256xf32>
    %sub3A_1856 = arith.subf %mul3A_1854, %mul3A_1855 : vector<1x256xf32>
    %mul3A_1857 = arith.mulf %rsqrt3A_1852, %sub3A_1856 : vector<1x256xf32>
    %mul3A_1858 = arith.mulf %rsqrt3A_1852, %sub3A_1799 : vector<1x256xf32>
    %mul3A_1859 = arith.mulf %mul3A_1853, %sub3A_1779 : vector<1x256xf32>
    %sub3A_1860 = arith.subf %mul3A_1858, %mul3A_1859 : vector<1x256xf32>
    %mul3A_1861 = arith.mulf %mul3A_1853, %sub3A_1860 : vector<1x256xf32>
    %sub3A_1862 = arith.subf %mul3A_1857, %mul3A_1861 : vector<1x256xf32>
    %mul3A_1863 = arith.mulf %mul3A_1853, %sub3A_1696 : vector<1x256xf32>
    %mul3A_1864 = arith.mulf %rsqrt3A_1852, %sub3A_1799 : vector<1x256xf32>
    %add3A_1865 = arith.addf %mul3A_1863, %mul3A_1864 : vector<1x256xf32>
    %mul3A_1866 = arith.mulf %mul3A_1853, %add3A_1865 : vector<1x256xf32>
    %mul3A_1867 = arith.mulf %mul3A_1853, %sub3A_1799 : vector<1x256xf32>
    %mul3A_1868 = arith.mulf %rsqrt3A_1852, %sub3A_1779 : vector<1x256xf32>
    %add3A_1869 = arith.addf %mul3A_1867, %mul3A_1868 : vector<1x256xf32>
    %mul3A_1870 = arith.mulf %rsqrt3A_1852, %add3A_1869 : vector<1x256xf32>
    %add3A_1871 = arith.addf %mul3A_1866, %mul3A_1870 : vector<1x256xf32>
    %mul3A_1872 = arith.mulf %rsqrt3A_1852, %mul3A_1853 : vector<1x256xf32>
    %sub3A_1873 = arith.subf %sub3A_1696, %sub3A_1779 : vector<1x256xf32>
    %mul3A_1874 = arith.mulf %mul3A_1872, %sub3A_1873 : vector<1x256xf32>
    %mul3A_1875 = arith.mulf %rsqrt3A_1852, %rsqrt3A_1852 : vector<1x256xf32>
    %mul3A_1876 = arith.mulf %mul3A_1853, %mul3A_1853 : vector<1x256xf32>
    %sub3A_1877 = arith.subf %mul3A_1875, %mul3A_1876 : vector<1x256xf32>
    %mul3A_1878 = arith.mulf %sub3A_1877, %sub3A_1799 : vector<1x256xf32>
    %add3A_1879 = arith.addf %mul3A_1874, %mul3A_1878 : vector<1x256xf32>
    %mul3A_1880 = arith.mulf %rsqrt3A_1852, %add3A_1802 : vector<1x256xf32>
    %mul3A_1881 = arith.mulf %mul3A_1853, %add3A_1796 : vector<1x256xf32>
    %sub3A_1882 = arith.subf %mul3A_1880, %mul3A_1881 : vector<1x256xf32>
    %mul3A_1883 = arith.mulf %mul3A_1853, %add3A_1802 : vector<1x256xf32>
    %mul3A_1884 = arith.mulf %rsqrt3A_1852, %add3A_1796 : vector<1x256xf32>
    %add3A_1885 = arith.addf %mul3A_1883, %mul3A_1884 : vector<1x256xf32>
    %mul3A_1886 = arith.mulf %rsqrt3A_1852, %sub3A_1722 : vector<1x256xf32>
    %mul3A_1887 = arith.mulf %mul3A_1853, %sub3A_1805 : vector<1x256xf32>
    %sub3A_1888 = arith.subf %mul3A_1886, %mul3A_1887 : vector<1x256xf32>
    %mul3A_1889 = arith.mulf %mul3A_1853, %sub3A_1722 : vector<1x256xf32>
    %mul3A_1890 = arith.mulf %rsqrt3A_1852, %sub3A_1805 : vector<1x256xf32>
    %add3A_1891 = arith.addf %mul3A_1889, %mul3A_1890 : vector<1x256xf32>
    %mul3A_1892 = arith.mulf %rsqrt3A_1852, %sub3A_1728 : vector<1x256xf32>
    %mul3A_1893 = arith.mulf %mul3A_1853, %sub3A_1811 : vector<1x256xf32>
    %sub3A_1894 = arith.subf %mul3A_1892, %mul3A_1893 : vector<1x256xf32>
    %mul3A_1895 = arith.mulf %mul3A_1853, %sub3A_1728 : vector<1x256xf32>
    %mul3A_1896 = arith.mulf %rsqrt3A_1852, %sub3A_1811 : vector<1x256xf32>
    %add3A_1897 = arith.addf %mul3A_1895, %mul3A_1896 : vector<1x256xf32>
    %mul3A_1898 = arith.mulf %rsqrt3A_1852, %sub3A_1734 : vector<1x256xf32>
    %mul3A_1899 = arith.mulf %mul3A_1853, %sub3A_1817 : vector<1x256xf32>
    %sub3A_1900 = arith.subf %mul3A_1898, %mul3A_1899 : vector<1x256xf32>
    %mul3A_1901 = arith.mulf %mul3A_1853, %sub3A_1734 : vector<1x256xf32>
    %mul3A_1902 = arith.mulf %rsqrt3A_1852, %sub3A_1817 : vector<1x256xf32>
    %add3A_1903 = arith.addf %mul3A_1901, %mul3A_1902 : vector<1x256xf32>
    %ne3A_1904 = arith.constant 0.000000e+00 : f32
    %ne3A_1905 = vector.broadcast %ne3A_1904 : f32 to vector<1x256xf32>
    %ne3A_1906 = arith.cmpf one, %sub3A_1882, %ne3A_1905 : vector<1x256xf32>
    %sub3A_1907 = arith.subf %add3A_1788, %sub3A_1862 : vector<1x256xf32>
    %mul3A_1908 = arith.constant 2.000000e+00 : f32
    %mul3A_1909 = vector.broadcast %mul3A_1908 : f32 to vector<1x256xf32>
    %mul3A_1910 = arith.mulf %mul3A_1909, %sub3A_1882 : vector<1x256xf32>
    %div3A_1911 = arith.divf %sub3A_1907, %mul3A_1910 : vector<1x256xf32>
    %ge3A_1912 = arith.constant 0.000000e+00 : f32
    %ge3A_1913 = vector.broadcast %ge3A_1912 : f32 to vector<1x256xf32>
    %ge3A_1914 = arith.cmpf oge, %div3A_1911, %ge3A_1913 : vector<1x256xf32>
    %jit3A_1915 = arith.constant 1.000000e+00 : f32
    %jit3A_1916 = arith.constant -1.000000e+00 : f32
    %broadcast_in_dim3A_1917 = vector.broadcast %jit3A_1915 : f32 to vector<1x256xf32>
    %broadcast_in_dim3A_1918 = vector.broadcast %jit3A_1916 : f32 to vector<1x256xf32>
    %select_n3A_1919 = arith.select %ge3A_1914, %broadcast_in_dim3A_1917, %broadcast_in_dim3A_1918 : vector<1x256xi1>, vector<1x256xf32>
    %abs3A_1920 = math.absf %div3A_1911 : vector<1x256xf32>
    %mul3A_1921 = arith.mulf %div3A_1911, %div3A_1911 : vector<1x256xf32>
    %add3A_1922 = arith.constant 1.000000e+00 : f32
    %add3A_1923 = vector.broadcast %add3A_1922 : f32 to vector<1x256xf32>
    %add3A_1924 = arith.addf %add3A_1923, %mul3A_1921 : vector<1x256xf32>
    %sqrt3A_1925 = math.sqrt %add3A_1924 : vector<1x256xf32>
    %add3A_1926 = arith.addf %abs3A_1920, %sqrt3A_1925 : vector<1x256xf32>
    %div3A_1927 = arith.divf %select_n3A_1919, %add3A_1926 : vector<1x256xf32>
    %jit3A_1928 = arith.constant 0.000000e+00 : f32
    %broadcast_in_dim3A_1929 = vector.broadcast %jit3A_1928 : f32 to vector<1x256xf32>
    %select_n3A_1930 = arith.select %ne3A_1906, %div3A_1927, %broadcast_in_dim3A_1929 : vector<1x256xi1>, vector<1x256xf32>
    %mul3A_1931 = arith.mulf %select_n3A_1930, %select_n3A_1930 : vector<1x256xf32>
    %add3A_1932 = arith.constant 1.000000e+00 : f32
    %add3A_1933 = vector.broadcast %add3A_1932 : f32 to vector<1x256xf32>
    %add3A_1934 = arith.addf %add3A_1933, %mul3A_1931 : vector<1x256xf32>
    %rsqrt3A_1935 = math.rsqrt %add3A_1934 : vector<1x256xf32>
    %mul3A_1936 = arith.mulf %select_n3A_1930, %rsqrt3A_1935 : vector<1x256xf32>
    %mul3A_1937 = arith.mulf %rsqrt3A_1935, %sub3A_1862 : vector<1x256xf32>
    %mul3A_1938 = arith.mulf %mul3A_1936, %sub3A_1882 : vector<1x256xf32>
    %sub3A_1939 = arith.subf %mul3A_1937, %mul3A_1938 : vector<1x256xf32>
    %mul3A_1940 = arith.mulf %rsqrt3A_1935, %sub3A_1939 : vector<1x256xf32>
    %mul3A_1941 = arith.mulf %rsqrt3A_1935, %sub3A_1882 : vector<1x256xf32>
    %mul3A_1942 = arith.mulf %mul3A_1936, %add3A_1788 : vector<1x256xf32>
    %sub3A_1943 = arith.subf %mul3A_1941, %mul3A_1942 : vector<1x256xf32>
    %mul3A_1944 = arith.mulf %mul3A_1936, %sub3A_1943 : vector<1x256xf32>
    %sub3A_1945 = arith.subf %mul3A_1940, %mul3A_1944 : vector<1x256xf32>
    %mul3A_1946 = arith.mulf %mul3A_1936, %sub3A_1862 : vector<1x256xf32>
    %mul3A_1947 = arith.mulf %rsqrt3A_1935, %sub3A_1882 : vector<1x256xf32>
    %add3A_1948 = arith.addf %mul3A_1946, %mul3A_1947 : vector<1x256xf32>
    %mul3A_1949 = arith.mulf %mul3A_1936, %add3A_1948 : vector<1x256xf32>
    %mul3A_1950 = arith.mulf %mul3A_1936, %sub3A_1882 : vector<1x256xf32>
    %mul3A_1951 = arith.mulf %rsqrt3A_1935, %add3A_1788 : vector<1x256xf32>
    %add3A_1952 = arith.addf %mul3A_1950, %mul3A_1951 : vector<1x256xf32>
    %mul3A_1953 = arith.mulf %rsqrt3A_1935, %add3A_1952 : vector<1x256xf32>
    %add3A_1954 = arith.addf %mul3A_1949, %mul3A_1953 : vector<1x256xf32>
    %mul3A_1955 = arith.mulf %rsqrt3A_1935, %mul3A_1936 : vector<1x256xf32>
    %sub3A_1956 = arith.subf %sub3A_1862, %add3A_1788 : vector<1x256xf32>
    %mul3A_1957 = arith.mulf %mul3A_1955, %sub3A_1956 : vector<1x256xf32>
    %mul3A_1958 = arith.mulf %rsqrt3A_1935, %rsqrt3A_1935 : vector<1x256xf32>
    %mul3A_1959 = arith.mulf %mul3A_1936, %mul3A_1936 : vector<1x256xf32>
    %sub3A_1960 = arith.subf %mul3A_1958, %mul3A_1959 : vector<1x256xf32>
    %mul3A_1961 = arith.mulf %sub3A_1960, %sub3A_1882 : vector<1x256xf32>
    %add3A_1962 = arith.addf %mul3A_1957, %mul3A_1961 : vector<1x256xf32>
    %mul3A_1963 = arith.mulf %rsqrt3A_1935, %add3A_1879 : vector<1x256xf32>
    %mul3A_1964 = arith.mulf %mul3A_1936, %add3A_1885 : vector<1x256xf32>
    %sub3A_1965 = arith.subf %mul3A_1963, %mul3A_1964 : vector<1x256xf32>
    %mul3A_1966 = arith.mulf %mul3A_1936, %add3A_1879 : vector<1x256xf32>
    %mul3A_1967 = arith.mulf %rsqrt3A_1935, %add3A_1885 : vector<1x256xf32>
    %add3A_1968 = arith.addf %mul3A_1966, %mul3A_1967 : vector<1x256xf32>
    %mul3A_1969 = arith.mulf %rsqrt3A_1935, %sub3A_1888 : vector<1x256xf32>
    %mul3A_1970 = arith.mulf %mul3A_1936, %add3A_1808 : vector<1x256xf32>
    %sub3A_1971 = arith.subf %mul3A_1969, %mul3A_1970 : vector<1x256xf32>
    %mul3A_1972 = arith.mulf %mul3A_1936, %sub3A_1888 : vector<1x256xf32>
    %mul3A_1973 = arith.mulf %rsqrt3A_1935, %add3A_1808 : vector<1x256xf32>
    %add3A_1974 = arith.addf %mul3A_1972, %mul3A_1973 : vector<1x256xf32>
    %mul3A_1975 = arith.mulf %rsqrt3A_1935, %sub3A_1894 : vector<1x256xf32>
    %mul3A_1976 = arith.mulf %mul3A_1936, %add3A_1814 : vector<1x256xf32>
    %sub3A_1977 = arith.subf %mul3A_1975, %mul3A_1976 : vector<1x256xf32>
    %mul3A_1978 = arith.mulf %mul3A_1936, %sub3A_1894 : vector<1x256xf32>
    %mul3A_1979 = arith.mulf %rsqrt3A_1935, %add3A_1814 : vector<1x256xf32>
    %add3A_1980 = arith.addf %mul3A_1978, %mul3A_1979 : vector<1x256xf32>
    %mul3A_1981 = arith.mulf %rsqrt3A_1935, %sub3A_1900 : vector<1x256xf32>
    %mul3A_1982 = arith.mulf %mul3A_1936, %add3A_1820 : vector<1x256xf32>
    %sub3A_1983 = arith.subf %mul3A_1981, %mul3A_1982 : vector<1x256xf32>
    %mul3A_1984 = arith.mulf %mul3A_1936, %sub3A_1900 : vector<1x256xf32>
    %mul3A_1985 = arith.mulf %rsqrt3A_1935, %add3A_1820 : vector<1x256xf32>
    %add3A_1986 = arith.addf %mul3A_1984, %mul3A_1985 : vector<1x256xf32>
    %ne3A_1987 = arith.constant 0.000000e+00 : f32
    %ne3A_1988 = vector.broadcast %ne3A_1987 : f32 to vector<1x256xf32>
    %ne3A_1989 = arith.cmpf one, %add3A_1968, %ne3A_1988 : vector<1x256xf32>
    %sub3A_1990 = arith.subf %add3A_1954, %add3A_1871 : vector<1x256xf32>
    %mul3A_1991 = arith.constant 2.000000e+00 : f32
    %mul3A_1992 = vector.broadcast %mul3A_1991 : f32 to vector<1x256xf32>
    %mul3A_1993 = arith.mulf %mul3A_1992, %add3A_1968 : vector<1x256xf32>
    %div3A_1994 = arith.divf %sub3A_1990, %mul3A_1993 : vector<1x256xf32>
    %ge3A_1995 = arith.constant 0.000000e+00 : f32
    %ge3A_1996 = vector.broadcast %ge3A_1995 : f32 to vector<1x256xf32>
    %ge3A_1997 = arith.cmpf oge, %div3A_1994, %ge3A_1996 : vector<1x256xf32>
    %jit3A_1998 = arith.constant 1.000000e+00 : f32
    %jit3A_1999 = arith.constant -1.000000e+00 : f32
    %broadcast_in_dim3A_2000 = vector.broadcast %jit3A_1998 : f32 to vector<1x256xf32>
    %broadcast_in_dim3A_2001 = vector.broadcast %jit3A_1999 : f32 to vector<1x256xf32>
    %select_n3A_2002 = arith.select %ge3A_1997, %broadcast_in_dim3A_2000, %broadcast_in_dim3A_2001 : vector<1x256xi1>, vector<1x256xf32>
    %abs3A_2003 = math.absf %div3A_1994 : vector<1x256xf32>
    %mul3A_2004 = arith.mulf %div3A_1994, %div3A_1994 : vector<1x256xf32>
    %add3A_2005 = arith.constant 1.000000e+00 : f32
    %add3A_2006 = vector.broadcast %add3A_2005 : f32 to vector<1x256xf32>
    %add3A_2007 = arith.addf %add3A_2006, %mul3A_2004 : vector<1x256xf32>
    %sqrt3A_2008 = math.sqrt %add3A_2007 : vector<1x256xf32>
    %add3A_2009 = arith.addf %abs3A_2003, %sqrt3A_2008 : vector<1x256xf32>
    %div3A_2010 = arith.divf %select_n3A_2002, %add3A_2009 : vector<1x256xf32>
    %jit3A_2011 = arith.constant 0.000000e+00 : f32
    %broadcast_in_dim3A_2012 = vector.broadcast %jit3A_2011 : f32 to vector<1x256xf32>
    %select_n3A_2013 = arith.select %ne3A_1989, %div3A_2010, %broadcast_in_dim3A_2012 : vector<1x256xi1>, vector<1x256xf32>
    %mul3A_2014 = arith.mulf %select_n3A_2013, %select_n3A_2013 : vector<1x256xf32>
    %add3A_2015 = arith.constant 1.000000e+00 : f32
    %add3A_2016 = vector.broadcast %add3A_2015 : f32 to vector<1x256xf32>
    %add3A_2017 = arith.addf %add3A_2016, %mul3A_2014 : vector<1x256xf32>
    %rsqrt3A_2018 = math.rsqrt %add3A_2017 : vector<1x256xf32>
    %mul3A_2019 = arith.mulf %select_n3A_2013, %rsqrt3A_2018 : vector<1x256xf32>
    %mul3A_2020 = arith.mulf %rsqrt3A_2018, %add3A_1871 : vector<1x256xf32>
    %mul3A_2021 = arith.mulf %mul3A_2019, %add3A_1968 : vector<1x256xf32>
    %sub3A_2022 = arith.subf %mul3A_2020, %mul3A_2021 : vector<1x256xf32>
    %mul3A_2023 = arith.mulf %rsqrt3A_2018, %sub3A_2022 : vector<1x256xf32>
    %mul3A_2024 = arith.mulf %rsqrt3A_2018, %add3A_1968 : vector<1x256xf32>
    %mul3A_2025 = arith.mulf %mul3A_2019, %add3A_1954 : vector<1x256xf32>
    %sub3A_2026 = arith.subf %mul3A_2024, %mul3A_2025 : vector<1x256xf32>
    %mul3A_2027 = arith.mulf %mul3A_2019, %sub3A_2026 : vector<1x256xf32>
    %sub3A_2028 = arith.subf %mul3A_2023, %mul3A_2027 : vector<1x256xf32>
    %mul3A_2029 = arith.mulf %mul3A_2019, %add3A_1871 : vector<1x256xf32>
    %mul3A_2030 = arith.mulf %rsqrt3A_2018, %add3A_1968 : vector<1x256xf32>
    %add3A_2031 = arith.addf %mul3A_2029, %mul3A_2030 : vector<1x256xf32>
    %mul3A_2032 = arith.mulf %mul3A_2019, %add3A_2031 : vector<1x256xf32>
    %mul3A_2033 = arith.mulf %mul3A_2019, %add3A_1968 : vector<1x256xf32>
    %mul3A_2034 = arith.mulf %rsqrt3A_2018, %add3A_1954 : vector<1x256xf32>
    %add3A_2035 = arith.addf %mul3A_2033, %mul3A_2034 : vector<1x256xf32>
    %mul3A_2036 = arith.mulf %rsqrt3A_2018, %add3A_2035 : vector<1x256xf32>
    %add3A_2037 = arith.addf %mul3A_2032, %mul3A_2036 : vector<1x256xf32>
    %mul3A_2038 = arith.mulf %rsqrt3A_2018, %mul3A_2019 : vector<1x256xf32>
    %sub3A_2039 = arith.subf %add3A_1871, %add3A_1954 : vector<1x256xf32>
    %mul3A_2040 = arith.mulf %mul3A_2038, %sub3A_2039 : vector<1x256xf32>
    %mul3A_2041 = arith.mulf %rsqrt3A_2018, %rsqrt3A_2018 : vector<1x256xf32>
    %mul3A_2042 = arith.mulf %mul3A_2019, %mul3A_2019 : vector<1x256xf32>
    %sub3A_2043 = arith.subf %mul3A_2041, %mul3A_2042 : vector<1x256xf32>
    %mul3A_2044 = arith.mulf %sub3A_2043, %add3A_1968 : vector<1x256xf32>
    %add3A_2045 = arith.addf %mul3A_2040, %mul3A_2044 : vector<1x256xf32>
    %mul3A_2046 = arith.mulf %rsqrt3A_2018, %sub3A_1965 : vector<1x256xf32>
    %mul3A_2047 = arith.mulf %mul3A_2019, %add3A_1962 : vector<1x256xf32>
    %sub3A_2048 = arith.subf %mul3A_2046, %mul3A_2047 : vector<1x256xf32>
    %mul3A_2049 = arith.mulf %mul3A_2019, %sub3A_1965 : vector<1x256xf32>
    %mul3A_2050 = arith.mulf %rsqrt3A_2018, %add3A_1962 : vector<1x256xf32>
    %add3A_2051 = arith.addf %mul3A_2049, %mul3A_2050 : vector<1x256xf32>
    %mul3A_2052 = arith.mulf %rsqrt3A_2018, %add3A_1891 : vector<1x256xf32>
    %mul3A_2053 = arith.mulf %mul3A_2019, %add3A_1974 : vector<1x256xf32>
    %sub3A_2054 = arith.subf %mul3A_2052, %mul3A_2053 : vector<1x256xf32>
    %mul3A_2055 = arith.mulf %mul3A_2019, %add3A_1891 : vector<1x256xf32>
    %mul3A_2056 = arith.mulf %rsqrt3A_2018, %add3A_1974 : vector<1x256xf32>
    %add3A_2057 = arith.addf %mul3A_2055, %mul3A_2056 : vector<1x256xf32>
    %mul3A_2058 = arith.mulf %rsqrt3A_2018, %add3A_1897 : vector<1x256xf32>
    %mul3A_2059 = arith.mulf %mul3A_2019, %add3A_1980 : vector<1x256xf32>
    %sub3A_2060 = arith.subf %mul3A_2058, %mul3A_2059 : vector<1x256xf32>
    %mul3A_2061 = arith.mulf %mul3A_2019, %add3A_1897 : vector<1x256xf32>
    %mul3A_2062 = arith.mulf %rsqrt3A_2018, %add3A_1980 : vector<1x256xf32>
    %add3A_2063 = arith.addf %mul3A_2061, %mul3A_2062 : vector<1x256xf32>
    %mul3A_2064 = arith.mulf %rsqrt3A_2018, %add3A_1903 : vector<1x256xf32>
    %mul3A_2065 = arith.mulf %mul3A_2019, %add3A_1986 : vector<1x256xf32>
    %sub3A_2066 = arith.subf %mul3A_2064, %mul3A_2065 : vector<1x256xf32>
    %mul3A_2067 = arith.mulf %mul3A_2019, %add3A_1903 : vector<1x256xf32>
    %mul3A_2068 = arith.mulf %rsqrt3A_2018, %add3A_1986 : vector<1x256xf32>
    %add3A_2069 = arith.addf %mul3A_2067, %mul3A_2068 : vector<1x256xf32>
    %ne3A_2070 = arith.constant 0.000000e+00 : f32
    %ne3A_2071 = vector.broadcast %ne3A_2070 : f32 to vector<1x256xf32>
    %ne3A_2072 = arith.cmpf one, %sub3A_2048, %ne3A_2071 : vector<1x256xf32>
    %sub3A_2073 = arith.subf %sub3A_2028, %sub3A_1945 : vector<1x256xf32>
    %mul3A_2074 = arith.constant 2.000000e+00 : f32
    %mul3A_2075 = vector.broadcast %mul3A_2074 : f32 to vector<1x256xf32>
    %mul3A_2076 = arith.mulf %mul3A_2075, %sub3A_2048 : vector<1x256xf32>
    %div3A_2077 = arith.divf %sub3A_2073, %mul3A_2076 : vector<1x256xf32>
    %ge3A_2078 = arith.constant 0.000000e+00 : f32
    %ge3A_2079 = vector.broadcast %ge3A_2078 : f32 to vector<1x256xf32>
    %ge3A_2080 = arith.cmpf oge, %div3A_2077, %ge3A_2079 : vector<1x256xf32>
    %jit3A_2081 = arith.constant 1.000000e+00 : f32
    %jit3A_2082 = arith.constant -1.000000e+00 : f32
    %broadcast_in_dim3A_2083 = vector.broadcast %jit3A_2081 : f32 to vector<1x256xf32>
    %broadcast_in_dim3A_2084 = vector.broadcast %jit3A_2082 : f32 to vector<1x256xf32>
    %select_n3A_2085 = arith.select %ge3A_2080, %broadcast_in_dim3A_2083, %broadcast_in_dim3A_2084 : vector<1x256xi1>, vector<1x256xf32>
    %abs3A_2086 = math.absf %div3A_2077 : vector<1x256xf32>
    %mul3A_2087 = arith.mulf %div3A_2077, %div3A_2077 : vector<1x256xf32>
    %add3A_2088 = arith.constant 1.000000e+00 : f32
    %add3A_2089 = vector.broadcast %add3A_2088 : f32 to vector<1x256xf32>
    %add3A_2090 = arith.addf %add3A_2089, %mul3A_2087 : vector<1x256xf32>
    %sqrt3A_2091 = math.sqrt %add3A_2090 : vector<1x256xf32>
    %add3A_2092 = arith.addf %abs3A_2086, %sqrt3A_2091 : vector<1x256xf32>
    %div3A_2093 = arith.divf %select_n3A_2085, %add3A_2092 : vector<1x256xf32>
    %jit3A_2094 = arith.constant 0.000000e+00 : f32
    %broadcast_in_dim3A_2095 = vector.broadcast %jit3A_2094 : f32 to vector<1x256xf32>
    %select_n3A_2096 = arith.select %ne3A_2072, %div3A_2093, %broadcast_in_dim3A_2095 : vector<1x256xi1>, vector<1x256xf32>
    %mul3A_2097 = arith.mulf %select_n3A_2096, %select_n3A_2096 : vector<1x256xf32>
    %add3A_2098 = arith.constant 1.000000e+00 : f32
    %add3A_2099 = vector.broadcast %add3A_2098 : f32 to vector<1x256xf32>
    %add3A_2100 = arith.addf %add3A_2099, %mul3A_2097 : vector<1x256xf32>
    %rsqrt3A_2101 = math.rsqrt %add3A_2100 : vector<1x256xf32>
    %mul3A_2102 = arith.mulf %select_n3A_2096, %rsqrt3A_2101 : vector<1x256xf32>
    %mul3A_2103 = arith.mulf %rsqrt3A_2101, %sub3A_1945 : vector<1x256xf32>
    %mul3A_2104 = arith.mulf %mul3A_2102, %sub3A_2048 : vector<1x256xf32>
    %sub3A_2105 = arith.subf %mul3A_2103, %mul3A_2104 : vector<1x256xf32>
    %mul3A_2106 = arith.mulf %rsqrt3A_2101, %sub3A_2105 : vector<1x256xf32>
    %mul3A_2107 = arith.mulf %rsqrt3A_2101, %sub3A_2048 : vector<1x256xf32>
    %mul3A_2108 = arith.mulf %mul3A_2102, %sub3A_2028 : vector<1x256xf32>
    %sub3A_2109 = arith.subf %mul3A_2107, %mul3A_2108 : vector<1x256xf32>
    %mul3A_2110 = arith.mulf %mul3A_2102, %sub3A_2109 : vector<1x256xf32>
    %sub3A_2111 = arith.subf %mul3A_2106, %mul3A_2110 : vector<1x256xf32>
    %mul3A_2112 = arith.mulf %mul3A_2102, %sub3A_1945 : vector<1x256xf32>
    %mul3A_2113 = arith.mulf %rsqrt3A_2101, %sub3A_2048 : vector<1x256xf32>
    %add3A_2114 = arith.addf %mul3A_2112, %mul3A_2113 : vector<1x256xf32>
    %mul3A_2115 = arith.mulf %mul3A_2102, %add3A_2114 : vector<1x256xf32>
    %mul3A_2116 = arith.mulf %mul3A_2102, %sub3A_2048 : vector<1x256xf32>
    %mul3A_2117 = arith.mulf %rsqrt3A_2101, %sub3A_2028 : vector<1x256xf32>
    %add3A_2118 = arith.addf %mul3A_2116, %mul3A_2117 : vector<1x256xf32>
    %mul3A_2119 = arith.mulf %rsqrt3A_2101, %add3A_2118 : vector<1x256xf32>
    %add3A_2120 = arith.addf %mul3A_2115, %mul3A_2119 : vector<1x256xf32>
    %mul3A_2121 = arith.mulf %rsqrt3A_2101, %mul3A_2102 : vector<1x256xf32>
    %sub3A_2122 = arith.subf %sub3A_1945, %sub3A_2028 : vector<1x256xf32>
    %mul3A_2123 = arith.mulf %mul3A_2121, %sub3A_2122 : vector<1x256xf32>
    %mul3A_2124 = arith.mulf %rsqrt3A_2101, %rsqrt3A_2101 : vector<1x256xf32>
    %mul3A_2125 = arith.mulf %mul3A_2102, %mul3A_2102 : vector<1x256xf32>
    %sub3A_2126 = arith.subf %mul3A_2124, %mul3A_2125 : vector<1x256xf32>
    %mul3A_2127 = arith.mulf %sub3A_2126, %sub3A_2048 : vector<1x256xf32>
    %add3A_2128 = arith.addf %mul3A_2123, %mul3A_2127 : vector<1x256xf32>
    %mul3A_2129 = arith.mulf %rsqrt3A_2101, %add3A_2051 : vector<1x256xf32>
    %mul3A_2130 = arith.mulf %mul3A_2102, %add3A_2045 : vector<1x256xf32>
    %sub3A_2131 = arith.subf %mul3A_2129, %mul3A_2130 : vector<1x256xf32>
    %mul3A_2132 = arith.mulf %mul3A_2102, %add3A_2051 : vector<1x256xf32>
    %mul3A_2133 = arith.mulf %rsqrt3A_2101, %add3A_2045 : vector<1x256xf32>
    %add3A_2134 = arith.addf %mul3A_2132, %mul3A_2133 : vector<1x256xf32>
    %mul3A_2135 = arith.mulf %rsqrt3A_2101, %sub3A_1971 : vector<1x256xf32>
    %mul3A_2136 = arith.mulf %mul3A_2102, %sub3A_2054 : vector<1x256xf32>
    %sub3A_2137 = arith.subf %mul3A_2135, %mul3A_2136 : vector<1x256xf32>
    %mul3A_2138 = arith.mulf %mul3A_2102, %sub3A_1971 : vector<1x256xf32>
    %mul3A_2139 = arith.mulf %rsqrt3A_2101, %sub3A_2054 : vector<1x256xf32>
    %add3A_2140 = arith.addf %mul3A_2138, %mul3A_2139 : vector<1x256xf32>
    %mul3A_2141 = arith.mulf %rsqrt3A_2101, %sub3A_1977 : vector<1x256xf32>
    %mul3A_2142 = arith.mulf %mul3A_2102, %sub3A_2060 : vector<1x256xf32>
    %sub3A_2143 = arith.subf %mul3A_2141, %mul3A_2142 : vector<1x256xf32>
    %mul3A_2144 = arith.mulf %mul3A_2102, %sub3A_1977 : vector<1x256xf32>
    %mul3A_2145 = arith.mulf %rsqrt3A_2101, %sub3A_2060 : vector<1x256xf32>
    %add3A_2146 = arith.addf %mul3A_2144, %mul3A_2145 : vector<1x256xf32>
    %mul3A_2147 = arith.mulf %rsqrt3A_2101, %sub3A_1983 : vector<1x256xf32>
    %mul3A_2148 = arith.mulf %mul3A_2102, %sub3A_2066 : vector<1x256xf32>
    %sub3A_2149 = arith.subf %mul3A_2147, %mul3A_2148 : vector<1x256xf32>
    %mul3A_2150 = arith.mulf %mul3A_2102, %sub3A_1983 : vector<1x256xf32>
    %mul3A_2151 = arith.mulf %rsqrt3A_2101, %sub3A_2066 : vector<1x256xf32>
    %add3A_2152 = arith.addf %mul3A_2150, %mul3A_2151 : vector<1x256xf32>
    %ne3A_2153 = arith.constant 0.000000e+00 : f32
    %ne3A_2154 = vector.broadcast %ne3A_2153 : f32 to vector<1x256xf32>
    %ne3A_2155 = arith.cmpf one, %sub3A_2131, %ne3A_2154 : vector<1x256xf32>
    %sub3A_2156 = arith.subf %add3A_2037, %sub3A_2111 : vector<1x256xf32>
    %mul3A_2157 = arith.constant 2.000000e+00 : f32
    %mul3A_2158 = vector.broadcast %mul3A_2157 : f32 to vector<1x256xf32>
    %mul3A_2159 = arith.mulf %mul3A_2158, %sub3A_2131 : vector<1x256xf32>
    %div3A_2160 = arith.divf %sub3A_2156, %mul3A_2159 : vector<1x256xf32>
    %ge3A_2161 = arith.constant 0.000000e+00 : f32
    %ge3A_2162 = vector.broadcast %ge3A_2161 : f32 to vector<1x256xf32>
    %ge3A_2163 = arith.cmpf oge, %div3A_2160, %ge3A_2162 : vector<1x256xf32>
    %jit3A_2164 = arith.constant 1.000000e+00 : f32
    %jit3A_2165 = arith.constant -1.000000e+00 : f32
    %broadcast_in_dim3A_2166 = vector.broadcast %jit3A_2164 : f32 to vector<1x256xf32>
    %broadcast_in_dim3A_2167 = vector.broadcast %jit3A_2165 : f32 to vector<1x256xf32>
    %select_n3A_2168 = arith.select %ge3A_2163, %broadcast_in_dim3A_2166, %broadcast_in_dim3A_2167 : vector<1x256xi1>, vector<1x256xf32>
    %abs3A_2169 = math.absf %div3A_2160 : vector<1x256xf32>
    %mul3A_2170 = arith.mulf %div3A_2160, %div3A_2160 : vector<1x256xf32>
    %add3A_2171 = arith.constant 1.000000e+00 : f32
    %add3A_2172 = vector.broadcast %add3A_2171 : f32 to vector<1x256xf32>
    %add3A_2173 = arith.addf %add3A_2172, %mul3A_2170 : vector<1x256xf32>
    %sqrt3A_2174 = math.sqrt %add3A_2173 : vector<1x256xf32>
    %add3A_2175 = arith.addf %abs3A_2169, %sqrt3A_2174 : vector<1x256xf32>
    %div3A_2176 = arith.divf %select_n3A_2168, %add3A_2175 : vector<1x256xf32>
    %jit3A_2177 = arith.constant 0.000000e+00 : f32
    %broadcast_in_dim3A_2178 = vector.broadcast %jit3A_2177 : f32 to vector<1x256xf32>
    %select_n3A_2179 = arith.select %ne3A_2155, %div3A_2176, %broadcast_in_dim3A_2178 : vector<1x256xi1>, vector<1x256xf32>
    %mul3A_2180 = arith.mulf %select_n3A_2179, %select_n3A_2179 : vector<1x256xf32>
    %add3A_2181 = arith.constant 1.000000e+00 : f32
    %add3A_2182 = vector.broadcast %add3A_2181 : f32 to vector<1x256xf32>
    %add3A_2183 = arith.addf %add3A_2182, %mul3A_2180 : vector<1x256xf32>
    %rsqrt3A_2184 = math.rsqrt %add3A_2183 : vector<1x256xf32>
    %mul3A_2185 = arith.mulf %select_n3A_2179, %rsqrt3A_2184 : vector<1x256xf32>
    %mul3A_2186 = arith.mulf %rsqrt3A_2184, %sub3A_2111 : vector<1x256xf32>
    %mul3A_2187 = arith.mulf %mul3A_2185, %sub3A_2131 : vector<1x256xf32>
    %sub3A_2188 = arith.subf %mul3A_2186, %mul3A_2187 : vector<1x256xf32>
    %mul3A_2189 = arith.mulf %rsqrt3A_2184, %sub3A_2188 : vector<1x256xf32>
    %mul3A_2190 = arith.mulf %rsqrt3A_2184, %sub3A_2131 : vector<1x256xf32>
    %mul3A_2191 = arith.mulf %mul3A_2185, %add3A_2037 : vector<1x256xf32>
    %sub3A_2192 = arith.subf %mul3A_2190, %mul3A_2191 : vector<1x256xf32>
    %mul3A_2193 = arith.mulf %mul3A_2185, %sub3A_2192 : vector<1x256xf32>
    %sub3A_2194 = arith.subf %mul3A_2189, %mul3A_2193 : vector<1x256xf32>
    %mul3A_2195 = arith.mulf %mul3A_2185, %sub3A_2111 : vector<1x256xf32>
    %mul3A_2196 = arith.mulf %rsqrt3A_2184, %sub3A_2131 : vector<1x256xf32>
    %add3A_2197 = arith.addf %mul3A_2195, %mul3A_2196 : vector<1x256xf32>
    %mul3A_2198 = arith.mulf %mul3A_2185, %add3A_2197 : vector<1x256xf32>
    %mul3A_2199 = arith.mulf %mul3A_2185, %sub3A_2131 : vector<1x256xf32>
    %mul3A_2200 = arith.mulf %rsqrt3A_2184, %add3A_2037 : vector<1x256xf32>
    %add3A_2201 = arith.addf %mul3A_2199, %mul3A_2200 : vector<1x256xf32>
    %mul3A_2202 = arith.mulf %rsqrt3A_2184, %add3A_2201 : vector<1x256xf32>
    %add3A_2203 = arith.addf %mul3A_2198, %mul3A_2202 : vector<1x256xf32>
    %mul3A_2204 = arith.mulf %rsqrt3A_2184, %mul3A_2185 : vector<1x256xf32>
    %sub3A_2205 = arith.subf %sub3A_2111, %add3A_2037 : vector<1x256xf32>
    %mul3A_2206 = arith.mulf %mul3A_2204, %sub3A_2205 : vector<1x256xf32>
    %mul3A_2207 = arith.mulf %rsqrt3A_2184, %rsqrt3A_2184 : vector<1x256xf32>
    %mul3A_2208 = arith.mulf %mul3A_2185, %mul3A_2185 : vector<1x256xf32>
    %sub3A_2209 = arith.subf %mul3A_2207, %mul3A_2208 : vector<1x256xf32>
    %mul3A_2210 = arith.mulf %sub3A_2209, %sub3A_2131 : vector<1x256xf32>
    %add3A_2211 = arith.addf %mul3A_2206, %mul3A_2210 : vector<1x256xf32>
    %mul3A_2212 = arith.mulf %rsqrt3A_2184, %add3A_2128 : vector<1x256xf32>
    %mul3A_2213 = arith.mulf %mul3A_2185, %add3A_2134 : vector<1x256xf32>
    %sub3A_2214 = arith.subf %mul3A_2212, %mul3A_2213 : vector<1x256xf32>
    %mul3A_2215 = arith.mulf %mul3A_2185, %add3A_2128 : vector<1x256xf32>
    %mul3A_2216 = arith.mulf %rsqrt3A_2184, %add3A_2134 : vector<1x256xf32>
    %add3A_2217 = arith.addf %mul3A_2215, %mul3A_2216 : vector<1x256xf32>
    %mul3A_2218 = arith.mulf %rsqrt3A_2184, %sub3A_2137 : vector<1x256xf32>
    %mul3A_2219 = arith.mulf %mul3A_2185, %add3A_2057 : vector<1x256xf32>
    %sub3A_2220 = arith.subf %mul3A_2218, %mul3A_2219 : vector<1x256xf32>
    %mul3A_2221 = arith.mulf %mul3A_2185, %sub3A_2137 : vector<1x256xf32>
    %mul3A_2222 = arith.mulf %rsqrt3A_2184, %add3A_2057 : vector<1x256xf32>
    %add3A_2223 = arith.addf %mul3A_2221, %mul3A_2222 : vector<1x256xf32>
    %mul3A_2224 = arith.mulf %rsqrt3A_2184, %sub3A_2143 : vector<1x256xf32>
    %mul3A_2225 = arith.mulf %mul3A_2185, %add3A_2063 : vector<1x256xf32>
    %sub3A_2226 = arith.subf %mul3A_2224, %mul3A_2225 : vector<1x256xf32>
    %mul3A_2227 = arith.mulf %mul3A_2185, %sub3A_2143 : vector<1x256xf32>
    %mul3A_2228 = arith.mulf %rsqrt3A_2184, %add3A_2063 : vector<1x256xf32>
    %add3A_2229 = arith.addf %mul3A_2227, %mul3A_2228 : vector<1x256xf32>
    %mul3A_2230 = arith.mulf %rsqrt3A_2184, %sub3A_2149 : vector<1x256xf32>
    %mul3A_2231 = arith.mulf %mul3A_2185, %add3A_2069 : vector<1x256xf32>
    %sub3A_2232 = arith.subf %mul3A_2230, %mul3A_2231 : vector<1x256xf32>
    %mul3A_2233 = arith.mulf %mul3A_2185, %sub3A_2149 : vector<1x256xf32>
    %mul3A_2234 = arith.mulf %rsqrt3A_2184, %add3A_2069 : vector<1x256xf32>
    %add3A_2235 = arith.addf %mul3A_2233, %mul3A_2234 : vector<1x256xf32>
    %ne3A_2236 = arith.constant 0.000000e+00 : f32
    %ne3A_2237 = vector.broadcast %ne3A_2236 : f32 to vector<1x256xf32>
    %ne3A_2238 = arith.cmpf one, %add3A_2217, %ne3A_2237 : vector<1x256xf32>
    %sub3A_2239 = arith.subf %add3A_2203, %add3A_2120 : vector<1x256xf32>
    %mul3A_2240 = arith.constant 2.000000e+00 : f32
    %mul3A_2241 = vector.broadcast %mul3A_2240 : f32 to vector<1x256xf32>
    %mul3A_2242 = arith.mulf %mul3A_2241, %add3A_2217 : vector<1x256xf32>
    %div3A_2243 = arith.divf %sub3A_2239, %mul3A_2242 : vector<1x256xf32>
    %ge3A_2244 = arith.constant 0.000000e+00 : f32
    %ge3A_2245 = vector.broadcast %ge3A_2244 : f32 to vector<1x256xf32>
    %ge3A_2246 = arith.cmpf oge, %div3A_2243, %ge3A_2245 : vector<1x256xf32>
    %jit3A_2247 = arith.constant 1.000000e+00 : f32
    %jit3A_2248 = arith.constant -1.000000e+00 : f32
    %broadcast_in_dim3A_2249 = vector.broadcast %jit3A_2247 : f32 to vector<1x256xf32>
    %broadcast_in_dim3A_2250 = vector.broadcast %jit3A_2248 : f32 to vector<1x256xf32>
    %select_n3A_2251 = arith.select %ge3A_2246, %broadcast_in_dim3A_2249, %broadcast_in_dim3A_2250 : vector<1x256xi1>, vector<1x256xf32>
    %abs3A_2252 = math.absf %div3A_2243 : vector<1x256xf32>
    %mul3A_2253 = arith.mulf %div3A_2243, %div3A_2243 : vector<1x256xf32>
    %add3A_2254 = arith.constant 1.000000e+00 : f32
    %add3A_2255 = vector.broadcast %add3A_2254 : f32 to vector<1x256xf32>
    %add3A_2256 = arith.addf %add3A_2255, %mul3A_2253 : vector<1x256xf32>
    %sqrt3A_2257 = math.sqrt %add3A_2256 : vector<1x256xf32>
    %add3A_2258 = arith.addf %abs3A_2252, %sqrt3A_2257 : vector<1x256xf32>
    %div3A_2259 = arith.divf %select_n3A_2251, %add3A_2258 : vector<1x256xf32>
    %jit3A_2260 = arith.constant 0.000000e+00 : f32
    %broadcast_in_dim3A_2261 = vector.broadcast %jit3A_2260 : f32 to vector<1x256xf32>
    %select_n3A_2262 = arith.select %ne3A_2238, %div3A_2259, %broadcast_in_dim3A_2261 : vector<1x256xi1>, vector<1x256xf32>
    %mul3A_2263 = arith.mulf %select_n3A_2262, %select_n3A_2262 : vector<1x256xf32>
    %add3A_2264 = arith.constant 1.000000e+00 : f32
    %add3A_2265 = vector.broadcast %add3A_2264 : f32 to vector<1x256xf32>
    %add3A_2266 = arith.addf %add3A_2265, %mul3A_2263 : vector<1x256xf32>
    %rsqrt3A_2267 = math.rsqrt %add3A_2266 : vector<1x256xf32>
    %mul3A_2268 = arith.mulf %select_n3A_2262, %rsqrt3A_2267 : vector<1x256xf32>
    %mul3A_2269 = arith.mulf %rsqrt3A_2267, %add3A_2120 : vector<1x256xf32>
    %mul3A_2270 = arith.mulf %mul3A_2268, %add3A_2217 : vector<1x256xf32>
    %sub3A_2271 = arith.subf %mul3A_2269, %mul3A_2270 : vector<1x256xf32>
    %mul3A_2272 = arith.mulf %rsqrt3A_2267, %sub3A_2271 : vector<1x256xf32>
    %mul3A_2273 = arith.mulf %rsqrt3A_2267, %add3A_2217 : vector<1x256xf32>
    %mul3A_2274 = arith.mulf %mul3A_2268, %add3A_2203 : vector<1x256xf32>
    %sub3A_2275 = arith.subf %mul3A_2273, %mul3A_2274 : vector<1x256xf32>
    %mul3A_2276 = arith.mulf %mul3A_2268, %sub3A_2275 : vector<1x256xf32>
    %sub3A_2277 = arith.subf %mul3A_2272, %mul3A_2276 : vector<1x256xf32>
    %mul3A_2278 = arith.mulf %mul3A_2268, %add3A_2120 : vector<1x256xf32>
    %mul3A_2279 = arith.mulf %rsqrt3A_2267, %add3A_2217 : vector<1x256xf32>
    %add3A_2280 = arith.addf %mul3A_2278, %mul3A_2279 : vector<1x256xf32>
    %mul3A_2281 = arith.mulf %mul3A_2268, %add3A_2280 : vector<1x256xf32>
    %mul3A_2282 = arith.mulf %mul3A_2268, %add3A_2217 : vector<1x256xf32>
    %mul3A_2283 = arith.mulf %rsqrt3A_2267, %add3A_2203 : vector<1x256xf32>
    %add3A_2284 = arith.addf %mul3A_2282, %mul3A_2283 : vector<1x256xf32>
    %mul3A_2285 = arith.mulf %rsqrt3A_2267, %add3A_2284 : vector<1x256xf32>
    %add3A_2286 = arith.addf %mul3A_2281, %mul3A_2285 : vector<1x256xf32>
    %mul3A_2287 = arith.mulf %rsqrt3A_2267, %mul3A_2268 : vector<1x256xf32>
    %sub3A_2288 = arith.subf %add3A_2120, %add3A_2203 : vector<1x256xf32>
    %mul3A_2289 = arith.mulf %mul3A_2287, %sub3A_2288 : vector<1x256xf32>
    %mul3A_2290 = arith.mulf %rsqrt3A_2267, %rsqrt3A_2267 : vector<1x256xf32>
    %mul3A_2291 = arith.mulf %mul3A_2268, %mul3A_2268 : vector<1x256xf32>
    %sub3A_2292 = arith.subf %mul3A_2290, %mul3A_2291 : vector<1x256xf32>
    %mul3A_2293 = arith.mulf %sub3A_2292, %add3A_2217 : vector<1x256xf32>
    %add3A_2294 = arith.addf %mul3A_2289, %mul3A_2293 : vector<1x256xf32>
    %mul3A_2295 = arith.mulf %rsqrt3A_2267, %sub3A_2214 : vector<1x256xf32>
    %mul3A_2296 = arith.mulf %mul3A_2268, %add3A_2211 : vector<1x256xf32>
    %sub3A_2297 = arith.subf %mul3A_2295, %mul3A_2296 : vector<1x256xf32>
    %mul3A_2298 = arith.mulf %mul3A_2268, %sub3A_2214 : vector<1x256xf32>
    %mul3A_2299 = arith.mulf %rsqrt3A_2267, %add3A_2211 : vector<1x256xf32>
    %add3A_2300 = arith.addf %mul3A_2298, %mul3A_2299 : vector<1x256xf32>
    %mul3A_2301 = arith.mulf %rsqrt3A_2267, %add3A_2140 : vector<1x256xf32>
    %mul3A_2302 = arith.mulf %mul3A_2268, %add3A_2223 : vector<1x256xf32>
    %sub3A_2303 = arith.subf %mul3A_2301, %mul3A_2302 : vector<1x256xf32>
    %mul3A_2304 = arith.mulf %mul3A_2268, %add3A_2140 : vector<1x256xf32>
    %mul3A_2305 = arith.mulf %rsqrt3A_2267, %add3A_2223 : vector<1x256xf32>
    %add3A_2306 = arith.addf %mul3A_2304, %mul3A_2305 : vector<1x256xf32>
    %mul3A_2307 = arith.mulf %rsqrt3A_2267, %add3A_2146 : vector<1x256xf32>
    %mul3A_2308 = arith.mulf %mul3A_2268, %add3A_2229 : vector<1x256xf32>
    %sub3A_2309 = arith.subf %mul3A_2307, %mul3A_2308 : vector<1x256xf32>
    %mul3A_2310 = arith.mulf %mul3A_2268, %add3A_2146 : vector<1x256xf32>
    %mul3A_2311 = arith.mulf %rsqrt3A_2267, %add3A_2229 : vector<1x256xf32>
    %add3A_2312 = arith.addf %mul3A_2310, %mul3A_2311 : vector<1x256xf32>
    %mul3A_2313 = arith.mulf %rsqrt3A_2267, %add3A_2152 : vector<1x256xf32>
    %mul3A_2314 = arith.mulf %mul3A_2268, %add3A_2235 : vector<1x256xf32>
    %sub3A_2315 = arith.subf %mul3A_2313, %mul3A_2314 : vector<1x256xf32>
    %mul3A_2316 = arith.mulf %mul3A_2268, %add3A_2152 : vector<1x256xf32>
    %mul3A_2317 = arith.mulf %rsqrt3A_2267, %add3A_2235 : vector<1x256xf32>
    %add3A_2318 = arith.addf %mul3A_2316, %mul3A_2317 : vector<1x256xf32>
    %ne3A_2319 = arith.constant 0.000000e+00 : f32
    %ne3A_2320 = vector.broadcast %ne3A_2319 : f32 to vector<1x256xf32>
    %ne3A_2321 = arith.cmpf one, %sub3A_2297, %ne3A_2320 : vector<1x256xf32>
    %sub3A_2322 = arith.subf %sub3A_2277, %sub3A_2194 : vector<1x256xf32>
    %mul3A_2323 = arith.constant 2.000000e+00 : f32
    %mul3A_2324 = vector.broadcast %mul3A_2323 : f32 to vector<1x256xf32>
    %mul3A_2325 = arith.mulf %mul3A_2324, %sub3A_2297 : vector<1x256xf32>
    %div3A_2326 = arith.divf %sub3A_2322, %mul3A_2325 : vector<1x256xf32>
    %ge3A_2327 = arith.constant 0.000000e+00 : f32
    %ge3A_2328 = vector.broadcast %ge3A_2327 : f32 to vector<1x256xf32>
    %ge3A_2329 = arith.cmpf oge, %div3A_2326, %ge3A_2328 : vector<1x256xf32>
    %jit3A_2330 = arith.constant 1.000000e+00 : f32
    %jit3A_2331 = arith.constant -1.000000e+00 : f32
    %broadcast_in_dim3A_2332 = vector.broadcast %jit3A_2330 : f32 to vector<1x256xf32>
    %broadcast_in_dim3A_2333 = vector.broadcast %jit3A_2331 : f32 to vector<1x256xf32>
    %select_n3A_2334 = arith.select %ge3A_2329, %broadcast_in_dim3A_2332, %broadcast_in_dim3A_2333 : vector<1x256xi1>, vector<1x256xf32>
    %abs3A_2335 = math.absf %div3A_2326 : vector<1x256xf32>
    %mul3A_2336 = arith.mulf %div3A_2326, %div3A_2326 : vector<1x256xf32>
    %add3A_2337 = arith.constant 1.000000e+00 : f32
    %add3A_2338 = vector.broadcast %add3A_2337 : f32 to vector<1x256xf32>
    %add3A_2339 = arith.addf %add3A_2338, %mul3A_2336 : vector<1x256xf32>
    %sqrt3A_2340 = math.sqrt %add3A_2339 : vector<1x256xf32>
    %add3A_2341 = arith.addf %abs3A_2335, %sqrt3A_2340 : vector<1x256xf32>
    %div3A_2342 = arith.divf %select_n3A_2334, %add3A_2341 : vector<1x256xf32>
    %jit3A_2343 = arith.constant 0.000000e+00 : f32
    %broadcast_in_dim3A_2344 = vector.broadcast %jit3A_2343 : f32 to vector<1x256xf32>
    %select_n3A_2345 = arith.select %ne3A_2321, %div3A_2342, %broadcast_in_dim3A_2344 : vector<1x256xi1>, vector<1x256xf32>
    %mul3A_2346 = arith.mulf %select_n3A_2345, %select_n3A_2345 : vector<1x256xf32>
    %add3A_2347 = arith.constant 1.000000e+00 : f32
    %add3A_2348 = vector.broadcast %add3A_2347 : f32 to vector<1x256xf32>
    %add3A_2349 = arith.addf %add3A_2348, %mul3A_2346 : vector<1x256xf32>
    %rsqrt3A_2350 = math.rsqrt %add3A_2349 : vector<1x256xf32>
    %mul3A_2351 = arith.mulf %select_n3A_2345, %rsqrt3A_2350 : vector<1x256xf32>
    %mul3A_2352 = arith.mulf %rsqrt3A_2350, %sub3A_2194 : vector<1x256xf32>
    %mul3A_2353 = arith.mulf %mul3A_2351, %sub3A_2297 : vector<1x256xf32>
    %sub3A_2354 = arith.subf %mul3A_2352, %mul3A_2353 : vector<1x256xf32>
    %mul3A_2355 = arith.mulf %rsqrt3A_2350, %sub3A_2354 : vector<1x256xf32>
    %mul3A_2356 = arith.mulf %rsqrt3A_2350, %sub3A_2297 : vector<1x256xf32>
    %mul3A_2357 = arith.mulf %mul3A_2351, %sub3A_2277 : vector<1x256xf32>
    %sub3A_2358 = arith.subf %mul3A_2356, %mul3A_2357 : vector<1x256xf32>
    %mul3A_2359 = arith.mulf %mul3A_2351, %sub3A_2358 : vector<1x256xf32>
    %sub3A_2360 = arith.subf %mul3A_2355, %mul3A_2359 : vector<1x256xf32>
    %mul3A_2361 = arith.mulf %mul3A_2351, %sub3A_2194 : vector<1x256xf32>
    %mul3A_2362 = arith.mulf %rsqrt3A_2350, %sub3A_2297 : vector<1x256xf32>
    %add3A_2363 = arith.addf %mul3A_2361, %mul3A_2362 : vector<1x256xf32>
    %mul3A_2364 = arith.mulf %mul3A_2351, %add3A_2363 : vector<1x256xf32>
    %mul3A_2365 = arith.mulf %mul3A_2351, %sub3A_2297 : vector<1x256xf32>
    %mul3A_2366 = arith.mulf %rsqrt3A_2350, %sub3A_2277 : vector<1x256xf32>
    %add3A_2367 = arith.addf %mul3A_2365, %mul3A_2366 : vector<1x256xf32>
    %mul3A_2368 = arith.mulf %rsqrt3A_2350, %add3A_2367 : vector<1x256xf32>
    %add3A_2369 = arith.addf %mul3A_2364, %mul3A_2368 : vector<1x256xf32>
    %mul3A_2370 = arith.mulf %rsqrt3A_2350, %mul3A_2351 : vector<1x256xf32>
    %sub3A_2371 = arith.subf %sub3A_2194, %sub3A_2277 : vector<1x256xf32>
    %mul3A_2372 = arith.mulf %mul3A_2370, %sub3A_2371 : vector<1x256xf32>
    %mul3A_2373 = arith.mulf %rsqrt3A_2350, %rsqrt3A_2350 : vector<1x256xf32>
    %mul3A_2374 = arith.mulf %mul3A_2351, %mul3A_2351 : vector<1x256xf32>
    %sub3A_2375 = arith.subf %mul3A_2373, %mul3A_2374 : vector<1x256xf32>
    %mul3A_2376 = arith.mulf %sub3A_2375, %sub3A_2297 : vector<1x256xf32>
    %add3A_2377 = arith.addf %mul3A_2372, %mul3A_2376 : vector<1x256xf32>
    %mul3A_2378 = arith.mulf %rsqrt3A_2350, %add3A_2300 : vector<1x256xf32>
    %mul3A_2379 = arith.mulf %mul3A_2351, %add3A_2294 : vector<1x256xf32>
    %sub3A_2380 = arith.subf %mul3A_2378, %mul3A_2379 : vector<1x256xf32>
    %mul3A_2381 = arith.mulf %mul3A_2351, %add3A_2300 : vector<1x256xf32>
    %mul3A_2382 = arith.mulf %rsqrt3A_2350, %add3A_2294 : vector<1x256xf32>
    %add3A_2383 = arith.addf %mul3A_2381, %mul3A_2382 : vector<1x256xf32>
    %mul3A_2384 = arith.mulf %rsqrt3A_2350, %sub3A_2220 : vector<1x256xf32>
    %mul3A_2385 = arith.mulf %mul3A_2351, %sub3A_2303 : vector<1x256xf32>
    %sub3A_2386 = arith.subf %mul3A_2384, %mul3A_2385 : vector<1x256xf32>
    %mul3A_2387 = arith.mulf %mul3A_2351, %sub3A_2220 : vector<1x256xf32>
    %mul3A_2388 = arith.mulf %rsqrt3A_2350, %sub3A_2303 : vector<1x256xf32>
    %add3A_2389 = arith.addf %mul3A_2387, %mul3A_2388 : vector<1x256xf32>
    %mul3A_2390 = arith.mulf %rsqrt3A_2350, %sub3A_2226 : vector<1x256xf32>
    %mul3A_2391 = arith.mulf %mul3A_2351, %sub3A_2309 : vector<1x256xf32>
    %sub3A_2392 = arith.subf %mul3A_2390, %mul3A_2391 : vector<1x256xf32>
    %mul3A_2393 = arith.mulf %mul3A_2351, %sub3A_2226 : vector<1x256xf32>
    %mul3A_2394 = arith.mulf %rsqrt3A_2350, %sub3A_2309 : vector<1x256xf32>
    %add3A_2395 = arith.addf %mul3A_2393, %mul3A_2394 : vector<1x256xf32>
    %mul3A_2396 = arith.mulf %rsqrt3A_2350, %sub3A_2232 : vector<1x256xf32>
    %mul3A_2397 = arith.mulf %mul3A_2351, %sub3A_2315 : vector<1x256xf32>
    %sub3A_2398 = arith.subf %mul3A_2396, %mul3A_2397 : vector<1x256xf32>
    %mul3A_2399 = arith.mulf %mul3A_2351, %sub3A_2232 : vector<1x256xf32>
    %mul3A_2400 = arith.mulf %rsqrt3A_2350, %sub3A_2315 : vector<1x256xf32>
    %add3A_2401 = arith.addf %mul3A_2399, %mul3A_2400 : vector<1x256xf32>
    %ne3A_2402 = arith.constant 0.000000e+00 : f32
    %ne3A_2403 = vector.broadcast %ne3A_2402 : f32 to vector<1x256xf32>
    %ne3A_2404 = arith.cmpf one, %sub3A_2380, %ne3A_2403 : vector<1x256xf32>
    %sub3A_2405 = arith.subf %add3A_2286, %sub3A_2360 : vector<1x256xf32>
    %mul3A_2406 = arith.constant 2.000000e+00 : f32
    %mul3A_2407 = vector.broadcast %mul3A_2406 : f32 to vector<1x256xf32>
    %mul3A_2408 = arith.mulf %mul3A_2407, %sub3A_2380 : vector<1x256xf32>
    %div3A_2409 = arith.divf %sub3A_2405, %mul3A_2408 : vector<1x256xf32>
    %ge3A_2410 = arith.constant 0.000000e+00 : f32
    %ge3A_2411 = vector.broadcast %ge3A_2410 : f32 to vector<1x256xf32>
    %ge3A_2412 = arith.cmpf oge, %div3A_2409, %ge3A_2411 : vector<1x256xf32>
    %jit3A_2413 = arith.constant 1.000000e+00 : f32
    %jit3A_2414 = arith.constant -1.000000e+00 : f32
    %broadcast_in_dim3A_2415 = vector.broadcast %jit3A_2413 : f32 to vector<1x256xf32>
    %broadcast_in_dim3A_2416 = vector.broadcast %jit3A_2414 : f32 to vector<1x256xf32>
    %select_n3A_2417 = arith.select %ge3A_2412, %broadcast_in_dim3A_2415, %broadcast_in_dim3A_2416 : vector<1x256xi1>, vector<1x256xf32>
    %abs3A_2418 = math.absf %div3A_2409 : vector<1x256xf32>
    %mul3A_2419 = arith.mulf %div3A_2409, %div3A_2409 : vector<1x256xf32>
    %add3A_2420 = arith.constant 1.000000e+00 : f32
    %add3A_2421 = vector.broadcast %add3A_2420 : f32 to vector<1x256xf32>
    %add3A_2422 = arith.addf %add3A_2421, %mul3A_2419 : vector<1x256xf32>
    %sqrt3A_2423 = math.sqrt %add3A_2422 : vector<1x256xf32>
    %add3A_2424 = arith.addf %abs3A_2418, %sqrt3A_2423 : vector<1x256xf32>
    %div3A_2425 = arith.divf %select_n3A_2417, %add3A_2424 : vector<1x256xf32>
    %jit3A_2426 = arith.constant 0.000000e+00 : f32
    %broadcast_in_dim3A_2427 = vector.broadcast %jit3A_2426 : f32 to vector<1x256xf32>
    %select_n3A_2428 = arith.select %ne3A_2404, %div3A_2425, %broadcast_in_dim3A_2427 : vector<1x256xi1>, vector<1x256xf32>
    %mul3A_2429 = arith.mulf %select_n3A_2428, %select_n3A_2428 : vector<1x256xf32>
    %add3A_2430 = arith.constant 1.000000e+00 : f32
    %add3A_2431 = vector.broadcast %add3A_2430 : f32 to vector<1x256xf32>
    %add3A_2432 = arith.addf %add3A_2431, %mul3A_2429 : vector<1x256xf32>
    %rsqrt3A_2433 = math.rsqrt %add3A_2432 : vector<1x256xf32>
    %mul3A_2434 = arith.mulf %select_n3A_2428, %rsqrt3A_2433 : vector<1x256xf32>
    %mul3A_2435 = arith.mulf %rsqrt3A_2433, %sub3A_2360 : vector<1x256xf32>
    %mul3A_2436 = arith.mulf %mul3A_2434, %sub3A_2380 : vector<1x256xf32>
    %sub3A_2437 = arith.subf %mul3A_2435, %mul3A_2436 : vector<1x256xf32>
    %mul3A_2438 = arith.mulf %rsqrt3A_2433, %sub3A_2437 : vector<1x256xf32>
    %mul3A_2439 = arith.mulf %rsqrt3A_2433, %sub3A_2380 : vector<1x256xf32>
    %mul3A_2440 = arith.mulf %mul3A_2434, %add3A_2286 : vector<1x256xf32>
    %sub3A_2441 = arith.subf %mul3A_2439, %mul3A_2440 : vector<1x256xf32>
    %mul3A_2442 = arith.mulf %mul3A_2434, %sub3A_2441 : vector<1x256xf32>
    %sub3A_2443 = arith.subf %mul3A_2438, %mul3A_2442 : vector<1x256xf32>
    %mul3A_2444 = arith.mulf %mul3A_2434, %sub3A_2360 : vector<1x256xf32>
    %mul3A_2445 = arith.mulf %rsqrt3A_2433, %sub3A_2380 : vector<1x256xf32>
    %add3A_2446 = arith.addf %mul3A_2444, %mul3A_2445 : vector<1x256xf32>
    %mul3A_2447 = arith.mulf %mul3A_2434, %add3A_2446 : vector<1x256xf32>
    %mul3A_2448 = arith.mulf %mul3A_2434, %sub3A_2380 : vector<1x256xf32>
    %mul3A_2449 = arith.mulf %rsqrt3A_2433, %add3A_2286 : vector<1x256xf32>
    %add3A_2450 = arith.addf %mul3A_2448, %mul3A_2449 : vector<1x256xf32>
    %mul3A_2451 = arith.mulf %rsqrt3A_2433, %add3A_2450 : vector<1x256xf32>
    %add3A_2452 = arith.addf %mul3A_2447, %mul3A_2451 : vector<1x256xf32>
    %mul3A_2453 = arith.mulf %rsqrt3A_2433, %mul3A_2434 : vector<1x256xf32>
    %sub3A_2454 = arith.subf %sub3A_2360, %add3A_2286 : vector<1x256xf32>
    %mul3A_2455 = arith.mulf %mul3A_2453, %sub3A_2454 : vector<1x256xf32>
    %mul3A_2456 = arith.mulf %rsqrt3A_2433, %rsqrt3A_2433 : vector<1x256xf32>
    %mul3A_2457 = arith.mulf %mul3A_2434, %mul3A_2434 : vector<1x256xf32>
    %sub3A_2458 = arith.subf %mul3A_2456, %mul3A_2457 : vector<1x256xf32>
    %mul3A_2459 = arith.mulf %sub3A_2458, %sub3A_2380 : vector<1x256xf32>
    %add3A_2460 = arith.addf %mul3A_2455, %mul3A_2459 : vector<1x256xf32>
    %mul3A_2461 = arith.mulf %rsqrt3A_2433, %add3A_2377 : vector<1x256xf32>
    %mul3A_2462 = arith.mulf %mul3A_2434, %add3A_2383 : vector<1x256xf32>
    %sub3A_2463 = arith.subf %mul3A_2461, %mul3A_2462 : vector<1x256xf32>
    %mul3A_2464 = arith.mulf %mul3A_2434, %add3A_2377 : vector<1x256xf32>
    %mul3A_2465 = arith.mulf %rsqrt3A_2433, %add3A_2383 : vector<1x256xf32>
    %add3A_2466 = arith.addf %mul3A_2464, %mul3A_2465 : vector<1x256xf32>
    %mul3A_2467 = arith.mulf %rsqrt3A_2433, %sub3A_2386 : vector<1x256xf32>
    %mul3A_2468 = arith.mulf %mul3A_2434, %add3A_2306 : vector<1x256xf32>
    %sub3A_2469 = arith.subf %mul3A_2467, %mul3A_2468 : vector<1x256xf32>
    %mul3A_2470 = arith.mulf %mul3A_2434, %sub3A_2386 : vector<1x256xf32>
    %mul3A_2471 = arith.mulf %rsqrt3A_2433, %add3A_2306 : vector<1x256xf32>
    %add3A_2472 = arith.addf %mul3A_2470, %mul3A_2471 : vector<1x256xf32>
    %mul3A_2473 = arith.mulf %rsqrt3A_2433, %sub3A_2392 : vector<1x256xf32>
    %mul3A_2474 = arith.mulf %mul3A_2434, %add3A_2312 : vector<1x256xf32>
    %sub3A_2475 = arith.subf %mul3A_2473, %mul3A_2474 : vector<1x256xf32>
    %mul3A_2476 = arith.mulf %mul3A_2434, %sub3A_2392 : vector<1x256xf32>
    %mul3A_2477 = arith.mulf %rsqrt3A_2433, %add3A_2312 : vector<1x256xf32>
    %add3A_2478 = arith.addf %mul3A_2476, %mul3A_2477 : vector<1x256xf32>
    %mul3A_2479 = arith.mulf %rsqrt3A_2433, %sub3A_2398 : vector<1x256xf32>
    %mul3A_2480 = arith.mulf %mul3A_2434, %add3A_2318 : vector<1x256xf32>
    %sub3A_2481 = arith.subf %mul3A_2479, %mul3A_2480 : vector<1x256xf32>
    %mul3A_2482 = arith.mulf %mul3A_2434, %sub3A_2398 : vector<1x256xf32>
    %mul3A_2483 = arith.mulf %rsqrt3A_2433, %add3A_2318 : vector<1x256xf32>
    %add3A_2484 = arith.addf %mul3A_2482, %mul3A_2483 : vector<1x256xf32>
    %ne3A_2485 = arith.constant 0.000000e+00 : f32
    %ne3A_2486 = vector.broadcast %ne3A_2485 : f32 to vector<1x256xf32>
    %ne3A_2487 = arith.cmpf one, %add3A_2466, %ne3A_2486 : vector<1x256xf32>
    %sub3A_2488 = arith.subf %add3A_2452, %add3A_2369 : vector<1x256xf32>
    %mul3A_2489 = arith.constant 2.000000e+00 : f32
    %mul3A_2490 = vector.broadcast %mul3A_2489 : f32 to vector<1x256xf32>
    %mul3A_2491 = arith.mulf %mul3A_2490, %add3A_2466 : vector<1x256xf32>
    %div3A_2492 = arith.divf %sub3A_2488, %mul3A_2491 : vector<1x256xf32>
    %ge3A_2493 = arith.constant 0.000000e+00 : f32
    %ge3A_2494 = vector.broadcast %ge3A_2493 : f32 to vector<1x256xf32>
    %ge3A_2495 = arith.cmpf oge, %div3A_2492, %ge3A_2494 : vector<1x256xf32>
    %jit3A_2496 = arith.constant 1.000000e+00 : f32
    %jit3A_2497 = arith.constant -1.000000e+00 : f32
    %broadcast_in_dim3A_2498 = vector.broadcast %jit3A_2496 : f32 to vector<1x256xf32>
    %broadcast_in_dim3A_2499 = vector.broadcast %jit3A_2497 : f32 to vector<1x256xf32>
    %select_n3A_2500 = arith.select %ge3A_2495, %broadcast_in_dim3A_2498, %broadcast_in_dim3A_2499 : vector<1x256xi1>, vector<1x256xf32>
    %abs3A_2501 = math.absf %div3A_2492 : vector<1x256xf32>
    %mul3A_2502 = arith.mulf %div3A_2492, %div3A_2492 : vector<1x256xf32>
    %add3A_2503 = arith.constant 1.000000e+00 : f32
    %add3A_2504 = vector.broadcast %add3A_2503 : f32 to vector<1x256xf32>
    %add3A_2505 = arith.addf %add3A_2504, %mul3A_2502 : vector<1x256xf32>
    %sqrt3A_2506 = math.sqrt %add3A_2505 : vector<1x256xf32>
    %add3A_2507 = arith.addf %abs3A_2501, %sqrt3A_2506 : vector<1x256xf32>
    %div3A_2508 = arith.divf %select_n3A_2500, %add3A_2507 : vector<1x256xf32>
    %jit3A_2509 = arith.constant 0.000000e+00 : f32
    %broadcast_in_dim3A_2510 = vector.broadcast %jit3A_2509 : f32 to vector<1x256xf32>
    %select_n3A_2511 = arith.select %ne3A_2487, %div3A_2508, %broadcast_in_dim3A_2510 : vector<1x256xi1>, vector<1x256xf32>
    %mul3A_2512 = arith.mulf %select_n3A_2511, %select_n3A_2511 : vector<1x256xf32>
    %add3A_2513 = arith.constant 1.000000e+00 : f32
    %add3A_2514 = vector.broadcast %add3A_2513 : f32 to vector<1x256xf32>
    %add3A_2515 = arith.addf %add3A_2514, %mul3A_2512 : vector<1x256xf32>
    %rsqrt3A_2516 = math.rsqrt %add3A_2515 : vector<1x256xf32>
    %mul3A_2517 = arith.mulf %select_n3A_2511, %rsqrt3A_2516 : vector<1x256xf32>
    %mul3A_2518 = arith.mulf %rsqrt3A_2516, %add3A_2369 : vector<1x256xf32>
    %mul3A_2519 = arith.mulf %mul3A_2517, %add3A_2466 : vector<1x256xf32>
    %sub3A_2520 = arith.subf %mul3A_2518, %mul3A_2519 : vector<1x256xf32>
    %mul3A_2521 = arith.mulf %rsqrt3A_2516, %sub3A_2520 : vector<1x256xf32>
    %mul3A_2522 = arith.mulf %rsqrt3A_2516, %add3A_2466 : vector<1x256xf32>
    %mul3A_2523 = arith.mulf %mul3A_2517, %add3A_2452 : vector<1x256xf32>
    %sub3A_2524 = arith.subf %mul3A_2522, %mul3A_2523 : vector<1x256xf32>
    %mul3A_2525 = arith.mulf %mul3A_2517, %sub3A_2524 : vector<1x256xf32>
    %sub3A_2526 = arith.subf %mul3A_2521, %mul3A_2525 : vector<1x256xf32>
    %mul3A_2527 = arith.mulf %mul3A_2517, %add3A_2369 : vector<1x256xf32>
    %mul3A_2528 = arith.mulf %rsqrt3A_2516, %add3A_2466 : vector<1x256xf32>
    %add3A_2529 = arith.addf %mul3A_2527, %mul3A_2528 : vector<1x256xf32>
    %mul3A_2530 = arith.mulf %mul3A_2517, %add3A_2529 : vector<1x256xf32>
    %mul3A_2531 = arith.mulf %mul3A_2517, %add3A_2466 : vector<1x256xf32>
    %mul3A_2532 = arith.mulf %rsqrt3A_2516, %add3A_2452 : vector<1x256xf32>
    %add3A_2533 = arith.addf %mul3A_2531, %mul3A_2532 : vector<1x256xf32>
    %mul3A_2534 = arith.mulf %rsqrt3A_2516, %add3A_2533 : vector<1x256xf32>
    %add3A_2535 = arith.addf %mul3A_2530, %mul3A_2534 : vector<1x256xf32>
    %mul3A_2536 = arith.mulf %rsqrt3A_2516, %mul3A_2517 : vector<1x256xf32>
    %sub3A_2537 = arith.subf %add3A_2369, %add3A_2452 : vector<1x256xf32>
    %mul3A_2538 = arith.mulf %mul3A_2536, %sub3A_2537 : vector<1x256xf32>
    %mul3A_2539 = arith.mulf %rsqrt3A_2516, %rsqrt3A_2516 : vector<1x256xf32>
    %mul3A_2540 = arith.mulf %mul3A_2517, %mul3A_2517 : vector<1x256xf32>
    %sub3A_2541 = arith.subf %mul3A_2539, %mul3A_2540 : vector<1x256xf32>
    %mul3A_2542 = arith.mulf %sub3A_2541, %add3A_2466 : vector<1x256xf32>
    %add3A_2543 = arith.addf %mul3A_2538, %mul3A_2542 : vector<1x256xf32>
    %mul3A_2544 = arith.mulf %rsqrt3A_2516, %sub3A_2463 : vector<1x256xf32>
    %mul3A_2545 = arith.mulf %mul3A_2517, %add3A_2460 : vector<1x256xf32>
    %sub3A_2546 = arith.subf %mul3A_2544, %mul3A_2545 : vector<1x256xf32>
    %mul3A_2547 = arith.mulf %mul3A_2517, %sub3A_2463 : vector<1x256xf32>
    %mul3A_2548 = arith.mulf %rsqrt3A_2516, %add3A_2460 : vector<1x256xf32>
    %add3A_2549 = arith.addf %mul3A_2547, %mul3A_2548 : vector<1x256xf32>
    %mul3A_2550 = arith.mulf %rsqrt3A_2516, %add3A_2389 : vector<1x256xf32>
    %mul3A_2551 = arith.mulf %mul3A_2517, %add3A_2472 : vector<1x256xf32>
    %sub3A_2552 = arith.subf %mul3A_2550, %mul3A_2551 : vector<1x256xf32>
    %mul3A_2553 = arith.mulf %mul3A_2517, %add3A_2389 : vector<1x256xf32>
    %mul3A_2554 = arith.mulf %rsqrt3A_2516, %add3A_2472 : vector<1x256xf32>
    %add3A_2555 = arith.addf %mul3A_2553, %mul3A_2554 : vector<1x256xf32>
    %mul3A_2556 = arith.mulf %rsqrt3A_2516, %add3A_2395 : vector<1x256xf32>
    %mul3A_2557 = arith.mulf %mul3A_2517, %add3A_2478 : vector<1x256xf32>
    %sub3A_2558 = arith.subf %mul3A_2556, %mul3A_2557 : vector<1x256xf32>
    %mul3A_2559 = arith.mulf %mul3A_2517, %add3A_2395 : vector<1x256xf32>
    %mul3A_2560 = arith.mulf %rsqrt3A_2516, %add3A_2478 : vector<1x256xf32>
    %add3A_2561 = arith.addf %mul3A_2559, %mul3A_2560 : vector<1x256xf32>
    %mul3A_2562 = arith.mulf %rsqrt3A_2516, %add3A_2401 : vector<1x256xf32>
    %mul3A_2563 = arith.mulf %mul3A_2517, %add3A_2484 : vector<1x256xf32>
    %sub3A_2564 = arith.subf %mul3A_2562, %mul3A_2563 : vector<1x256xf32>
    %mul3A_2565 = arith.mulf %mul3A_2517, %add3A_2401 : vector<1x256xf32>
    %mul3A_2566 = arith.mulf %rsqrt3A_2516, %add3A_2484 : vector<1x256xf32>
    %add3A_2567 = arith.addf %mul3A_2565, %mul3A_2566 : vector<1x256xf32>
    %ne3A_2568 = arith.constant 0.000000e+00 : f32
    %ne3A_2569 = vector.broadcast %ne3A_2568 : f32 to vector<1x256xf32>
    %ne3A_2570 = arith.cmpf one, %sub3A_2546, %ne3A_2569 : vector<1x256xf32>
    %sub3A_2571 = arith.subf %sub3A_2526, %sub3A_2443 : vector<1x256xf32>
    %mul3A_2572 = arith.constant 2.000000e+00 : f32
    %mul3A_2573 = vector.broadcast %mul3A_2572 : f32 to vector<1x256xf32>
    %mul3A_2574 = arith.mulf %mul3A_2573, %sub3A_2546 : vector<1x256xf32>
    %div3A_2575 = arith.divf %sub3A_2571, %mul3A_2574 : vector<1x256xf32>
    %ge3A_2576 = arith.constant 0.000000e+00 : f32
    %ge3A_2577 = vector.broadcast %ge3A_2576 : f32 to vector<1x256xf32>
    %ge3A_2578 = arith.cmpf oge, %div3A_2575, %ge3A_2577 : vector<1x256xf32>
    %jit3A_2579 = arith.constant 1.000000e+00 : f32
    %jit3A_2580 = arith.constant -1.000000e+00 : f32
    %broadcast_in_dim3A_2581 = vector.broadcast %jit3A_2579 : f32 to vector<1x256xf32>
    %broadcast_in_dim3A_2582 = vector.broadcast %jit3A_2580 : f32 to vector<1x256xf32>
    %select_n3A_2583 = arith.select %ge3A_2578, %broadcast_in_dim3A_2581, %broadcast_in_dim3A_2582 : vector<1x256xi1>, vector<1x256xf32>
    %abs3A_2584 = math.absf %div3A_2575 : vector<1x256xf32>
    %mul3A_2585 = arith.mulf %div3A_2575, %div3A_2575 : vector<1x256xf32>
    %add3A_2586 = arith.constant 1.000000e+00 : f32
    %add3A_2587 = vector.broadcast %add3A_2586 : f32 to vector<1x256xf32>
    %add3A_2588 = arith.addf %add3A_2587, %mul3A_2585 : vector<1x256xf32>
    %sqrt3A_2589 = math.sqrt %add3A_2588 : vector<1x256xf32>
    %add3A_2590 = arith.addf %abs3A_2584, %sqrt3A_2589 : vector<1x256xf32>
    %div3A_2591 = arith.divf %select_n3A_2583, %add3A_2590 : vector<1x256xf32>
    %jit3A_2592 = arith.constant 0.000000e+00 : f32
    %broadcast_in_dim3A_2593 = vector.broadcast %jit3A_2592 : f32 to vector<1x256xf32>
    %select_n3A_2594 = arith.select %ne3A_2570, %div3A_2591, %broadcast_in_dim3A_2593 : vector<1x256xi1>, vector<1x256xf32>
    %mul3A_2595 = arith.mulf %select_n3A_2594, %select_n3A_2594 : vector<1x256xf32>
    %add3A_2596 = arith.constant 1.000000e+00 : f32
    %add3A_2597 = vector.broadcast %add3A_2596 : f32 to vector<1x256xf32>
    %add3A_2598 = arith.addf %add3A_2597, %mul3A_2595 : vector<1x256xf32>
    %rsqrt3A_2599 = math.rsqrt %add3A_2598 : vector<1x256xf32>
    %mul3A_2600 = arith.mulf %select_n3A_2594, %rsqrt3A_2599 : vector<1x256xf32>
    %mul3A_2601 = arith.mulf %rsqrt3A_2599, %sub3A_2443 : vector<1x256xf32>
    %mul3A_2602 = arith.mulf %mul3A_2600, %sub3A_2546 : vector<1x256xf32>
    %sub3A_2603 = arith.subf %mul3A_2601, %mul3A_2602 : vector<1x256xf32>
    %mul3A_2604 = arith.mulf %rsqrt3A_2599, %sub3A_2603 : vector<1x256xf32>
    %mul3A_2605 = arith.mulf %rsqrt3A_2599, %sub3A_2546 : vector<1x256xf32>
    %mul3A_2606 = arith.mulf %mul3A_2600, %sub3A_2526 : vector<1x256xf32>
    %sub3A_2607 = arith.subf %mul3A_2605, %mul3A_2606 : vector<1x256xf32>
    %mul3A_2608 = arith.mulf %mul3A_2600, %sub3A_2607 : vector<1x256xf32>
    %sub3A_2609 = arith.subf %mul3A_2604, %mul3A_2608 : vector<1x256xf32>
    %mul3A_2610 = arith.mulf %mul3A_2600, %sub3A_2443 : vector<1x256xf32>
    %mul3A_2611 = arith.mulf %rsqrt3A_2599, %sub3A_2546 : vector<1x256xf32>
    %add3A_2612 = arith.addf %mul3A_2610, %mul3A_2611 : vector<1x256xf32>
    %mul3A_2613 = arith.mulf %mul3A_2600, %add3A_2612 : vector<1x256xf32>
    %mul3A_2614 = arith.mulf %mul3A_2600, %sub3A_2546 : vector<1x256xf32>
    %mul3A_2615 = arith.mulf %rsqrt3A_2599, %sub3A_2526 : vector<1x256xf32>
    %add3A_2616 = arith.addf %mul3A_2614, %mul3A_2615 : vector<1x256xf32>
    %mul3A_2617 = arith.mulf %rsqrt3A_2599, %add3A_2616 : vector<1x256xf32>
    %add3A_2618 = arith.addf %mul3A_2613, %mul3A_2617 : vector<1x256xf32>
    %mul3A_2619 = arith.mulf %rsqrt3A_2599, %mul3A_2600 : vector<1x256xf32>
    %sub3A_2620 = arith.subf %sub3A_2443, %sub3A_2526 : vector<1x256xf32>
    %mul3A_2621 = arith.mulf %mul3A_2619, %sub3A_2620 : vector<1x256xf32>
    %mul3A_2622 = arith.mulf %rsqrt3A_2599, %rsqrt3A_2599 : vector<1x256xf32>
    %mul3A_2623 = arith.mulf %mul3A_2600, %mul3A_2600 : vector<1x256xf32>
    %sub3A_2624 = arith.subf %mul3A_2622, %mul3A_2623 : vector<1x256xf32>
    %mul3A_2625 = arith.mulf %sub3A_2624, %sub3A_2546 : vector<1x256xf32>
    %add3A_2626 = arith.addf %mul3A_2621, %mul3A_2625 : vector<1x256xf32>
    %mul3A_2627 = arith.mulf %rsqrt3A_2599, %add3A_2549 : vector<1x256xf32>
    %mul3A_2628 = arith.mulf %mul3A_2600, %add3A_2543 : vector<1x256xf32>
    %sub3A_2629 = arith.subf %mul3A_2627, %mul3A_2628 : vector<1x256xf32>
    %mul3A_2630 = arith.mulf %mul3A_2600, %add3A_2549 : vector<1x256xf32>
    %mul3A_2631 = arith.mulf %rsqrt3A_2599, %add3A_2543 : vector<1x256xf32>
    %add3A_2632 = arith.addf %mul3A_2630, %mul3A_2631 : vector<1x256xf32>
    %mul3A_2633 = arith.mulf %rsqrt3A_2599, %sub3A_2469 : vector<1x256xf32>
    %mul3A_2634 = arith.mulf %mul3A_2600, %sub3A_2552 : vector<1x256xf32>
    %sub3A_2635 = arith.subf %mul3A_2633, %mul3A_2634 : vector<1x256xf32>
    %mul3A_2636 = arith.mulf %mul3A_2600, %sub3A_2469 : vector<1x256xf32>
    %mul3A_2637 = arith.mulf %rsqrt3A_2599, %sub3A_2552 : vector<1x256xf32>
    %add3A_2638 = arith.addf %mul3A_2636, %mul3A_2637 : vector<1x256xf32>
    %mul3A_2639 = arith.mulf %rsqrt3A_2599, %sub3A_2475 : vector<1x256xf32>
    %mul3A_2640 = arith.mulf %mul3A_2600, %sub3A_2558 : vector<1x256xf32>
    %sub3A_2641 = arith.subf %mul3A_2639, %mul3A_2640 : vector<1x256xf32>
    %mul3A_2642 = arith.mulf %mul3A_2600, %sub3A_2475 : vector<1x256xf32>
    %mul3A_2643 = arith.mulf %rsqrt3A_2599, %sub3A_2558 : vector<1x256xf32>
    %add3A_2644 = arith.addf %mul3A_2642, %mul3A_2643 : vector<1x256xf32>
    %mul3A_2645 = arith.mulf %rsqrt3A_2599, %sub3A_2481 : vector<1x256xf32>
    %mul3A_2646 = arith.mulf %mul3A_2600, %sub3A_2564 : vector<1x256xf32>
    %sub3A_2647 = arith.subf %mul3A_2645, %mul3A_2646 : vector<1x256xf32>
    %mul3A_2648 = arith.mulf %mul3A_2600, %sub3A_2481 : vector<1x256xf32>
    %mul3A_2649 = arith.mulf %rsqrt3A_2599, %sub3A_2564 : vector<1x256xf32>
    %add3A_2650 = arith.addf %mul3A_2648, %mul3A_2649 : vector<1x256xf32>
    %ne3A_2651 = arith.constant 0.000000e+00 : f32
    %ne3A_2652 = vector.broadcast %ne3A_2651 : f32 to vector<1x256xf32>
    %ne3A_2653 = arith.cmpf one, %sub3A_2629, %ne3A_2652 : vector<1x256xf32>
    %sub3A_2654 = arith.subf %add3A_2535, %sub3A_2609 : vector<1x256xf32>
    %mul3A_2655 = arith.constant 2.000000e+00 : f32
    %mul3A_2656 = vector.broadcast %mul3A_2655 : f32 to vector<1x256xf32>
    %mul3A_2657 = arith.mulf %mul3A_2656, %sub3A_2629 : vector<1x256xf32>
    %div3A_2658 = arith.divf %sub3A_2654, %mul3A_2657 : vector<1x256xf32>
    %ge3A_2659 = arith.constant 0.000000e+00 : f32
    %ge3A_2660 = vector.broadcast %ge3A_2659 : f32 to vector<1x256xf32>
    %ge3A_2661 = arith.cmpf oge, %div3A_2658, %ge3A_2660 : vector<1x256xf32>
    %jit3A_2662 = arith.constant 1.000000e+00 : f32
    %jit3A_2663 = arith.constant -1.000000e+00 : f32
    %broadcast_in_dim3A_2664 = vector.broadcast %jit3A_2662 : f32 to vector<1x256xf32>
    %broadcast_in_dim3A_2665 = vector.broadcast %jit3A_2663 : f32 to vector<1x256xf32>
    %select_n3A_2666 = arith.select %ge3A_2661, %broadcast_in_dim3A_2664, %broadcast_in_dim3A_2665 : vector<1x256xi1>, vector<1x256xf32>
    %abs3A_2667 = math.absf %div3A_2658 : vector<1x256xf32>
    %mul3A_2668 = arith.mulf %div3A_2658, %div3A_2658 : vector<1x256xf32>
    %add3A_2669 = arith.constant 1.000000e+00 : f32
    %add3A_2670 = vector.broadcast %add3A_2669 : f32 to vector<1x256xf32>
    %add3A_2671 = arith.addf %add3A_2670, %mul3A_2668 : vector<1x256xf32>
    %sqrt3A_2672 = math.sqrt %add3A_2671 : vector<1x256xf32>
    %add3A_2673 = arith.addf %abs3A_2667, %sqrt3A_2672 : vector<1x256xf32>
    %div3A_2674 = arith.divf %select_n3A_2666, %add3A_2673 : vector<1x256xf32>
    %jit3A_2675 = arith.constant 0.000000e+00 : f32
    %broadcast_in_dim3A_2676 = vector.broadcast %jit3A_2675 : f32 to vector<1x256xf32>
    %select_n3A_2677 = arith.select %ne3A_2653, %div3A_2674, %broadcast_in_dim3A_2676 : vector<1x256xi1>, vector<1x256xf32>
    %mul3A_2678 = arith.mulf %select_n3A_2677, %select_n3A_2677 : vector<1x256xf32>
    %add3A_2679 = arith.constant 1.000000e+00 : f32
    %add3A_2680 = vector.broadcast %add3A_2679 : f32 to vector<1x256xf32>
    %add3A_2681 = arith.addf %add3A_2680, %mul3A_2678 : vector<1x256xf32>
    %rsqrt3A_2682 = math.rsqrt %add3A_2681 : vector<1x256xf32>
    %mul3A_2683 = arith.mulf %select_n3A_2677, %rsqrt3A_2682 : vector<1x256xf32>
    %mul3A_2684 = arith.mulf %rsqrt3A_2682, %sub3A_2609 : vector<1x256xf32>
    %mul3A_2685 = arith.mulf %mul3A_2683, %sub3A_2629 : vector<1x256xf32>
    %sub3A_2686 = arith.subf %mul3A_2684, %mul3A_2685 : vector<1x256xf32>
    %mul3A_2687 = arith.mulf %rsqrt3A_2682, %sub3A_2686 : vector<1x256xf32>
    %mul3A_2688 = arith.mulf %rsqrt3A_2682, %sub3A_2629 : vector<1x256xf32>
    %mul3A_2689 = arith.mulf %mul3A_2683, %add3A_2535 : vector<1x256xf32>
    %sub3A_2690 = arith.subf %mul3A_2688, %mul3A_2689 : vector<1x256xf32>
    %mul3A_2691 = arith.mulf %mul3A_2683, %sub3A_2690 : vector<1x256xf32>
    %sub3A_2692 = arith.subf %mul3A_2687, %mul3A_2691 : vector<1x256xf32>
    %mul3A_2693 = arith.mulf %mul3A_2683, %sub3A_2609 : vector<1x256xf32>
    %mul3A_2694 = arith.mulf %rsqrt3A_2682, %sub3A_2629 : vector<1x256xf32>
    %add3A_2695 = arith.addf %mul3A_2693, %mul3A_2694 : vector<1x256xf32>
    %mul3A_2696 = arith.mulf %mul3A_2683, %add3A_2695 : vector<1x256xf32>
    %mul3A_2697 = arith.mulf %mul3A_2683, %sub3A_2629 : vector<1x256xf32>
    %mul3A_2698 = arith.mulf %rsqrt3A_2682, %add3A_2535 : vector<1x256xf32>
    %add3A_2699 = arith.addf %mul3A_2697, %mul3A_2698 : vector<1x256xf32>
    %mul3A_2700 = arith.mulf %rsqrt3A_2682, %add3A_2699 : vector<1x256xf32>
    %add3A_2701 = arith.addf %mul3A_2696, %mul3A_2700 : vector<1x256xf32>
    %mul3A_2702 = arith.mulf %rsqrt3A_2682, %mul3A_2683 : vector<1x256xf32>
    %sub3A_2703 = arith.subf %sub3A_2609, %add3A_2535 : vector<1x256xf32>
    %mul3A_2704 = arith.mulf %mul3A_2702, %sub3A_2703 : vector<1x256xf32>
    %mul3A_2705 = arith.mulf %rsqrt3A_2682, %rsqrt3A_2682 : vector<1x256xf32>
    %mul3A_2706 = arith.mulf %mul3A_2683, %mul3A_2683 : vector<1x256xf32>
    %sub3A_2707 = arith.subf %mul3A_2705, %mul3A_2706 : vector<1x256xf32>
    %mul3A_2708 = arith.mulf %sub3A_2707, %sub3A_2629 : vector<1x256xf32>
    %add3A_2709 = arith.addf %mul3A_2704, %mul3A_2708 : vector<1x256xf32>
    %mul3A_2710 = arith.mulf %rsqrt3A_2682, %add3A_2626 : vector<1x256xf32>
    %mul3A_2711 = arith.mulf %mul3A_2683, %add3A_2632 : vector<1x256xf32>
    %sub3A_2712 = arith.subf %mul3A_2710, %mul3A_2711 : vector<1x256xf32>
    %mul3A_2713 = arith.mulf %mul3A_2683, %add3A_2626 : vector<1x256xf32>
    %mul3A_2714 = arith.mulf %rsqrt3A_2682, %add3A_2632 : vector<1x256xf32>
    %add3A_2715 = arith.addf %mul3A_2713, %mul3A_2714 : vector<1x256xf32>
    %mul3A_2716 = arith.mulf %rsqrt3A_2682, %sub3A_2635 : vector<1x256xf32>
    %mul3A_2717 = arith.mulf %mul3A_2683, %add3A_2555 : vector<1x256xf32>
    %sub3A_2718 = arith.subf %mul3A_2716, %mul3A_2717 : vector<1x256xf32>
    %mul3A_2719 = arith.mulf %mul3A_2683, %sub3A_2635 : vector<1x256xf32>
    %mul3A_2720 = arith.mulf %rsqrt3A_2682, %add3A_2555 : vector<1x256xf32>
    %add3A_2721 = arith.addf %mul3A_2719, %mul3A_2720 : vector<1x256xf32>
    %mul3A_2722 = arith.mulf %rsqrt3A_2682, %sub3A_2641 : vector<1x256xf32>
    %mul3A_2723 = arith.mulf %mul3A_2683, %add3A_2561 : vector<1x256xf32>
    %sub3A_2724 = arith.subf %mul3A_2722, %mul3A_2723 : vector<1x256xf32>
    %mul3A_2725 = arith.mulf %mul3A_2683, %sub3A_2641 : vector<1x256xf32>
    %mul3A_2726 = arith.mulf %rsqrt3A_2682, %add3A_2561 : vector<1x256xf32>
    %add3A_2727 = arith.addf %mul3A_2725, %mul3A_2726 : vector<1x256xf32>
    %mul3A_2728 = arith.mulf %rsqrt3A_2682, %sub3A_2647 : vector<1x256xf32>
    %mul3A_2729 = arith.mulf %mul3A_2683, %add3A_2567 : vector<1x256xf32>
    %sub3A_2730 = arith.subf %mul3A_2728, %mul3A_2729 : vector<1x256xf32>
    %mul3A_2731 = arith.mulf %mul3A_2683, %sub3A_2647 : vector<1x256xf32>
    %mul3A_2732 = arith.mulf %rsqrt3A_2682, %add3A_2567 : vector<1x256xf32>
    %add3A_2733 = arith.addf %mul3A_2731, %mul3A_2732 : vector<1x256xf32>
    %ne3A_2734 = arith.constant 0.000000e+00 : f32
    %ne3A_2735 = vector.broadcast %ne3A_2734 : f32 to vector<1x256xf32>
    %ne3A_2736 = arith.cmpf one, %add3A_2715, %ne3A_2735 : vector<1x256xf32>
    %sub3A_2737 = arith.subf %add3A_2701, %add3A_2618 : vector<1x256xf32>
    %mul3A_2738 = arith.constant 2.000000e+00 : f32
    %mul3A_2739 = vector.broadcast %mul3A_2738 : f32 to vector<1x256xf32>
    %mul3A_2740 = arith.mulf %mul3A_2739, %add3A_2715 : vector<1x256xf32>
    %div3A_2741 = arith.divf %sub3A_2737, %mul3A_2740 : vector<1x256xf32>
    %ge3A_2742 = arith.constant 0.000000e+00 : f32
    %ge3A_2743 = vector.broadcast %ge3A_2742 : f32 to vector<1x256xf32>
    %ge3A_2744 = arith.cmpf oge, %div3A_2741, %ge3A_2743 : vector<1x256xf32>
    %jit3A_2745 = arith.constant 1.000000e+00 : f32
    %jit3A_2746 = arith.constant -1.000000e+00 : f32
    %broadcast_in_dim3A_2747 = vector.broadcast %jit3A_2745 : f32 to vector<1x256xf32>
    %broadcast_in_dim3A_2748 = vector.broadcast %jit3A_2746 : f32 to vector<1x256xf32>
    %select_n3A_2749 = arith.select %ge3A_2744, %broadcast_in_dim3A_2747, %broadcast_in_dim3A_2748 : vector<1x256xi1>, vector<1x256xf32>
    %abs3A_2750 = math.absf %div3A_2741 : vector<1x256xf32>
    %mul3A_2751 = arith.mulf %div3A_2741, %div3A_2741 : vector<1x256xf32>
    %add3A_2752 = arith.constant 1.000000e+00 : f32
    %add3A_2753 = vector.broadcast %add3A_2752 : f32 to vector<1x256xf32>
    %add3A_2754 = arith.addf %add3A_2753, %mul3A_2751 : vector<1x256xf32>
    %sqrt3A_2755 = math.sqrt %add3A_2754 : vector<1x256xf32>
    %add3A_2756 = arith.addf %abs3A_2750, %sqrt3A_2755 : vector<1x256xf32>
    %div3A_2757 = arith.divf %select_n3A_2749, %add3A_2756 : vector<1x256xf32>
    %jit3A_2758 = arith.constant 0.000000e+00 : f32
    %broadcast_in_dim3A_2759 = vector.broadcast %jit3A_2758 : f32 to vector<1x256xf32>
    %select_n3A_2760 = arith.select %ne3A_2736, %div3A_2757, %broadcast_in_dim3A_2759 : vector<1x256xi1>, vector<1x256xf32>
    %mul3A_2761 = arith.mulf %select_n3A_2760, %select_n3A_2760 : vector<1x256xf32>
    %add3A_2762 = arith.constant 1.000000e+00 : f32
    %add3A_2763 = vector.broadcast %add3A_2762 : f32 to vector<1x256xf32>
    %add3A_2764 = arith.addf %add3A_2763, %mul3A_2761 : vector<1x256xf32>
    %rsqrt3A_2765 = math.rsqrt %add3A_2764 : vector<1x256xf32>
    %mul3A_2766 = arith.mulf %select_n3A_2760, %rsqrt3A_2765 : vector<1x256xf32>
    %mul3A_2767 = arith.mulf %rsqrt3A_2765, %add3A_2618 : vector<1x256xf32>
    %mul3A_2768 = arith.mulf %mul3A_2766, %add3A_2715 : vector<1x256xf32>
    %sub3A_2769 = arith.subf %mul3A_2767, %mul3A_2768 : vector<1x256xf32>
    %mul3A_2770 = arith.mulf %rsqrt3A_2765, %sub3A_2769 : vector<1x256xf32>
    %mul3A_2771 = arith.mulf %rsqrt3A_2765, %add3A_2715 : vector<1x256xf32>
    %mul3A_2772 = arith.mulf %mul3A_2766, %add3A_2701 : vector<1x256xf32>
    %sub3A_2773 = arith.subf %mul3A_2771, %mul3A_2772 : vector<1x256xf32>
    %mul3A_2774 = arith.mulf %mul3A_2766, %sub3A_2773 : vector<1x256xf32>
    %sub3A_2775 = arith.subf %mul3A_2770, %mul3A_2774 : vector<1x256xf32>
    %mul3A_2776 = arith.mulf %mul3A_2766, %add3A_2618 : vector<1x256xf32>
    %mul3A_2777 = arith.mulf %rsqrt3A_2765, %add3A_2715 : vector<1x256xf32>
    %add3A_2778 = arith.addf %mul3A_2776, %mul3A_2777 : vector<1x256xf32>
    %mul3A_2779 = arith.mulf %mul3A_2766, %add3A_2778 : vector<1x256xf32>
    %mul3A_2780 = arith.mulf %mul3A_2766, %add3A_2715 : vector<1x256xf32>
    %mul3A_2781 = arith.mulf %rsqrt3A_2765, %add3A_2701 : vector<1x256xf32>
    %add3A_2782 = arith.addf %mul3A_2780, %mul3A_2781 : vector<1x256xf32>
    %mul3A_2783 = arith.mulf %rsqrt3A_2765, %add3A_2782 : vector<1x256xf32>
    %add3A_2784 = arith.addf %mul3A_2779, %mul3A_2783 : vector<1x256xf32>
    %mul3A_2785 = arith.mulf %rsqrt3A_2765, %sub3A_2712 : vector<1x256xf32>
    %mul3A_2786 = arith.mulf %mul3A_2766, %add3A_2709 : vector<1x256xf32>
    %sub3A_2787 = arith.subf %mul3A_2785, %mul3A_2786 : vector<1x256xf32>
    %mul3A_2788 = arith.mulf %rsqrt3A_2765, %add3A_2638 : vector<1x256xf32>
    %mul3A_2789 = arith.mulf %mul3A_2766, %add3A_2721 : vector<1x256xf32>
    %sub3A_2790 = arith.subf %mul3A_2788, %mul3A_2789 : vector<1x256xf32>
    %mul3A_2791 = arith.mulf %mul3A_2766, %add3A_2638 : vector<1x256xf32>
    %mul3A_2792 = arith.mulf %rsqrt3A_2765, %add3A_2721 : vector<1x256xf32>
    %add3A_2793 = arith.addf %mul3A_2791, %mul3A_2792 : vector<1x256xf32>
    %mul3A_2794 = arith.mulf %rsqrt3A_2765, %add3A_2644 : vector<1x256xf32>
    %mul3A_2795 = arith.mulf %mul3A_2766, %add3A_2727 : vector<1x256xf32>
    %sub3A_2796 = arith.subf %mul3A_2794, %mul3A_2795 : vector<1x256xf32>
    %mul3A_2797 = arith.mulf %mul3A_2766, %add3A_2644 : vector<1x256xf32>
    %mul3A_2798 = arith.mulf %rsqrt3A_2765, %add3A_2727 : vector<1x256xf32>
    %add3A_2799 = arith.addf %mul3A_2797, %mul3A_2798 : vector<1x256xf32>
    %mul3A_2800 = arith.mulf %rsqrt3A_2765, %add3A_2650 : vector<1x256xf32>
    %mul3A_2801 = arith.mulf %mul3A_2766, %add3A_2733 : vector<1x256xf32>
    %sub3A_2802 = arith.subf %mul3A_2800, %mul3A_2801 : vector<1x256xf32>
    %mul3A_2803 = arith.mulf %mul3A_2766, %add3A_2650 : vector<1x256xf32>
    %mul3A_2804 = arith.mulf %rsqrt3A_2765, %add3A_2733 : vector<1x256xf32>
    %add3A_2805 = arith.addf %mul3A_2803, %mul3A_2804 : vector<1x256xf32>
    %ne3A_2806 = arith.constant 0.000000e+00 : f32
    %ne3A_2807 = vector.broadcast %ne3A_2806 : f32 to vector<1x256xf32>
    %ne3A_2808 = arith.cmpf one, %sub3A_2787, %ne3A_2807 : vector<1x256xf32>
    %sub3A_2809 = arith.subf %sub3A_2775, %sub3A_2692 : vector<1x256xf32>
    %mul3A_2810 = arith.constant 2.000000e+00 : f32
    %mul3A_2811 = vector.broadcast %mul3A_2810 : f32 to vector<1x256xf32>
    %mul3A_2812 = arith.mulf %mul3A_2811, %sub3A_2787 : vector<1x256xf32>
    %div3A_2813 = arith.divf %sub3A_2809, %mul3A_2812 : vector<1x256xf32>
    %ge3A_2814 = arith.constant 0.000000e+00 : f32
    %ge3A_2815 = vector.broadcast %ge3A_2814 : f32 to vector<1x256xf32>
    %ge3A_2816 = arith.cmpf oge, %div3A_2813, %ge3A_2815 : vector<1x256xf32>
    %jit3A_2817 = arith.constant 1.000000e+00 : f32
    %jit3A_2818 = arith.constant -1.000000e+00 : f32
    %broadcast_in_dim3A_2819 = vector.broadcast %jit3A_2817 : f32 to vector<1x256xf32>
    %broadcast_in_dim3A_2820 = vector.broadcast %jit3A_2818 : f32 to vector<1x256xf32>
    %select_n3A_2821 = arith.select %ge3A_2816, %broadcast_in_dim3A_2819, %broadcast_in_dim3A_2820 : vector<1x256xi1>, vector<1x256xf32>
    %abs3A_2822 = math.absf %div3A_2813 : vector<1x256xf32>
    %mul3A_2823 = arith.mulf %div3A_2813, %div3A_2813 : vector<1x256xf32>
    %add3A_2824 = arith.constant 1.000000e+00 : f32
    %add3A_2825 = vector.broadcast %add3A_2824 : f32 to vector<1x256xf32>
    %add3A_2826 = arith.addf %add3A_2825, %mul3A_2823 : vector<1x256xf32>
    %sqrt3A_2827 = math.sqrt %add3A_2826 : vector<1x256xf32>
    %add3A_2828 = arith.addf %abs3A_2822, %sqrt3A_2827 : vector<1x256xf32>
    %div3A_2829 = arith.divf %select_n3A_2821, %add3A_2828 : vector<1x256xf32>
    %jit3A_2830 = arith.constant 0.000000e+00 : f32
    %broadcast_in_dim3A_2831 = vector.broadcast %jit3A_2830 : f32 to vector<1x256xf32>
    %select_n3A_2832 = arith.select %ne3A_2808, %div3A_2829, %broadcast_in_dim3A_2831 : vector<1x256xi1>, vector<1x256xf32>
    %mul3A_2833 = arith.mulf %select_n3A_2832, %select_n3A_2832 : vector<1x256xf32>
    %add3A_2834 = arith.constant 1.000000e+00 : f32
    %add3A_2835 = vector.broadcast %add3A_2834 : f32 to vector<1x256xf32>
    %add3A_2836 = arith.addf %add3A_2835, %mul3A_2833 : vector<1x256xf32>
    %rsqrt3A_2837 = math.rsqrt %add3A_2836 : vector<1x256xf32>
    %mul3A_2838 = arith.mulf %select_n3A_2832, %rsqrt3A_2837 : vector<1x256xf32>
    %mul3A_2839 = arith.mulf %rsqrt3A_2837, %sub3A_2692 : vector<1x256xf32>
    %mul3A_2840 = arith.mulf %mul3A_2838, %sub3A_2787 : vector<1x256xf32>
    %sub3A_2841 = arith.subf %mul3A_2839, %mul3A_2840 : vector<1x256xf32>
    %mul3A_2842 = arith.mulf %rsqrt3A_2837, %sub3A_2841 : vector<1x256xf32>
    %mul3A_2843 = arith.mulf %rsqrt3A_2837, %sub3A_2787 : vector<1x256xf32>
    %mul3A_2844 = arith.mulf %mul3A_2838, %sub3A_2775 : vector<1x256xf32>
    %sub3A_2845 = arith.subf %mul3A_2843, %mul3A_2844 : vector<1x256xf32>
    %mul3A_2846 = arith.mulf %mul3A_2838, %sub3A_2845 : vector<1x256xf32>
    %sub3A_2847 = arith.subf %mul3A_2842, %mul3A_2846 : vector<1x256xf32>
    %mul3A_2848 = arith.mulf %mul3A_2838, %sub3A_2692 : vector<1x256xf32>
    %mul3A_2849 = arith.mulf %rsqrt3A_2837, %sub3A_2787 : vector<1x256xf32>
    %add3A_2850 = arith.addf %mul3A_2848, %mul3A_2849 : vector<1x256xf32>
    %mul3A_2851 = arith.mulf %mul3A_2838, %add3A_2850 : vector<1x256xf32>
    %mul3A_2852 = arith.mulf %mul3A_2838, %sub3A_2787 : vector<1x256xf32>
    %mul3A_2853 = arith.mulf %rsqrt3A_2837, %sub3A_2775 : vector<1x256xf32>
    %add3A_2854 = arith.addf %mul3A_2852, %mul3A_2853 : vector<1x256xf32>
    %mul3A_2855 = arith.mulf %rsqrt3A_2837, %add3A_2854 : vector<1x256xf32>
    %add3A_2856 = arith.addf %mul3A_2851, %mul3A_2855 : vector<1x256xf32>
    %mul3A_2857 = arith.mulf %rsqrt3A_2837, %sub3A_2718 : vector<1x256xf32>
    %mul3A_2858 = arith.mulf %mul3A_2838, %sub3A_2790 : vector<1x256xf32>
    %sub3A_2859 = arith.subf %mul3A_2857, %mul3A_2858 : vector<1x256xf32>
    %mul3A_2860 = arith.mulf %mul3A_2838, %sub3A_2718 : vector<1x256xf32>
    %mul3A_2861 = arith.mulf %rsqrt3A_2837, %sub3A_2790 : vector<1x256xf32>
    %add3A_2862 = arith.addf %mul3A_2860, %mul3A_2861 : vector<1x256xf32>
    %mul3A_2863 = arith.mulf %rsqrt3A_2837, %sub3A_2724 : vector<1x256xf32>
    %mul3A_2864 = arith.mulf %mul3A_2838, %sub3A_2796 : vector<1x256xf32>
    %sub3A_2865 = arith.subf %mul3A_2863, %mul3A_2864 : vector<1x256xf32>
    %mul3A_2866 = arith.mulf %mul3A_2838, %sub3A_2724 : vector<1x256xf32>
    %mul3A_2867 = arith.mulf %rsqrt3A_2837, %sub3A_2796 : vector<1x256xf32>
    %add3A_2868 = arith.addf %mul3A_2866, %mul3A_2867 : vector<1x256xf32>
    %mul3A_2869 = arith.mulf %rsqrt3A_2837, %sub3A_2730 : vector<1x256xf32>
    %mul3A_2870 = arith.mulf %mul3A_2838, %sub3A_2802 : vector<1x256xf32>
    %sub3A_2871 = arith.subf %mul3A_2869, %mul3A_2870 : vector<1x256xf32>
    %mul3A_2872 = arith.mulf %mul3A_2838, %sub3A_2730 : vector<1x256xf32>
    %mul3A_2873 = arith.mulf %rsqrt3A_2837, %sub3A_2802 : vector<1x256xf32>
    %add3A_2874 = arith.addf %mul3A_2872, %mul3A_2873 : vector<1x256xf32>
    %le3A_2875 = arith.cmpf ole, %sub3A_2847, %add3A_2856 : vector<1x256xf32>
    %le3A_2876 = arith.cmpf ole, %sub3A_2847, %add3A_2784 : vector<1x256xf32>
    %and3A_2877 = arith.andi %le3A_2875, %le3A_2876 : vector<1x256xi1>
    %not3A_2878 = arith.constant dense<true> : vector<1x256xi1>
    %not3A_2879 = arith.xori %and3A_2877, %not3A_2878 : vector<1x256xi1>
    %le3A_2880 = arith.cmpf ole, %add3A_2856, %add3A_2784 : vector<1x256xf32>
    %and3A_2881 = arith.andi %not3A_2879, %le3A_2880 : vector<1x256xi1>
    %select_n3A_2882 = arith.select %and3A_2881, %add3A_2862, %add3A_2793 : vector<1x256xi1>, vector<1x256xf32>
    %select_n3A_2883 = arith.select %and3A_2877, %sub3A_2859, %select_n3A_2882 : vector<1x256xi1>, vector<1x256xf32>
    %select_n3A_2884 = arith.select %and3A_2881, %add3A_2868, %add3A_2799 : vector<1x256xi1>, vector<1x256xf32>
    %select_n3A_2885 = arith.select %and3A_2877, %sub3A_2865, %select_n3A_2884 : vector<1x256xi1>, vector<1x256xf32>
    %select_n3A_2886 = arith.select %and3A_2881, %add3A_2874, %add3A_2805 : vector<1x256xi1>, vector<1x256xf32>
    %select_n3A_2887 = arith.select %and3A_2877, %sub3A_2871, %select_n3A_2886 : vector<1x256xi1>, vector<1x256xf32>
    %mul3A_2888 = arith.mulf %select_n3A_1427, %select_n3A_2883 : vector<1x256xf32>
    %mul3A_2889 = arith.mulf %select_n3A_1429, %select_n3A_2885 : vector<1x256xf32>
    %add3A_2890 = arith.addf %mul3A_2888, %mul3A_2889 : vector<1x256xf32>
    %mul3A_2891 = arith.mulf %select_n3A_1431, %select_n3A_2887 : vector<1x256xf32>
    %add3A_2892 = arith.addf %add3A_2890, %mul3A_2891 : vector<1x256xf32>
    %mul3A_2893 = arith.mulf %select_n3A_1427, %select_n3A_1427 : vector<1x256xf32>
    %mul3A_2894 = arith.mulf %select_n3A_1429, %select_n3A_1429 : vector<1x256xf32>
    %add3A_2895 = arith.addf %mul3A_2893, %mul3A_2894 : vector<1x256xf32>
    %mul3A_2896 = arith.mulf %select_n3A_1431, %select_n3A_1431 : vector<1x256xf32>
    %add3A_2897 = arith.addf %add3A_2895, %mul3A_2896 : vector<1x256xf32>
    %sqrt3A_2898 = math.sqrt %add3A_2897 : vector<1x256xf32>
    %max3A = arith.constant 9.99999993E-9 : f32
    %max3A_2899 = vector.broadcast %max3A : f32 to vector<1x256xf32>
    %max3A_2900 = arith.maximumf %sqrt3A_2898, %max3A_2899 : vector<1x256xf32>
    %mul3A_2901 = arith.mulf %select_n3A_2883, %select_n3A_2883 : vector<1x256xf32>
    %mul3A_2902 = arith.mulf %select_n3A_2885, %select_n3A_2885 : vector<1x256xf32>
    %add3A_2903 = arith.addf %mul3A_2901, %mul3A_2902 : vector<1x256xf32>
    %mul3A_2904 = arith.mulf %select_n3A_2887, %select_n3A_2887 : vector<1x256xf32>
    %add3A_2905 = arith.addf %add3A_2903, %mul3A_2904 : vector<1x256xf32>
    %sqrt3A_2906 = math.sqrt %add3A_2905 : vector<1x256xf32>
    %max3A_2907 = arith.constant 9.99999993E-9 : f32
    %max3A_2908 = vector.broadcast %max3A_2907 : f32 to vector<1x256xf32>
    %max3A_2909 = arith.maximumf %sqrt3A_2906, %max3A_2908 : vector<1x256xf32>
    %mul3A_2910 = arith.mulf %max3A_2900, %max3A_2909 : vector<1x256xf32>
    %div3A_2911 = arith.divf %add3A_2892, %mul3A_2910 : vector<1x256xf32>
    %sub3A_2912 = arith.constant 1.000000e+00 : f32
    %sub3A_2913 = vector.broadcast %sub3A_2912 : f32 to vector<1x256xf32>
    %sub3A_2914 = arith.subf %sub3A_2913, %div3A_2911 : vector<1x256xf32>
    %reduce_sum3A = vector.shape_cast %sub3A_2914 : vector<1x256xf32> to vector<1x1x256xf32>
    %reduce_sum3A_2915 = arith.constant dense<0.000000e+00> : vector<1xf32>
    %reduce_sum3A_2916 = vector.multi_reduction <add>, %reduce_sum3A, %reduce_sum3A_2915 [1, 2] : vector<1x1x256xf32> to vector<1xf32>
    %reduce_sum3A_2917 = vector.shape_cast %reduce_sum3A_2916 : vector<1xf32> to vector<1x1x1xf32>
    %reduce_sum3A_2918 = vector.extract %reduce_sum3A_2917[0, 0, 0] : f32 from vector<1x1x1xf32>
    %reshape3A_2919 = vector.broadcast %reduce_sum3A_2918 : f32 to vector<1x1x1x1xf32>
    %broadcast_in_dim3A_2920 = vector.shape_cast %reshape3A_2919 : vector<1x1x1x1xf32> to vector<1x1x1x1xf32>
    %broadcast_in_dim3A_2921 = vector.broadcast %broadcast_in_dim3A_2920 : vector<1x1x1x1xf32> to vector<1x1x1x128xf32>
    %swap3A = arith.constant 0 : index
    %swap3A_2922 = arith.constant 0 : index
    %swap3A_2923 = arith.constant 0 : index
    %swap3A_2924 = arith.constant 0 : index
    %swap3A_2925 = vector.load %arg6[%swap3A, %swap3A_2922, %swap3A_2923, %swap3A_2924] : memref<1x1x1x128xf32, #tpu.memory_space<vmem>>, vector<1x1x1x128xf32>
    tpu.vector_store %arg6[%swap3A, %swap3A_2922, %swap3A_2923, %swap3A_2924], %broadcast_in_dim3A_2921 {strides = array<i32>} : memref<1x1x1x128xf32, #tpu.memory_space<vmem>>, vector<1x1x1x128xf32>,
    return
  }
  func.func @transform_0(%arg0: i32, %arg1: i32) -> (i32, i32, i32) {
    %c0_i32 = arith.constant 0 : i32
    %c0_i32_0 = arith.constant 0 : i32
    %c0_i32_1 = arith.constant 0 : i32
    return %arg0, %c0_i32, %c0_i32_0 : i32, i32, i32
  }
  func.func @transform_1(%arg0: i32, %arg1: i32) -> (i32, i32, i32) {
    %c0_i32 = arith.constant 0 : i32
    %c0_i32_0 = arith.constant 0 : i32
    return %arg0, %c0_i32, %arg1 : i32, i32, i32
  }
  func.func @transform_2(%arg0: i32, %arg1: i32) -> (i32, i32, i32) {
    %c0_i32 = arith.constant 0 : i32
    %c0_i32_0 = arith.constant 0 : i32
    %c0_i32_1 = arith.constant 0 : i32
    return %arg0, %c0_i32, %c0_i32_0 : i32, i32, i32
  }
  func.func @transform_3(%arg0: i32, %arg1: i32) -> (i32, i32, i32) {
    %c0_i32 = arith.constant 0 : i32
    %c0_i32_0 = arith.constant 0 : i32
    return %arg0, %c0_i32, %arg1 : i32, i32, i32
  }
  func.func @transform_4(%arg0: i32, %arg1: i32) -> (i32, i32, i32, i32) {
    %c0_i32 = arith.constant 0 : i32
    %c0_i32_0 = arith.constant 0 : i32
    %c0_i32_1 = arith.constant 0 : i32
    return %arg0, %arg1, %c0_i32, %c0_i32_0 : i32, i32, i32, i32
  }
}

</mosaic_0001>

<sc_bundles>
// kernel: kernel.4.cloned.1.call-start
scs
__scs_entry_jumppad:
0x0: {  	(pc) =	sbr.rel $0x88, $3  }
0x1: {  	(tag) =	ssettag $0x0;
	lr =	simm.s32 $0x1  }
0x2: {  	[smem:$0x3F9E] =	sst lr;
	_ =	strace $0xD0000000  }
0x3: {  	_ = 	snop  }
0x4: {  	_ = 	snop  }
0x5: {  	_ = 	snop  }
0x6: {  	_ = 	snop  }
0x7: {  	_ = 	snop  }
__scs_overlays_trampoline_lowered:
0x8: {  	[smem:$0x3FAD] =	sst s0  }
0x9: {  	[smem:$0x3FAE] =	sst s1  }
0xa: {  	[smem:$0x3FAF] =	sst s2  }
0xb: {  	[smem:$0x3FB0] =	sst s3  }
0xc: {  	[smem:$0x3FB1] =	sst s4  }
0xd: {  	[smem:$0x3FB2] =	sst s5  }
0xe: {  	[smem:$0x3FB3] =	sst s6  }
0xf: {  	[smem:$0x3FB4] =	sst s7  }
0x10: {  	[smem:$0x3FB5] =	sst s8  }
0x11: {  	[smem:$0x3FB6] =	sst s9;
	s0 =	simm.s32 @!p0 $0x0  }
0x12: {  	s1 =	sld [smem:$0x3F9C];
	s0 =	simm.s32 @p0 $0x1  }
0x13: {  	[smem:$0x3FB7] =	sst s0;
	s0 =	simm.s32 @!p1 $0x0  }
0x14: {  	s2 =	sld [smem:$0x3F9B];
	s0 =	simm.s32 @p1 $0x1  }
0x15: {  	[smem:$0x3FB8] =	sst s0;
	s0 =	simm.s32 @!p2 $0x0  }
0x16: {  	s3 =	sld [smem:$0x3FDB];
	s0 =	simm.s32 @p2 $0x1  }
0x17: {  	s4 =	simm.s32 $0x1BF5;
	[smem:$0x3FBA] =	sst s0  }
0x18: {  	s0 =	sld [smem:$0x3F9D];
	_ =	swait.ge [sflag:s4], $0x0  }
0x19: {  	s7 =	sld [smem:$0x3F9E]  }
0x1a: {  	s8 =	sadd.s32 $0xFFFFE003, lr  }
0x1b: {  	s9 =	sadd.s32 $0xFFFFFEF7, lr;
	s5 =	simm.s32 $0xFFFFFFFF;
	p2 =	slt.u32 s8, $0xFFFFF086  }
0x1c: {  	p1 =	slt.u32 s9, $0xF7A;
	s5 =	simm.s32 @!p2 $0x0  }
0x1d: {  	s5 =	simm.s32 @p1 $0x1;
	p0 =	seq.s32 s7, s2  }
0x1e: {  	s7 =	smul.u32 @!p0 $0xF7A, s2;
	p2 =	seq.s32 @!p0 s5, $0x0  }
0x1f: {  	s9 =	smul.u32 $0xF7A, s1;
	s8 =	simm.s32 @!p0 $0x1BF5;
	p2 =	por !p2, p0  }
0x20: {  	[sflag:s8] =	ssyncset.s32 @!p0 $0xFFFFF086;
	s6 =	sadd.s32 @!p0 s3, s7;
	s7 =	simm.s32 @!p0 $0x108  }
0x21: {  	s3 =	sadd.s32 s3, s9;
	s6 =	sadd.s32 @!p0 $0x88, s6;
	s7 =	simm.s32 @p2 $0x1082  }
0x22: {  	[simem:s7], [sflag:s8] =	dma.local @!p0 [hbm:s6], $0xF7A  }
0x23: {  	s9 =	sor.u32 $0xD0000000, s2;
	s6 =	simm.s32 $0x108;
	_ =	swait.ge @!p0 [sflag:s8], $0x0  }
0x24: {  	s3 =	sadd.s32 $0x88, s3;
	s6 =	simm.s32 @!p1 $0x1082;
	[sflag:s4] =	ssyncset.s32 $0xFFFFF086  }
0x25: {  	[simem:s6], [sflag:s4] =	dma.local [hbm:s3], $0xF7A  }
0x26: {  	[smem:$0x3F9E] =	sst s1;
	(tag) =	ssettag s2;
	_ =	strace s9  }
0x27: {  	s1 =	sld [smem:$0x3FAE]  }
0x28: {  	s2 =	sld [smem:$0x3FAF]  }
0x29: {  	s4 =	sld [smem:$0x3FB1]  }
0x2a: {  	p0 =	seq.s32 s5, $0x0;
	s5 =	sld [smem:$0x3FB2]  }
0x2b: {  	s6 =	sld [smem:$0x3FB3]  }
0x2c: {  	s7 =	sld [smem:$0x3FB4]  }
0x2d: {  	s3 =	simm.s32 $0x108;
	s8 =	sld [smem:$0x3FB5]  }
0x2e: {  	s3 =	simm.s32 @!p0 $0x1082;
	s9 =	sld [smem:$0x3FB6]  }
0x2f: {  	lr =	sadd.s32 s0, s3;
	s0 =	sld [smem:$0x3FAD]  }
0x30: {  	s3 =	sld [smem:$0x3FB0]  }
0x31: {  	[smem:$0x3FB9] =	sst s10  }
0x32: {  	s10 =	sld [smem:$0x3FB7];
	_ =	sdelay $0x3  }
0x33: {  	p0 =	seq.s32 s10, $0x1;
	s10 =	sld [smem:$0x3FB9];
	_ =	sdelay $0x3  }
0x34: {  	[smem:$0x3FB9] =	sst s10  }
0x35: {  	s10 =	sld [smem:$0x3FB8];
	_ =	sdelay $0x3  }
0x36: {  	p1 =	seq.s32 s10, $0x1;
	s10 =	sld [smem:$0x3FB9];
	_ =	sdelay $0x3  }
0x37: {  	[smem:$0x3FB9] =	sst s10  }
0x38: {  	s10 =	sld [smem:$0x3FBA]  }
0x39: {  	_ = 	snop;
	(pc) =	sbr.ind lr, $3  }
0x3a: {  	_ = 	snop  }
0x3b: {  	_ = 	snop  }
0x3c: {  	p2 =	seq.s32 s10, $0x1;
	s10 =	sld [smem:$0x3FB9]  }
0x3d: {  	_ =	shalt  }
0x3e: {  	_ =	shalt  }
0x3f: {  	_ =	shalt  }
0x40: {  	_ =	shalt  }
0x41: {  	_ =	shalt  }
0x42: {  	_ =	shalt  }
0x43: {  	_ =	shalt  }
0x44: {  	_ =	shalt  }
0x45: {  	_ =	shalt  }
0x46: {  	_ =	shalt  }
0x47: {  	_ =	shalt  }
0x48: {  	_ =	shalt  }
0x49: {  	_ =	shalt  }
0x4a: {  	_ =	shalt  }
0x4b: {  	_ =	shalt  }
0x4c: {  	_ =	shalt  }
0x4d: {  	_ =	shalt  }
0x4e: {  	_ =	shalt  }
0x4f: {  	_ =	shalt  }
0x50: {  	_ =	shalt  }
0x51: {  	_ =	shalt  }
0x52: {  	_ =	shalt  }
0x53: {  	_ =	shalt  }
0x54: {  	_ =	shalt  }
0x55: {  	_ =	shalt  }
0x56: {  	_ =	shalt  }
0x57: {  	_ =	shalt  }
0x58: {  	_ =	shalt  }
0x59: {  	_ =	shalt  }
0x5a: {  	_ =	shalt  }
0x5b: {  	_ =	shalt  }
0x5c: {  	_ =	shalt  }
0x5d: {  	_ =	shalt  }
0x5e: {  	_ =	shalt  }
0x5f: {  	_ =	shalt  }
0x60: {  	_ =	shalt  }
0x61: {  	_ =	shalt  }
0x62: {  	_ =	shalt  }
0x63: {  	_ =	shalt  }
0x64: {  	_ =	shalt  }
0x65: {  	_ =	shalt  }
0x66: {  	_ =	shalt  }
0x67: {  	_ =	shalt  }
0x68: {  	_ =	shalt  }
0x69: {  	_ =	shalt  }
0x6a: {  	_ =	shalt  }
0x6b: {  	_ =	shalt  }
0x6c: {  	_ =	shalt  }
0x6d: {  	_ =	shalt  }
0x6e: {  	_ =	shalt  }
0x6f: {  	_ =	shalt  }
0x70: {  	_ =	shalt  }
0x71: {  	_ =	shalt  }
0x72: {  	_ =	shalt  }
0x73: {  	_ =	shalt  }
0x74: {  	_ =	shalt  }
0x75: {  	_ =	shalt  }
0x76: {  	_ =	shalt  }
0x77: {  	_ =	shalt  }
0x78: {  	_ =	shalt  }
0x79: {  	_ =	shalt  }
0x7a: {  	_ =	shalt  }
0x7b: {  	_ =	shalt  }
0x7c: {  	_ =	shalt  }
0x7d: {  	_ =	shalt  }
0x7e: {  	_ =	shalt  }
0x7f: {  	_ =	shalt  }
0x80: {  	_ =	shalt  }
0x81: {  	_ =	shalt  }
0x82: {  	_ =	shalt  }
0x83: {  	_ =	shalt  }
0x84: {  	_ =	shalt  }
0x85: {  	_ =	shalt  }
0x86: {  	_ =	shalt  }
0x87: {  	_ =	shalt  }
.Lfunc_end0:
.L_simem_size_0:
called_computation_lowered:
.L_overlay_start_0:
0x88: {  	s2 =	sld [smem:$0x3FD9]  }
0x89: {  	s3 =	sld [smem:$0x3FFE];
	_ =	sdelay $0x1  }
0x8a: {  	s1 =	srdreg.scid  }
0x8b: {  	s0 =	sand.u32 $0x1, s1  }
0x8c: {  	s16 =	sshll.u32 s0, $0xA;
	s2 =	sadd.s32 s3, s2  }
0x8d: {  	s2 =	sadd.s32 s2, s16  }
0x8e: {  	[smem:$0x3FC5] =	sst s2  }
0x8f: {  	_ = 	snop  }
0x90: {  	(tm) =	ssettm $0x1  }
0x91: {  	s17 =	sld [smem:$0x3FFB];
	_ =	sdelay $0x3  }
0x92: {  	_ =	strace s17  }
0x93: {  	s2 =	sld [smem:$0x3FFC];
	_ =	sdelay $0x3  }
0x94: {  	_ =	strace s2  }
0x95: {  	s2 =	sld [smem:$0x3FFD];
	_ =	sdelay $0x3  }
0x96: {  	_ =	strace s2  }
0x97: {  	_ =	strace $0x8FFFFFFF  }
0x98: {  	s18 =	sld [smem:$0x3FDB];
	_ =	sdelay $0x1  }
0x99: {  	s19 =	simm.s32 $_scs_section_size  }
0x9a: {  	s4 =	simm.s32 $_size__tile_overlayer_lowered;
	s5 =	simm.s32 $_tile_overlayer_lowered  }
0x9b: {  	s22 =	simm.s32 $0x1BFF;
	s21 =	sshll.u32 s5, $0x1;
	s2 =	sadd.s32 s19, s18  }
0x9c: {  	s6 =	simm.s32 $0x0;
	s20 =	sshll.u32 s4, $0x1;
	s4 =	sadd.s32 s21, s2  }
0x9d: {  	[timem:s6], [sflag:s22] =	dma.local [hbm:s4], s20  }
0x9e: {  	_ =	swait.ge [sflag:s22], s20  }
0x9f: {  	s3 =	ssub.s32 $0x0, s20;
	[sflag:s22] =	ssyncset.done $0x0  }
0xa0: {  	[sflag:s22] =	ssyncadd.s32 s3;
	_ =	sdelay $0x1  }
0xa1: {  	s23 =	simm.s32 $0x1B8B  }
0xa2: {  	_ =	swait.ge [sflag:s23], $0x1  }
0xa3: {  	[sflag:s23] =	ssyncset.done $0x0  }
0xa4: {  	s25 =	simm.s32 $0x1B8E;
	s24 =	sld [smem:$0x3FFE];
	[sflag:s23] =	ssyncadd.s32 $0xFFFFFFFF  }
0xa5: {  	s26 =	simm.s32 $execute0_lowered;
	[smem:$0x3FD2] =	sst s25  }
0xa6: {  	s4 =	sshll.u32 s26, $0x1;
	_ =	strace $0x80000046;
	[dreg:$0x1] =	wrdreg $0xFFFFFFFF  }
0xa7: {  	s28 =	simm.s32 $_size_execute0_lowered;
	s2 =	sadd.s32 s2, s4;
	[dreg:$0x0] =	wrdreg $0x0  }
0xa8: {  	s4 =	sshll.u32 s28, $0x1;
	[dreg:$0x2] =	wrdreg s2  }
0xa9: {  	[dreg:$0x3] =	wrdreg s4  }
0xaa: {  	[dreg:$0x4] =	wrdreg $0xC0  }
0xab: {  	_ =	task [dreg:s6], $0x5FFFF  }
0xac: {  	[dreg:$0x1] =	wrdreg $0xFFFFFFFF  }
0xad: {  	[dreg:$0x0] =	wrdreg $0x60  }
0xae: {  	[dreg:$0x2] =	wrdreg s24  }
0xaf: {  	[dreg:$0x3] =	wrdreg $0x9  }
0xb0: {  	_ =	task.clear_ibuf [dreg:s6], $0x4FFFF;
	_ =	strace $0x90000046  }
0xb1: {  	s29 =	simm.s32 $0x9;
	_ =	strace $0x80000048  }
0xb2: {  	_ =	swait.ge [sflag:s29], $0x1  }
0xb3: {  	[sflag:s29] =	ssyncadd.s32 $0xFFFFFFFF  }
0xb4: {  	_ =	strace $0x90000048  }
0xb5: {  	_ =	sfence  }
0xb6: {  	s30 =	sld [smem:$0x0];
	_ =	sdelay $0x2  }
0xb7: {  	s31 =	sshll.u32 s1, $0xD;
	s1 =	sshrl.u32 s1, $0x2  }
0xb8: {  	s3 =	sand.u32 $0x4000, s31;
	s1 =	sadd.s32 s1, s30  }
0xb9: {  	s0 =	sor.u32 s3, s0;
	s1 =	sshll.u32 s1, $0x11  }
0xba: {  	s0 =	sor.u32 s1, s0  }
0xbb: {  	s0 =	sadd.s32 $0x8F2B, s0  }
0xbc: {  	[sflag:s0] =	ssyncadd.remote.s32 $0x1  }
0xbd: {  	_ =	sfence.sel $0xFFFF  }
0xbe: {  	[dreg:$0x0] =	wrdreg $0xFFFFFFFF;
	(pc) =	sbr.abs _section_cstart, $3  }
0xbf: {  	[dreg:$0x1] =	wrdreg $0xFFFFFFFF  }
0xc0: {  	_ =	task.clear_ibuf [dreg:s6], $0x2FFFF;
	_ =	strace $0x9FFFFFFF  }
0xc1: {  	(tm) =	ssettm $0x7FFFFFFF  }
tec
execute0_lowered:
.L_overlay_start_1:
0x0: {  	(tag) =	ssettag $0x1  }
0x1: {  	s1 =	srdreg.scid  }
0x2: {  	s0 =	stileid.u32;
	s6 =	sand.u32 $0x1, s1  }
0x3: {  	s8 =	rddreg [dreg:$0x0];
	s30 =	sshll.u32 s0, $0x9;
	s2 =	sshll.u32 s6, $0x8  }
0x4: {  	s7 =	simm.s32 $0x1;
	s1 =	rddreg [dreg:$0x1];
	s9 =	sor.u32 s2, s30  }
0x5: {  	s5 =	sadd.s32 $0x400, s8;
	s2 =	simm.s32 $0x0;
	s3 =	sshrl.u32 s9, $0x3  }
0x6: {  	s10 =	ssub.s32 $0x2, s6;
	[smem:$0x7FF] =	sst s2;
	s3 =	sadd.s32 s3, s8  }
0x7: {  	_ =	strace $0x80000047;
	s4 =	sadd.s32 $0x4400, s3;
	s3 =	simm.s32 $0x2  }
0x8: {  	[tilespmem:s2], [sflag:$0x2] =	stream.linear.gather [hbm4b:s4+s2], $0x100, $0x38;
	[tilespmem:$0x1100] =	vst v63  }
0x9: {  	s6 =	simm.s32 $0x100;
	s11 =	sshrl.u32 s10, $0x1;
	_ =	swait.ge [sflag:s3], $0x100  }
0xa: {  	s9 =	sshll.u32 s9, $0x1;
	s31 =	ssub.s32 s10, s11;
	[sflag:s3] =	ssyncset.done $0x0  }
0xb: {  	s8 =	sadd.s32 s9, s8;
	s9 =	smax.u32 s31, $0x1;
	[sflag:s3] =	ssyncadd.s32 $0xFFFFFF00  }
0xc: {  	[tilespmem:s6], [sflag:$0x1] =	stream.indirect.gather [hbm4b:s5+s6], $0x10, s2, s6, $0xb8;
	[tilespmem:$0x1100] =	vst v63  }
0xd: {  	p0 =	sne.s32 s9, $0x1;
	_ =	swait.ge [sflag:s7], $0x1000  }
.Ltmp0:
0xe: {  	[sflag:s7] =	ssyncset.done $0x0;
	(pc) =	sbr.rel @!p0 .LBB2_2-.Ltmp0, $4  }
0xf: {  	s8 =	sadd.s32 $0x4800, s8;
	[sflag:s7] =	ssyncadd.s32 $0xFFFFF000  }
0x10: {  	[hbm4b:s8+s2] =	stream.linear.scatter [tilespmem:s6], [sflag:$0x2], $0x1000, $0x38;
	[tilespmem:$0x1100] =	vst v63  }
0x11: {  	_ =	swait.ge [sflag:s3], $0x1000  }
0x12: {  	s9 =	sadd.s32 $0xFFFFFFFF, s9;
	[sflag:s3] =	ssyncset.done $0x0  }
.LBB2_1:
0x13: {  	p0 =	sne.s32 s9, $0x1;
	s9 =	sadd.s32 $0xFFFFFFFF, s9;
	[sflag:s3] =	ssyncadd.s32 $0xFFFFF000  }
0x14: {  	[tilespmem:s2], [sflag:$0x2] =	stream.linear.gather [hbm4b:s4+s2], $0x100, $0x38;
	[tilespmem:$0x1100] =	vst v63  }
0x15: {  	_ =	swait.ge [sflag:s3], $0x100  }
0x16: {  	[sflag:s3] =	ssyncset.done $0x0  }
0x17: {  	[sflag:s3] =	ssyncadd.s32 $0xFFFFFF00  }
0x18: {  	[tilespmem:s6], [sflag:$0x1] =	stream.indirect.gather [hbm4b:s5+s6], $0x10, s2, s6, $0xb8;
	[tilespmem:$0x1100] =	vst v63  }
0x19: {  	_ =	swait.ge [sflag:s7], $0x1000  }
.Ltmp1:
0x1a: {  	[sflag:s7] =	ssyncset.done $0x0;
	(pc) =	sbr.rel @p0 .LBB2_1-.Ltmp1, $4  }
0x1b: {  	[sflag:s7] =	ssyncadd.s32 $0xFFFFF000  }
0x1c: {  	[hbm4b:s8+s2] =	stream.linear.scatter [tilespmem:s6], [sflag:$0x2], $0x1000, $0x38;
	[tilespmem:$0x1100] =	vst v63  }
0x1d: {  	_ =	swait.ge [sflag:s3], $0x1000  }
0x1e: {  	[sflag:s3] =	ssyncset.done $0x0  }
.LBB2_2:
0x1f: {  	[sflag:s3] =	ssyncadd.s32 $0xFFFFF000  }
0x20: {  	_ =	sfence.sel $0x180000  }
0x21: {  	[bflag:$0x0] =	sbarrier.arrive $0xFFFF  }
0x22: {  	p0 =	sne.s32 s0, $0x0;
	_ =	strace $0x90000047  }
0x23: {  	s0 =	sadd.s32 @!p0 $0x100000, s1;
	[bflag:$0x2] =	sbarrier.arrive $0xFFFF  }
0x24: {  	[sflag:s0] =	ssyncadd.tile.s32 @!p0 $0x1;
	_ =	shalt  }
.Lfunc_end2:
_tile_overlayer_lowered:
.L_overlay_start_2:
0x25: {  	(tag) =	ssettag $0x2  }
0x26: {  	s0 =	rddreg [dreg:$0x0];
	s2 =	stileid.u32  }
0x27: {  	s1 =	rddreg [dreg:$0x1];
	p0 =	sne.s32 s2, $0x0  }
0x28: {  	s3 =	rddreg [dreg:$0x2];
	[bflag:$0x3] =	sbarrier.arrive $0xFFFF;
	s2 =	simm.s32 @!p0 $0x1C02  }
0x29: {  	[timem:s3], [sflag:s2] =	dma.local @!p0 [hbm:s0], s1  }
0x2a: {  	s0 =	simm.s32 @!p0 $0x2  }
0x2b: {  	_ =	swait.ge @!p0 [sflag:s0], s1  }
0x2c: {  	s1 =	ssub.s32 @!p0 $0x0, s1;
	[sflag:s0] =	ssyncset.done @!p0 $0x0  }
0x2d: {  	[sflag:s0] =	ssyncadd.s32 @!p0 s1  }
0x2e: {  	[bflag:$0x3] =	sbarrier.arrive $0xFFFF  }
0x2f: {  	_ =	shalt  }

</sc_bundles>
